<compile_context>
chip_gen: v7x
topology: tpu7x:2x2x1
jax: 0.10.2.dev20260603
libtpu: 0.0.44.dev20260713+nightly
codegen_flags: <defaults>
</compile_context>

<pallas_src>
import functools

import jax
import jax.numpy as jnp
from jax import lax
from jax.experimental import pallas as pl
from jax.experimental.pallas import tpu as pltpu
from jax.experimental.pallas import tpu_sc as plsc

H = 24
W = 24
HALF = 64
EMBED = 128
P = H * W
R = 2 * H - 1
NW = 32


JB = 12


def _build_body(tx_ref, ty_ref, out_ref):
    j0 = pl.program_id(0) * JB
    cols = lax.broadcasted_iota(jnp.int32, (JB, W, R), 2)
    aa = lax.broadcasted_iota(jnp.int32, (JB, W, R), 0)
    ll = lax.broadcasted_iota(jnp.int32, (JB, W, R), 1)
    onehot = jnp.where(cols == 23 - j0 - aa + ll, 1.0, 0.0).astype(jnp.float32)
    shifted = jax.lax.dot_general(
        onehot.reshape(JB * W, R),
        ty_ref[...],
        (((1,), (0,)), ((), ())),
        precision=jax.lax.Precision.HIGHEST,
        preferred_element_type=jnp.float32,
    ).reshape(JB, W, HALF)
    out_ref[:, :, :, :HALF] = jnp.broadcast_to(
        tx_ref[...][None, :, None, :], (JB, R, W, HALF)
    )
    out_ref[:, :, :, HALF:] = jnp.broadcast_to(
        shifted[:, None, :, :], (JB, R, W, HALF)
    )


G = 12
NG = H // G
C = 2
KC = H // C
NUNITS = W * NG * C
UPW = NUNITS // NW
WROWS = KC + G - 1


def _sc_body(s_hbm, out_hbm, buf_v, wsem):
    c_id = lax.axis_index("c")
    s_id = lax.axis_index("s")
    wid = s_id * 2 + c_id

    writes = []
    for m in range(UPW):
        u = wid * UPW + m
        jj = lax.div(u, NG * C)
        rem = lax.rem(u, NG * C)
        g = lax.div(rem, C)
        c = lax.rem(rem, C)
        i0 = g * G
        k0 = c * KC
        for wr in writes:
            wr.wait()
        writes = []
        pltpu.sync_copy(
            s_hbm.at[jj, pl.ds(KC - i0 + k0, WROWS)], buf_v
        )
        for d in range(G):
            p = (i0 + d) * W + jj
            writes.append(
                pltpu.async_copy(
                    buf_v.at[pl.ds(G - 1 - d, KC)],
                    out_hbm.at[p, pl.ds(k0, KC)],
                    wsem,
                )
            )
    for wr in writes:
        wr.wait()


@functools.cache
def _sc_call():
    mesh = plsc.VectorSubcoreMesh(
        core_axis_name="c", subcore_axis_name="s", num_cores=2, num_subcores=16
    )
    return pl.kernel(
        _sc_body,
        out_type=jax.ShapeDtypeStruct((P, H, W, EMBED), jnp.float32),
        mesh=mesh,
        scratch_types=[
            pltpu.VMEM((WROWS, W, EMBED), jnp.float32),
            pltpu.SemaphoreType.DMA,
        ],
    )


@jax.jit
def kernel(table_x, table_y):
    s_tab = pl.pallas_call(
        _build_body,
        grid=(W // JB,),
        in_specs=[
            pl.BlockSpec((R, HALF), lambda d: (0, 0)),
            pl.BlockSpec((R, HALF), lambda d: (0, 0)),
        ],
        out_specs=pl.BlockSpec((JB, R, W, EMBED), lambda d: (d, 0, 0, 0)),
        out_shape=jax.ShapeDtypeStruct((W, R, W, EMBED), jnp.float32),
        compiler_params=pltpu.CompilerParams(
            dimension_semantics=("parallel",)
        ),
    )(table_x, table_y)
    out128 = _sc_call()(s_tab)
    return out128.reshape(P, P, EMBED)

# --- scband reference (transcript-rebuilt; emitter-appended) ---
"""Pipeline reference for scband-relative-position2d-85779086835882 (READ-ONLY COPY).

The authoritative reference and input builder live on the scoring server;
editing this copy changes nothing except your own understanding.
"""

import jax, jax.numpy as jnp
import numpy as np

H, W = 24, 24
EMBED_DIM = 128
HALF = EMBED_DIM // 2
MAX_X = H - 1
MAX_Y = W - 1


def setup_inputs(seed: int = 0) -> dict:
    key = jax.random.key(seed)
    k1, k2 = jax.random.split(key)
    rows_x = 2 * MAX_X + 1
    lim_x = float(np.sqrt(6.0 / (rows_x + HALF)))
    table_x = jax.random.uniform(k1, (rows_x, HALF), minval=-lim_x, maxval=lim_x, dtype=jnp.float32)
    rows_y = 2 * MAX_Y + 1
    lim_y = float(np.sqrt(6.0 / (rows_y + HALF)))
    table_y = jax.random.uniform(k2, (rows_y, HALF), minval=-lim_y, maxval=lim_y, dtype=jnp.float32)
    return {"table_x": table_x, "table_y": table_y}


def _rel1d(table, length, max_rel):
    rv = jnp.arange(length)
    dist = rv[None, :] - rv[:, None]
    idx = jnp.clip(dist, -max_rel, max_rel) + max_rel
    return jnp.take(table, idx, axis=0)


def reference(table_x, table_y):
    x_emb = _rel1d(table_x, H, MAX_X)  # (H, H, HALF)
    y_emb = _rel1d(table_y, W, MAX_Y)  # (W, W, HALF)
    x_pos = jnp.broadcast_to(x_emb[:, None, :, None, :], (H, W, H, W, HALF))
    y_pos = jnp.broadcast_to(y_emb[None, :, None, :, :], (H, W, H, W, HALF))
    out = jnp.concatenate([x_pos, y_pos], axis=-1).reshape(H * W, H * W, EMBED_DIM)
    return out

if __name__ == "__main__":
    import jax
    _d = setup_inputs()
    print(jax.jit(kernel)(*tuple(_d.values())))

</pallas_src>

<mosaic_0001>
#map = affine_map<(d0, d1) -> (0, 0, 0, 0)>
module attributes {stable_mosaic.version = 14 : i64} {
  func.func @_sc_body(%arg0: i32, %arg1: i32, %arg2: memref<24x47x24x128xf32, #tpu.memory_space<hbm>>, %arg3: memref<576x24x24x128xf32, #tpu.memory_space<hbm>>, %arg4: memref<23x24x128xf32, #tpu.memory_space<vmem>>, %arg5: memref<!tpu.dma_semaphore, #tpu.memory_space<semaphore_mem>>) attributes {dimension_semantics = [#tpu.dimension_semantics<core_parallel>, #tpu.dimension_semantics<subcore_parallel>], iteration_bounds = array<i64: 2, 16>, scalar_prefetch = 0 : i64, scratch_operands = 2 : i64, tpu.core_type = #tpu.core_type<sc_vector_subcore>, window_params = [{transform_indices = #map}, {transform_indices = #map}]} {
    %mul3A = arith.constant 2 : i32
    %mul3A_0 = arith.muli %arg1, %mul3A : i32
    %add3A = arith.addi %mul3A_0, %arg0 : i32
    %mul3A_1 = arith.constant 3 : i32
    %mul3A_2 = arith.muli %add3A, %mul3A_1 : i32
    %add3A_3 = arith.constant 0 : i32
    %add3A_4 = arith.addi %mul3A_2, %add3A_3 : i32
    %div3A = arith.constant 4 : i32
    %div3A_5 = arith.divsi %add3A_4, %div3A : i32
    %rem3A = arith.constant 4 : i32
    %rem3A_6 = arith.remsi %add3A_4, %rem3A : i32
    %div3A_7 = arith.constant 2 : i32
    %div3A_8 = arith.divsi %rem3A_6, %div3A_7 : i32
    %rem3A_9 = arith.constant 2 : i32
    %rem3A_10 = arith.remsi %rem3A_6, %rem3A_9 : i32
    %mul3A_11 = arith.constant 12 : i32
    %mul3A_12 = arith.muli %div3A_8, %mul3A_11 : i32
    %mul3A_13 = arith.constant 12 : i32
    %mul3A_14 = arith.muli %rem3A_10, %mul3A_13 : i32
    %sub3A = arith.constant 12 : i32
    %sub3A_15 = arith.subi %sub3A, %mul3A_12 : i32
    %add3A_16 = arith.addi %sub3A_15, %mul3A_14 : i32
    "tpu.region"() ({
      %run_scoped3A = tpu.sem_alloc : memref<!tpu.dma_semaphore, #tpu.memory_space<semaphore_mem>>
      %dma_start3A_1385 = arith.constant 0 : i32
      %dma_start3A_1386 = arith.constant 0 : i32
      %dma_start3A_1387 = tpu.memref_slice %arg2[%div3A_5, %add3A_16, %dma_start3A_1385, %dma_start3A_1386] : memref<24x47x24x128xf32, #tpu.memory_space<hbm>> -> memref<1x23x24x128xf32, #tpu.memory_space<hbm>>
      %dma_start3A_1388 = tpu.memref_squeeze %dma_start3A_1387 : memref<1x23x24x128xf32, #tpu.memory_space<hbm>> -> memref<23x24x128xf32, #tpu.memory_space<hbm>>
      %dma_start3A_1389 = arith.constant 0 : i32
      %dma_start3A_1390 = arith.constant 0 : i32
      %dma_start3A_1391 = tpu.memref_slice %arg2[%div3A_5, %add3A_16, %dma_start3A_1389, %dma_start3A_1390] : memref<24x47x24x128xf32, #tpu.memory_space<hbm>> -> memref<1x23x24x128xf32, #tpu.memory_space<hbm>>
      %dma_start3A_1392 = tpu.memref_squeeze %dma_start3A_1391 : memref<1x23x24x128xf32, #tpu.memory_space<hbm>> -> memref<23x24x128xf32, #tpu.memory_space<hbm>>
      tpu.enqueue_dma source(%dma_start3A_1392 : memref<23x24x128xf32, #tpu.memory_space<hbm>>) target(%arg4 : memref<23x24x128xf32, #tpu.memory_space<vmem>>) target_semaphore(%run_scoped3A : memref<!tpu.dma_semaphore, #tpu.memory_space<semaphore_mem>>)
      %dma_wait3A_1393 = arith.constant 0 : i32
      %dma_wait3A_1394 = arith.constant 0 : i32
      %dma_wait3A_1395 = tpu.memref_slice %arg2[%div3A_5, %add3A_16, %dma_wait3A_1393, %dma_wait3A_1394] : memref<24x47x24x128xf32, #tpu.memory_space<hbm>> -> memref<1x23x24x128xf32, #tpu.memory_space<hbm>>
      %dma_wait3A_1396 = tpu.memref_squeeze %dma_wait3A_1395 : memref<1x23x24x128xf32, #tpu.memory_space<hbm>> -> memref<23x24x128xf32, #tpu.memory_space<hbm>>
      %dma_wait3A_1397 = arith.constant 0 : i32
      %dma_wait3A_1398 = arith.constant 0 : i32
      %dma_wait3A_1399 = tpu.memref_slice %arg2[%div3A_5, %add3A_16, %dma_wait3A_1397, %dma_wait3A_1398] : memref<24x47x24x128xf32, #tpu.memory_space<hbm>> -> memref<1x23x24x128xf32, #tpu.memory_space<hbm>>
      %dma_wait3A_1400 = tpu.memref_squeeze %dma_wait3A_1399 : memref<1x23x24x128xf32, #tpu.memory_space<hbm>> -> memref<23x24x128xf32, #tpu.memory_space<hbm>>
      tpu.wait_dma2 semaphore(%run_scoped3A : memref<!tpu.dma_semaphore, #tpu.memory_space<semaphore_mem>>) src(%dma_wait3A_1400 : memref<23x24x128xf32, #tpu.memory_space<hbm>>) dst(%arg4 : memref<23x24x128xf32, #tpu.memory_space<vmem>>)
      tpu.yield
    }) : () -> ()
    %add3A_17 = arith.constant 0 : i32
    %add3A_18 = arith.addi %mul3A_12, %add3A_17 : i32
    %mul3A_19 = arith.constant 24 : i32
    %mul3A_20 = arith.muli %add3A_18, %mul3A_19 : i32
    %add3A_21 = arith.addi %mul3A_20, %div3A_5 : i32
    %dma_start3A = arith.constant 11 : i32
    %dma_start3A_22 = arith.constant 0 : i32
    %dma_start3A_23 = arith.constant 0 : i32
    %dma_start3A_24 = tpu.memref_slice %arg4[%dma_start3A, %dma_start3A_22, %dma_start3A_23] : memref<23x24x128xf32, #tpu.memory_space<vmem>> -> memref<12x24x128xf32, #tpu.memory_space<vmem>>
    %dma_start3A_25 = arith.constant 0 : i32
    %dma_start3A_26 = arith.constant 0 : i32
    %dma_start3A_27 = tpu.memref_slice %arg3[%add3A_21, %mul3A_14, %dma_start3A_25, %dma_start3A_26] : memref<576x24x24x128xf32, #tpu.memory_space<hbm>> -> memref<1x12x24x128xf32, #tpu.memory_space<hbm>>
    %dma_start3A_28 = tpu.memref_squeeze %dma_start3A_27 : memref<1x12x24x128xf32, #tpu.memory_space<hbm>> -> memref<12x24x128xf32, #tpu.memory_space<hbm>>
    %dma_start3A_29 = arith.constant 0 : i32
    %dma_start3A_30 = arith.constant 0 : i32
    %dma_start3A_31 = tpu.memref_slice %arg3[%add3A_21, %mul3A_14, %dma_start3A_29, %dma_start3A_30] : memref<576x24x24x128xf32, #tpu.memory_space<hbm>> -> memref<1x12x24x128xf32, #tpu.memory_space<hbm>>
    %dma_start3A_32 = tpu.memref_squeeze %dma_start3A_31 : memref<1x12x24x128xf32, #tpu.memory_space<hbm>> -> memref<12x24x128xf32, #tpu.memory_space<hbm>>
    %dma_start3A_33 = arith.constant 11 : i32
    %dma_start3A_34 = arith.constant 0 : i32
    %dma_start3A_35 = arith.constant 0 : i32
    %dma_start3A_36 = tpu.memref_slice %arg4[%dma_start3A_33, %dma_start3A_34, %dma_start3A_35] : memref<23x24x128xf32, #tpu.memory_space<vmem>> -> memref<12x24x128xf32, #tpu.memory_space<vmem>>
    tpu.enqueue_dma source(%dma_start3A_36 : memref<12x24x128xf32, #tpu.memory_space<vmem>>) target(%dma_start3A_32 : memref<12x24x128xf32, #tpu.memory_space<hbm>>) target_semaphore(%arg5 : memref<!tpu.dma_semaphore, #tpu.memory_space<semaphore_mem>>)
    %add3A_37 = arith.constant 1 : i32
    %add3A_38 = arith.addi %mul3A_12, %add3A_37 : i32
    %mul3A_39 = arith.constant 24 : i32
    %mul3A_40 = arith.muli %add3A_38, %mul3A_39 : i32
    %add3A_41 = arith.addi %mul3A_40, %div3A_5 : i32
    %dma_start3A_42 = arith.constant 10 : i32
    %dma_start3A_43 = arith.constant 0 : i32
    %dma_start3A_44 = arith.constant 0 : i32
    %dma_start3A_45 = tpu.memref_slice %arg4[%dma_start3A_42, %dma_start3A_43, %dma_start3A_44] : memref<23x24x128xf32, #tpu.memory_space<vmem>> -> memref<12x24x128xf32, #tpu.memory_space<vmem>>
    %dma_start3A_46 = arith.constant 0 : i32
    %dma_start3A_47 = arith.constant 0 : i32
    %dma_start3A_48 = tpu.memref_slice %arg3[%add3A_41, %mul3A_14, %dma_start3A_46, %dma_start3A_47] : memref<576x24x24x128xf32, #tpu.memory_space<hbm>> -> memref<1x12x24x128xf32, #tpu.memory_space<hbm>>
    %dma_start3A_49 = tpu.memref_squeeze %dma_start3A_48 : memref<1x12x24x128xf32, #tpu.memory_space<hbm>> -> memref<12x24x128xf32, #tpu.memory_space<hbm>>
    %dma_start3A_50 = arith.constant 0 : i32
    %dma_start3A_51 = arith.constant 0 : i32
    %dma_start3A_52 = tpu.memref_slice %arg3[%add3A_41, %mul3A_14, %dma_start3A_50, %dma_start3A_51] : memref<576x24x24x128xf32, #tpu.memory_space<hbm>> -> memref<1x12x24x128xf32, #tpu.memory_space<hbm>>
    %dma_start3A_53 = tpu.memref_squeeze %dma_start3A_52 : memref<1x12x24x128xf32, #tpu.memory_space<hbm>> -> memref<12x24x128xf32, #tpu.memory_space<hbm>>
    %dma_start3A_54 = arith.constant 10 : i32
    %dma_start3A_55 = arith.constant 0 : i32
    %dma_start3A_56 = arith.constant 0 : i32
    %dma_start3A_57 = tpu.memref_slice %arg4[%dma_start3A_54, %dma_start3A_55, %dma_start3A_56] : memref<23x24x128xf32, #tpu.memory_space<vmem>> -> memref<12x24x128xf32, #tpu.memory_space<vmem>>
    tpu.enqueue_dma source(%dma_start3A_57 : memref<12x24x128xf32, #tpu.memory_space<vmem>>) target(%dma_start3A_53 : memref<12x24x128xf32, #tpu.memory_space<hbm>>) target_semaphore(%arg5 : memref<!tpu.dma_semaphore, #tpu.memory_space<semaphore_mem>>)
    %add3A_58 = arith.constant 2 : i32
    %add3A_59 = arith.addi %mul3A_12, %add3A_58 : i32
    %mul3A_60 = arith.constant 24 : i32
    %mul3A_61 = arith.muli %add3A_59, %mul3A_60 : i32
    %add3A_62 = arith.addi %mul3A_61, %div3A_5 : i32
    %dma_start3A_63 = arith.constant 9 : i32
    %dma_start3A_64 = arith.constant 0 : i32
    %dma_start3A_65 = arith.constant 0 : i32
    %dma_start3A_66 = tpu.memref_slice %arg4[%dma_start3A_63, %dma_start3A_64, %dma_start3A_65] : memref<23x24x128xf32, #tpu.memory_space<vmem>> -> memref<12x24x128xf32, #tpu.memory_space<vmem>>
    %dma_start3A_67 = arith.constant 0 : i32
    %dma_start3A_68 = arith.constant 0 : i32
    %dma_start3A_69 = tpu.memref_slice %arg3[%add3A_62, %mul3A_14, %dma_start3A_67, %dma_start3A_68] : memref<576x24x24x128xf32, #tpu.memory_space<hbm>> -> memref<1x12x24x128xf32, #tpu.memory_space<hbm>>
    %dma_start3A_70 = tpu.memref_squeeze %dma_start3A_69 : memref<1x12x24x128xf32, #tpu.memory_space<hbm>> -> memref<12x24x128xf32, #tpu.memory_space<hbm>>
    %dma_start3A_71 = arith.constant 0 : i32
    %dma_start3A_72 = arith.constant 0 : i32
    %dma_start3A_73 = tpu.memref_slice %arg3[%add3A_62, %mul3A_14, %dma_start3A_71, %dma_start3A_72] : memref<576x24x24x128xf32, #tpu.memory_space<hbm>> -> memref<1x12x24x128xf32, #tpu.memory_space<hbm>>
    %dma_start3A_74 = tpu.memref_squeeze %dma_start3A_73 : memref<1x12x24x128xf32, #tpu.memory_space<hbm>> -> memref<12x24x128xf32, #tpu.memory_space<hbm>>
    %dma_start3A_75 = arith.constant 9 : i32
    %dma_start3A_76 = arith.constant 0 : i32
    %dma_start3A_77 = arith.constant 0 : i32
    %dma_start3A_78 = tpu.memref_slice %arg4[%dma_start3A_75, %dma_start3A_76, %dma_start3A_77] : memref<23x24x128xf32, #tpu.memory_space<vmem>> -> memref<12x24x128xf32, #tpu.memory_space<vmem>>
    tpu.enqueue_dma source(%dma_start3A_78 : memref<12x24x128xf32, #tpu.memory_space<vmem>>) target(%dma_start3A_74 : memref<12x24x128xf32, #tpu.memory_space<hbm>>) target_semaphore(%arg5 : memref<!tpu.dma_semaphore, #tpu.memory_space<semaphore_mem>>)
    %add3A_79 = arith.constant 3 : i32
    %add3A_80 = arith.addi %mul3A_12, %add3A_79 : i32
    %mul3A_81 = arith.constant 24 : i32
    %mul3A_82 = arith.muli %add3A_80, %mul3A_81 : i32
    %add3A_83 = arith.addi %mul3A_82, %div3A_5 : i32
    %dma_start3A_84 = arith.constant 8 : i32
    %dma_start3A_85 = arith.constant 0 : i32
    %dma_start3A_86 = arith.constant 0 : i32
    %dma_start3A_87 = tpu.memref_slice %arg4[%dma_start3A_84, %dma_start3A_85, %dma_start3A_86] : memref<23x24x128xf32, #tpu.memory_space<vmem>> -> memref<12x24x128xf32, #tpu.memory_space<vmem>>
    %dma_start3A_88 = arith.constant 0 : i32
    %dma_start3A_89 = arith.constant 0 : i32
    %dma_start3A_90 = tpu.memref_slice %arg3[%add3A_83, %mul3A_14, %dma_start3A_88, %dma_start3A_89] : memref<576x24x24x128xf32, #tpu.memory_space<hbm>> -> memref<1x12x24x128xf32, #tpu.memory_space<hbm>>
    %dma_start3A_91 = tpu.memref_squeeze %dma_start3A_90 : memref<1x12x24x128xf32, #tpu.memory_space<hbm>> -> memref<12x24x128xf32, #tpu.memory_space<hbm>>
    %dma_start3A_92 = arith.constant 0 : i32
    %dma_start3A_93 = arith.constant 0 : i32
    %dma_start3A_94 = tpu.memref_slice %arg3[%add3A_83, %mul3A_14, %dma_start3A_92, %dma_start3A_93] : memref<576x24x24x128xf32, #tpu.memory_space<hbm>> -> memref<1x12x24x128xf32, #tpu.memory_space<hbm>>
    %dma_start3A_95 = tpu.memref_squeeze %dma_start3A_94 : memref<1x12x24x128xf32, #tpu.memory_space<hbm>> -> memref<12x24x128xf32, #tpu.memory_space<hbm>>
    %dma_start3A_96 = arith.constant 8 : i32
    %dma_start3A_97 = arith.constant 0 : i32
    %dma_start3A_98 = arith.constant 0 : i32
    %dma_start3A_99 = tpu.memref_slice %arg4[%dma_start3A_96, %dma_start3A_97, %dma_start3A_98] : memref<23x24x128xf32, #tpu.memory_space<vmem>> -> memref<12x24x128xf32, #tpu.memory_space<vmem>>
    tpu.enqueue_dma source(%dma_start3A_99 : memref<12x24x128xf32, #tpu.memory_space<vmem>>) target(%dma_start3A_95 : memref<12x24x128xf32, #tpu.memory_space<hbm>>) target_semaphore(%arg5 : memref<!tpu.dma_semaphore, #tpu.memory_space<semaphore_mem>>)
    %add3A_100 = arith.constant 4 : i32
    %add3A_101 = arith.addi %mul3A_12, %add3A_100 : i32
    %mul3A_102 = arith.constant 24 : i32
    %mul3A_103 = arith.muli %add3A_101, %mul3A_102 : i32
    %add3A_104 = arith.addi %mul3A_103, %div3A_5 : i32
    %dma_start3A_105 = arith.constant 7 : i32
    %dma_start3A_106 = arith.constant 0 : i32
    %dma_start3A_107 = arith.constant 0 : i32
    %dma_start3A_108 = tpu.memref_slice %arg4[%dma_start3A_105, %dma_start3A_106, %dma_start3A_107] : memref<23x24x128xf32, #tpu.memory_space<vmem>> -> memref<12x24x128xf32, #tpu.memory_space<vmem>>
    %dma_start3A_109 = arith.constant 0 : i32
    %dma_start3A_110 = arith.constant 0 : i32
    %dma_start3A_111 = tpu.memref_slice %arg3[%add3A_104, %mul3A_14, %dma_start3A_109, %dma_start3A_110] : memref<576x24x24x128xf32, #tpu.memory_space<hbm>> -> memref<1x12x24x128xf32, #tpu.memory_space<hbm>>
    %dma_start3A_112 = tpu.memref_squeeze %dma_start3A_111 : memref<1x12x24x128xf32, #tpu.memory_space<hbm>> -> memref<12x24x128xf32, #tpu.memory_space<hbm>>
    %dma_start3A_113 = arith.constant 0 : i32
    %dma_start3A_114 = arith.constant 0 : i32
    %dma_start3A_115 = tpu.memref_slice %arg3[%add3A_104, %mul3A_14, %dma_start3A_113, %dma_start3A_114] : memref<576x24x24x128xf32, #tpu.memory_space<hbm>> -> memref<1x12x24x128xf32, #tpu.memory_space<hbm>>
    %dma_start3A_116 = tpu.memref_squeeze %dma_start3A_115 : memref<1x12x24x128xf32, #tpu.memory_space<hbm>> -> memref<12x24x128xf32, #tpu.memory_space<hbm>>
    %dma_start3A_117 = arith.constant 7 : i32
    %dma_start3A_118 = arith.constant 0 : i32
    %dma_start3A_119 = arith.constant 0 : i32
    %dma_start3A_120 = tpu.memref_slice %arg4[%dma_start3A_117, %dma_start3A_118, %dma_start3A_119] : memref<23x24x128xf32, #tpu.memory_space<vmem>> -> memref<12x24x128xf32, #tpu.memory_space<vmem>>
    tpu.enqueue_dma source(%dma_start3A_120 : memref<12x24x128xf32, #tpu.memory_space<vmem>>) target(%dma_start3A_116 : memref<12x24x128xf32, #tpu.memory_space<hbm>>) target_semaphore(%arg5 : memref<!tpu.dma_semaphore, #tpu.memory_space<semaphore_mem>>)
    %add3A_121 = arith.constant 5 : i32
    %add3A_122 = arith.addi %mul3A_12, %add3A_121 : i32
    %mul3A_123 = arith.constant 24 : i32
    %mul3A_124 = arith.muli %add3A_122, %mul3A_123 : i32
    %add3A_125 = arith.addi %mul3A_124, %div3A_5 : i32
    %dma_start3A_126 = arith.constant 6 : i32
    %dma_start3A_127 = arith.constant 0 : i32
    %dma_start3A_128 = arith.constant 0 : i32
    %dma_start3A_129 = tpu.memref_slice %arg4[%dma_start3A_126, %dma_start3A_127, %dma_start3A_128] : memref<23x24x128xf32, #tpu.memory_space<vmem>> -> memref<12x24x128xf32, #tpu.memory_space<vmem>>
    %dma_start3A_130 = arith.constant 0 : i32
    %dma_start3A_131 = arith.constant 0 : i32
    %dma_start3A_132 = tpu.memref_slice %arg3[%add3A_125, %mul3A_14, %dma_start3A_130, %dma_start3A_131] : memref<576x24x24x128xf32, #tpu.memory_space<hbm>> -> memref<1x12x24x128xf32, #tpu.memory_space<hbm>>
    %dma_start3A_133 = tpu.memref_squeeze %dma_start3A_132 : memref<1x12x24x128xf32, #tpu.memory_space<hbm>> -> memref<12x24x128xf32, #tpu.memory_space<hbm>>
    %dma_start3A_134 = arith.constant 0 : i32
    %dma_start3A_135 = arith.constant 0 : i32
    %dma_start3A_136 = tpu.memref_slice %arg3[%add3A_125, %mul3A_14, %dma_start3A_134, %dma_start3A_135] : memref<576x24x24x128xf32, #tpu.memory_space<hbm>> -> memref<1x12x24x128xf32, #tpu.memory_space<hbm>>
    %dma_start3A_137 = tpu.memref_squeeze %dma_start3A_136 : memref<1x12x24x128xf32, #tpu.memory_space<hbm>> -> memref<12x24x128xf32, #tpu.memory_space<hbm>>
    %dma_start3A_138 = arith.constant 6 : i32
    %dma_start3A_139 = arith.constant 0 : i32
    %dma_start3A_140 = arith.constant 0 : i32
    %dma_start3A_141 = tpu.memref_slice %arg4[%dma_start3A_138, %dma_start3A_139, %dma_start3A_140] : memref<23x24x128xf32, #tpu.memory_space<vmem>> -> memref<12x24x128xf32, #tpu.memory_space<vmem>>
    tpu.enqueue_dma source(%dma_start3A_141 : memref<12x24x128xf32, #tpu.memory_space<vmem>>) target(%dma_start3A_137 : memref<12x24x128xf32, #tpu.memory_space<hbm>>) target_semaphore(%arg5 : memref<!tpu.dma_semaphore, #tpu.memory_space<semaphore_mem>>)
    %add3A_142 = arith.constant 6 : i32
    %add3A_143 = arith.addi %mul3A_12, %add3A_142 : i32
    %mul3A_144 = arith.constant 24 : i32
    %mul3A_145 = arith.muli %add3A_143, %mul3A_144 : i32
    %add3A_146 = arith.addi %mul3A_145, %div3A_5 : i32
    %dma_start3A_147 = arith.constant 5 : i32
    %dma_start3A_148 = arith.constant 0 : i32
    %dma_start3A_149 = arith.constant 0 : i32
    %dma_start3A_150 = tpu.memref_slice %arg4[%dma_start3A_147, %dma_start3A_148, %dma_start3A_149] : memref<23x24x128xf32, #tpu.memory_space<vmem>> -> memref<12x24x128xf32, #tpu.memory_space<vmem>>
    %dma_start3A_151 = arith.constant 0 : i32
    %dma_start3A_152 = arith.constant 0 : i32
    %dma_start3A_153 = tpu.memref_slice %arg3[%add3A_146, %mul3A_14, %dma_start3A_151, %dma_start3A_152] : memref<576x24x24x128xf32, #tpu.memory_space<hbm>> -> memref<1x12x24x128xf32, #tpu.memory_space<hbm>>
    %dma_start3A_154 = tpu.memref_squeeze %dma_start3A_153 : memref<1x12x24x128xf32, #tpu.memory_space<hbm>> -> memref<12x24x128xf32, #tpu.memory_space<hbm>>
    %dma_start3A_155 = arith.constant 0 : i32
    %dma_start3A_156 = arith.constant 0 : i32
    %dma_start3A_157 = tpu.memref_slice %arg3[%add3A_146, %mul3A_14, %dma_start3A_155, %dma_start3A_156] : memref<576x24x24x128xf32, #tpu.memory_space<hbm>> -> memref<1x12x24x128xf32, #tpu.memory_space<hbm>>
    %dma_start3A_158 = tpu.memref_squeeze %dma_start3A_157 : memref<1x12x24x128xf32, #tpu.memory_space<hbm>> -> memref<12x24x128xf32, #tpu.memory_space<hbm>>
    %dma_start3A_159 = arith.constant 5 : i32
    %dma_start3A_160 = arith.constant 0 : i32
    %dma_start3A_161 = arith.constant 0 : i32
    %dma_start3A_162 = tpu.memref_slice %arg4[%dma_start3A_159, %dma_start3A_160, %dma_start3A_161] : memref<23x24x128xf32, #tpu.memory_space<vmem>> -> memref<12x24x128xf32, #tpu.memory_space<vmem>>
    tpu.enqueue_dma source(%dma_start3A_162 : memref<12x24x128xf32, #tpu.memory_space<vmem>>) target(%dma_start3A_158 : memref<12x24x128xf32, #tpu.memory_space<hbm>>) target_semaphore(%arg5 : memref<!tpu.dma_semaphore, #tpu.memory_space<semaphore_mem>>)
    %add3A_163 = arith.constant 7 : i32
    %add3A_164 = arith.addi %mul3A_12, %add3A_163 : i32
    %mul3A_165 = arith.constant 24 : i32
    %mul3A_166 = arith.muli %add3A_164, %mul3A_165 : i32
    %add3A_167 = arith.addi %mul3A_166, %div3A_5 : i32
    %dma_start3A_168 = arith.constant 4 : i32
    %dma_start3A_169 = arith.constant 0 : i32
    %dma_start3A_170 = arith.constant 0 : i32
    %dma_start3A_171 = tpu.memref_slice %arg4[%dma_start3A_168, %dma_start3A_169, %dma_start3A_170] : memref<23x24x128xf32, #tpu.memory_space<vmem>> -> memref<12x24x128xf32, #tpu.memory_space<vmem>>
    %dma_start3A_172 = arith.constant 0 : i32
    %dma_start3A_173 = arith.constant 0 : i32
    %dma_start3A_174 = tpu.memref_slice %arg3[%add3A_167, %mul3A_14, %dma_start3A_172, %dma_start3A_173] : memref<576x24x24x128xf32, #tpu.memory_space<hbm>> -> memref<1x12x24x128xf32, #tpu.memory_space<hbm>>
    %dma_start3A_175 = tpu.memref_squeeze %dma_start3A_174 : memref<1x12x24x128xf32, #tpu.memory_space<hbm>> -> memref<12x24x128xf32, #tpu.memory_space<hbm>>
    %dma_start3A_176 = arith.constant 0 : i32
    %dma_start3A_177 = arith.constant 0 : i32
    %dma_start3A_178 = tpu.memref_slice %arg3[%add3A_167, %mul3A_14, %dma_start3A_176, %dma_start3A_177] : memref<576x24x24x128xf32, #tpu.memory_space<hbm>> -> memref<1x12x24x128xf32, #tpu.memory_space<hbm>>
    %dma_start3A_179 = tpu.memref_squeeze %dma_start3A_178 : memref<1x12x24x128xf32, #tpu.memory_space<hbm>> -> memref<12x24x128xf32, #tpu.memory_space<hbm>>
    %dma_start3A_180 = arith.constant 4 : i32
    %dma_start3A_181 = arith.constant 0 : i32
    %dma_start3A_182 = arith.constant 0 : i32
    %dma_start3A_183 = tpu.memref_slice %arg4[%dma_start3A_180, %dma_start3A_181, %dma_start3A_182] : memref<23x24x128xf32, #tpu.memory_space<vmem>> -> memref<12x24x128xf32, #tpu.memory_space<vmem>>
    tpu.enqueue_dma source(%dma_start3A_183 : memref<12x24x128xf32, #tpu.memory_space<vmem>>) target(%dma_start3A_179 : memref<12x24x128xf32, #tpu.memory_space<hbm>>) target_semaphore(%arg5 : memref<!tpu.dma_semaphore, #tpu.memory_space<semaphore_mem>>)
    %add3A_184 = arith.constant 8 : i32
    %add3A_185 = arith.addi %mul3A_12, %add3A_184 : i32
    %mul3A_186 = arith.constant 24 : i32
    %mul3A_187 = arith.muli %add3A_185, %mul3A_186 : i32
    %add3A_188 = arith.addi %mul3A_187, %div3A_5 : i32
    %dma_start3A_189 = arith.constant 3 : i32
    %dma_start3A_190 = arith.constant 0 : i32
    %dma_start3A_191 = arith.constant 0 : i32
    %dma_start3A_192 = tpu.memref_slice %arg4[%dma_start3A_189, %dma_start3A_190, %dma_start3A_191] : memref<23x24x128xf32, #tpu.memory_space<vmem>> -> memref<12x24x128xf32, #tpu.memory_space<vmem>>
    %dma_start3A_193 = arith.constant 0 : i32
    %dma_start3A_194 = arith.constant 0 : i32
    %dma_start3A_195 = tpu.memref_slice %arg3[%add3A_188, %mul3A_14, %dma_start3A_193, %dma_start3A_194] : memref<576x24x24x128xf32, #tpu.memory_space<hbm>> -> memref<1x12x24x128xf32, #tpu.memory_space<hbm>>
    %dma_start3A_196 = tpu.memref_squeeze %dma_start3A_195 : memref<1x12x24x128xf32, #tpu.memory_space<hbm>> -> memref<12x24x128xf32, #tpu.memory_space<hbm>>
    %dma_start3A_197 = arith.constant 0 : i32
    %dma_start3A_198 = arith.constant 0 : i32
    %dma_start3A_199 = tpu.memref_slice %arg3[%add3A_188, %mul3A_14, %dma_start3A_197, %dma_start3A_198] : memref<576x24x24x128xf32, #tpu.memory_space<hbm>> -> memref<1x12x24x128xf32, #tpu.memory_space<hbm>>
    %dma_start3A_200 = tpu.memref_squeeze %dma_start3A_199 : memref<1x12x24x128xf32, #tpu.memory_space<hbm>> -> memref<12x24x128xf32, #tpu.memory_space<hbm>>
    %dma_start3A_201 = arith.constant 3 : i32
    %dma_start3A_202 = arith.constant 0 : i32
    %dma_start3A_203 = arith.constant 0 : i32
    %dma_start3A_204 = tpu.memref_slice %arg4[%dma_start3A_201, %dma_start3A_202, %dma_start3A_203] : memref<23x24x128xf32, #tpu.memory_space<vmem>> -> memref<12x24x128xf32, #tpu.memory_space<vmem>>
    tpu.enqueue_dma source(%dma_start3A_204 : memref<12x24x128xf32, #tpu.memory_space<vmem>>) target(%dma_start3A_200 : memref<12x24x128xf32, #tpu.memory_space<hbm>>) target_semaphore(%arg5 : memref<!tpu.dma_semaphore, #tpu.memory_space<semaphore_mem>>)
    %add3A_205 = arith.constant 9 : i32
    %add3A_206 = arith.addi %mul3A_12, %add3A_205 : i32
    %mul3A_207 = arith.constant 24 : i32
    %mul3A_208 = arith.muli %add3A_206, %mul3A_207 : i32
    %add3A_209 = arith.addi %mul3A_208, %div3A_5 : i32
    %dma_start3A_210 = arith.constant 2 : i32
    %dma_start3A_211 = arith.constant 0 : i32
    %dma_start3A_212 = arith.constant 0 : i32
    %dma_start3A_213 = tpu.memref_slice %arg4[%dma_start3A_210, %dma_start3A_211, %dma_start3A_212] : memref<23x24x128xf32, #tpu.memory_space<vmem>> -> memref<12x24x128xf32, #tpu.memory_space<vmem>>
    %dma_start3A_214 = arith.constant 0 : i32
    %dma_start3A_215 = arith.constant 0 : i32
    %dma_start3A_216 = tpu.memref_slice %arg3[%add3A_209, %mul3A_14, %dma_start3A_214, %dma_start3A_215] : memref<576x24x24x128xf32, #tpu.memory_space<hbm>> -> memref<1x12x24x128xf32, #tpu.memory_space<hbm>>
    %dma_start3A_217 = tpu.memref_squeeze %dma_start3A_216 : memref<1x12x24x128xf32, #tpu.memory_space<hbm>> -> memref<12x24x128xf32, #tpu.memory_space<hbm>>
    %dma_start3A_218 = arith.constant 0 : i32
    %dma_start3A_219 = arith.constant 0 : i32
    %dma_start3A_220 = tpu.memref_slice %arg3[%add3A_209, %mul3A_14, %dma_start3A_218, %dma_start3A_219] : memref<576x24x24x128xf32, #tpu.memory_space<hbm>> -> memref<1x12x24x128xf32, #tpu.memory_space<hbm>>
    %dma_start3A_221 = tpu.memref_squeeze %dma_start3A_220 : memref<1x12x24x128xf32, #tpu.memory_space<hbm>> -> memref<12x24x128xf32, #tpu.memory_space<hbm>>
    %dma_start3A_222 = arith.constant 2 : i32
    %dma_start3A_223 = arith.constant 0 : i32
    %dma_start3A_224 = arith.constant 0 : i32
    %dma_start3A_225 = tpu.memref_slice %arg4[%dma_start3A_222, %dma_start3A_223, %dma_start3A_224] : memref<23x24x128xf32, #tpu.memory_space<vmem>> -> memref<12x24x128xf32, #tpu.memory_space<vmem>>
    tpu.enqueue_dma source(%dma_start3A_225 : memref<12x24x128xf32, #tpu.memory_space<vmem>>) target(%dma_start3A_221 : memref<12x24x128xf32, #tpu.memory_space<hbm>>) target_semaphore(%arg5 : memref<!tpu.dma_semaphore, #tpu.memory_space<semaphore_mem>>)
    %add3A_226 = arith.constant 10 : i32
    %add3A_227 = arith.addi %mul3A_12, %add3A_226 : i32
    %mul3A_228 = arith.constant 24 : i32
    %mul3A_229 = arith.muli %add3A_227, %mul3A_228 : i32
    %add3A_230 = arith.addi %mul3A_229, %div3A_5 : i32
    %dma_start3A_231 = arith.constant 1 : i32
    %dma_start3A_232 = arith.constant 0 : i32
    %dma_start3A_233 = arith.constant 0 : i32
    %dma_start3A_234 = tpu.memref_slice %arg4[%dma_start3A_231, %dma_start3A_232, %dma_start3A_233] : memref<23x24x128xf32, #tpu.memory_space<vmem>> -> memref<12x24x128xf32, #tpu.memory_space<vmem>>
    %dma_start3A_235 = arith.constant 0 : i32
    %dma_start3A_236 = arith.constant 0 : i32
    %dma_start3A_237 = tpu.memref_slice %arg3[%add3A_230, %mul3A_14, %dma_start3A_235, %dma_start3A_236] : memref<576x24x24x128xf32, #tpu.memory_space<hbm>> -> memref<1x12x24x128xf32, #tpu.memory_space<hbm>>
    %dma_start3A_238 = tpu.memref_squeeze %dma_start3A_237 : memref<1x12x24x128xf32, #tpu.memory_space<hbm>> -> memref<12x24x128xf32, #tpu.memory_space<hbm>>
    %dma_start3A_239 = arith.constant 0 : i32
    %dma_start3A_240 = arith.constant 0 : i32
    %dma_start3A_241 = tpu.memref_slice %arg3[%add3A_230, %mul3A_14, %dma_start3A_239, %dma_start3A_240] : memref<576x24x24x128xf32, #tpu.memory_space<hbm>> -> memref<1x12x24x128xf32, #tpu.memory_space<hbm>>
    %dma_start3A_242 = tpu.memref_squeeze %dma_start3A_241 : memref<1x12x24x128xf32, #tpu.memory_space<hbm>> -> memref<12x24x128xf32, #tpu.memory_space<hbm>>
    %dma_start3A_243 = arith.constant 1 : i32
    %dma_start3A_244 = arith.constant 0 : i32
    %dma_start3A_245 = arith.constant 0 : i32
    %dma_start3A_246 = tpu.memref_slice %arg4[%dma_start3A_243, %dma_start3A_244, %dma_start3A_245] : memref<23x24x128xf32, #tpu.memory_space<vmem>> -> memref<12x24x128xf32, #tpu.memory_space<vmem>>
    tpu.enqueue_dma source(%dma_start3A_246 : memref<12x24x128xf32, #tpu.memory_space<vmem>>) target(%dma_start3A_242 : memref<12x24x128xf32, #tpu.memory_space<hbm>>) target_semaphore(%arg5 : memref<!tpu.dma_semaphore, #tpu.memory_space<semaphore_mem>>)
    %add3A_247 = arith.constant 11 : i32
    %add3A_248 = arith.addi %mul3A_12, %add3A_247 : i32
    %mul3A_249 = arith.constant 24 : i32
    %mul3A_250 = arith.muli %add3A_248, %mul3A_249 : i32
    %add3A_251 = arith.addi %mul3A_250, %div3A_5 : i32
    %dma_start3A_252 = arith.constant 0 : i32
    %dma_start3A_253 = arith.constant 0 : i32
    %dma_start3A_254 = arith.constant 0 : i32
    %dma_start3A_255 = tpu.memref_slice %arg4[%dma_start3A_252, %dma_start3A_253, %dma_start3A_254] : memref<23x24x128xf32, #tpu.memory_space<vmem>> -> memref<12x24x128xf32, #tpu.memory_space<vmem>>
    %dma_start3A_256 = arith.constant 0 : i32
    %dma_start3A_257 = arith.constant 0 : i32
    %dma_start3A_258 = tpu.memref_slice %arg3[%add3A_251, %mul3A_14, %dma_start3A_256, %dma_start3A_257] : memref<576x24x24x128xf32, #tpu.memory_space<hbm>> -> memref<1x12x24x128xf32, #tpu.memory_space<hbm>>
    %dma_start3A_259 = tpu.memref_squeeze %dma_start3A_258 : memref<1x12x24x128xf32, #tpu.memory_space<hbm>> -> memref<12x24x128xf32, #tpu.memory_space<hbm>>
    %dma_start3A_260 = arith.constant 0 : i32
    %dma_start3A_261 = arith.constant 0 : i32
    %dma_start3A_262 = tpu.memref_slice %arg3[%add3A_251, %mul3A_14, %dma_start3A_260, %dma_start3A_261] : memref<576x24x24x128xf32, #tpu.memory_space<hbm>> -> memref<1x12x24x128xf32, #tpu.memory_space<hbm>>
    %dma_start3A_263 = tpu.memref_squeeze %dma_start3A_262 : memref<1x12x24x128xf32, #tpu.memory_space<hbm>> -> memref<12x24x128xf32, #tpu.memory_space<hbm>>
    %dma_start3A_264 = arith.constant 0 : i32
    %dma_start3A_265 = arith.constant 0 : i32
    %dma_start3A_266 = arith.constant 0 : i32
    %dma_start3A_267 = tpu.memref_slice %arg4[%dma_start3A_264, %dma_start3A_265, %dma_start3A_266] : memref<23x24x128xf32, #tpu.memory_space<vmem>> -> memref<12x24x128xf32, #tpu.memory_space<vmem>>
    tpu.enqueue_dma source(%dma_start3A_267 : memref<12x24x128xf32, #tpu.memory_space<vmem>>) target(%dma_start3A_263 : memref<12x24x128xf32, #tpu.memory_space<hbm>>) target_semaphore(%arg5 : memref<!tpu.dma_semaphore, #tpu.memory_space<semaphore_mem>>)
    %mul3A_268 = arith.constant 3 : i32
    %mul3A_269 = arith.muli %add3A, %mul3A_268 : i32
    %add3A_270 = arith.constant 1 : i32
    %add3A_271 = arith.addi %mul3A_269, %add3A_270 : i32
    %div3A_272 = arith.constant 4 : i32
    %div3A_273 = arith.divsi %add3A_271, %div3A_272 : i32
    %rem3A_274 = arith.constant 4 : i32
    %rem3A_275 = arith.remsi %add3A_271, %rem3A_274 : i32
    %div3A_276 = arith.constant 2 : i32
    %div3A_277 = arith.divsi %rem3A_275, %div3A_276 : i32
    %rem3A_278 = arith.constant 2 : i32
    %rem3A_279 = arith.remsi %rem3A_275, %rem3A_278 : i32
    %mul3A_280 = arith.constant 12 : i32
    %mul3A_281 = arith.muli %div3A_277, %mul3A_280 : i32
    %mul3A_282 = arith.constant 12 : i32
    %mul3A_283 = arith.muli %rem3A_279, %mul3A_282 : i32
    %dma_wait3A = arith.constant 11 : i32
    %dma_wait3A_284 = arith.constant 0 : i32
    %dma_wait3A_285 = arith.constant 0 : i32
    %dma_wait3A_286 = tpu.memref_slice %arg4[%dma_wait3A, %dma_wait3A_284, %dma_wait3A_285] : memref<23x24x128xf32, #tpu.memory_space<vmem>> -> memref<12x24x128xf32, #tpu.memory_space<vmem>>
    %dma_wait3A_287 = arith.constant 0 : i32
    %dma_wait3A_288 = arith.constant 0 : i32
    %dma_wait3A_289 = tpu.memref_slice %arg3[%add3A_21, %mul3A_14, %dma_wait3A_287, %dma_wait3A_288] : memref<576x24x24x128xf32, #tpu.memory_space<hbm>> -> memref<1x12x24x128xf32, #tpu.memory_space<hbm>>
    %dma_wait3A_290 = tpu.memref_squeeze %dma_wait3A_289 : memref<1x12x24x128xf32, #tpu.memory_space<hbm>> -> memref<12x24x128xf32, #tpu.memory_space<hbm>>
    %dma_wait3A_291 = arith.constant 0 : i32
    %dma_wait3A_292 = arith.constant 0 : i32
    %dma_wait3A_293 = tpu.memref_slice %arg3[%add3A_21, %mul3A_14, %dma_wait3A_291, %dma_wait3A_292] : memref<576x24x24x128xf32, #tpu.memory_space<hbm>> -> memref<1x12x24x128xf32, #tpu.memory_space<hbm>>
    %dma_wait3A_294 = tpu.memref_squeeze %dma_wait3A_293 : memref<1x12x24x128xf32, #tpu.memory_space<hbm>> -> memref<12x24x128xf32, #tpu.memory_space<hbm>>
    %dma_wait3A_295 = arith.constant 11 : i32
    %dma_wait3A_296 = arith.constant 0 : i32
    %dma_wait3A_297 = arith.constant 0 : i32
    %dma_wait3A_298 = tpu.memref_slice %arg4[%dma_wait3A_295, %dma_wait3A_296, %dma_wait3A_297] : memref<23x24x128xf32, #tpu.memory_space<vmem>> -> memref<12x24x128xf32, #tpu.memory_space<vmem>>
    tpu.wait_dma2 semaphore(%arg5 : memref<!tpu.dma_semaphore, #tpu.memory_space<semaphore_mem>>) src(%dma_wait3A_298 : memref<12x24x128xf32, #tpu.memory_space<vmem>>) dst(%dma_wait3A_294 : memref<12x24x128xf32, #tpu.memory_space<hbm>>)
    %dma_wait3A_299 = arith.constant 10 : i32
    %dma_wait3A_300 = arith.constant 0 : i32
    %dma_wait3A_301 = arith.constant 0 : i32
    %dma_wait3A_302 = tpu.memref_slice %arg4[%dma_wait3A_299, %dma_wait3A_300, %dma_wait3A_301] : memref<23x24x128xf32, #tpu.memory_space<vmem>> -> memref<12x24x128xf32, #tpu.memory_space<vmem>>
    %dma_wait3A_303 = arith.constant 0 : i32
    %dma_wait3A_304 = arith.constant 0 : i32
    %dma_wait3A_305 = tpu.memref_slice %arg3[%add3A_41, %mul3A_14, %dma_wait3A_303, %dma_wait3A_304] : memref<576x24x24x128xf32, #tpu.memory_space<hbm>> -> memref<1x12x24x128xf32, #tpu.memory_space<hbm>>
    %dma_wait3A_306 = tpu.memref_squeeze %dma_wait3A_305 : memref<1x12x24x128xf32, #tpu.memory_space<hbm>> -> memref<12x24x128xf32, #tpu.memory_space<hbm>>
    %dma_wait3A_307 = arith.constant 0 : i32
    %dma_wait3A_308 = arith.constant 0 : i32
    %dma_wait3A_309 = tpu.memref_slice %arg3[%add3A_41, %mul3A_14, %dma_wait3A_307, %dma_wait3A_308] : memref<576x24x24x128xf32, #tpu.memory_space<hbm>> -> memref<1x12x24x128xf32, #tpu.memory_space<hbm>>
    %dma_wait3A_310 = tpu.memref_squeeze %dma_wait3A_309 : memref<1x12x24x128xf32, #tpu.memory_space<hbm>> -> memref<12x24x128xf32, #tpu.memory_space<hbm>>
    %dma_wait3A_311 = arith.constant 10 : i32
    %dma_wait3A_312 = arith.constant 0 : i32
    %dma_wait3A_313 = arith.constant 0 : i32
    %dma_wait3A_314 = tpu.memref_slice %arg4[%dma_wait3A_311, %dma_wait3A_312, %dma_wait3A_313] : memref<23x24x128xf32, #tpu.memory_space<vmem>> -> memref<12x24x128xf32, #tpu.memory_space<vmem>>
    tpu.wait_dma2 semaphore(%arg5 : memref<!tpu.dma_semaphore, #tpu.memory_space<semaphore_mem>>) src(%dma_wait3A_314 : memref<12x24x128xf32, #tpu.memory_space<vmem>>) dst(%dma_wait3A_310 : memref<12x24x128xf32, #tpu.memory_space<hbm>>)
    %dma_wait3A_315 = arith.constant 9 : i32
    %dma_wait3A_316 = arith.constant 0 : i32
    %dma_wait3A_317 = arith.constant 0 : i32
    %dma_wait3A_318 = tpu.memref_slice %arg4[%dma_wait3A_315, %dma_wait3A_316, %dma_wait3A_317] : memref<23x24x128xf32, #tpu.memory_space<vmem>> -> memref<12x24x128xf32, #tpu.memory_space<vmem>>
    %dma_wait3A_319 = arith.constant 0 : i32
    %dma_wait3A_320 = arith.constant 0 : i32
    %dma_wait3A_321 = tpu.memref_slice %arg3[%add3A_62, %mul3A_14, %dma_wait3A_319, %dma_wait3A_320] : memref<576x24x24x128xf32, #tpu.memory_space<hbm>> -> memref<1x12x24x128xf32, #tpu.memory_space<hbm>>
    %dma_wait3A_322 = tpu.memref_squeeze %dma_wait3A_321 : memref<1x12x24x128xf32, #tpu.memory_space<hbm>> -> memref<12x24x128xf32, #tpu.memory_space<hbm>>
    %dma_wait3A_323 = arith.constant 0 : i32
    %dma_wait3A_324 = arith.constant 0 : i32
    %dma_wait3A_325 = tpu.memref_slice %arg3[%add3A_62, %mul3A_14, %dma_wait3A_323, %dma_wait3A_324] : memref<576x24x24x128xf32, #tpu.memory_space<hbm>> -> memref<1x12x24x128xf32, #tpu.memory_space<hbm>>
    %dma_wait3A_326 = tpu.memref_squeeze %dma_wait3A_325 : memref<1x12x24x128xf32, #tpu.memory_space<hbm>> -> memref<12x24x128xf32, #tpu.memory_space<hbm>>
    %dma_wait3A_327 = arith.constant 9 : i32
    %dma_wait3A_328 = arith.constant 0 : i32
    %dma_wait3A_329 = arith.constant 0 : i32
    %dma_wait3A_330 = tpu.memref_slice %arg4[%dma_wait3A_327, %dma_wait3A_328, %dma_wait3A_329] : memref<23x24x128xf32, #tpu.memory_space<vmem>> -> memref<12x24x128xf32, #tpu.memory_space<vmem>>
    tpu.wait_dma2 semaphore(%arg5 : memref<!tpu.dma_semaphore, #tpu.memory_space<semaphore_mem>>) src(%dma_wait3A_330 : memref<12x24x128xf32, #tpu.memory_space<vmem>>) dst(%dma_wait3A_326 : memref<12x24x128xf32, #tpu.memory_space<hbm>>)
    %dma_wait3A_331 = arith.constant 8 : i32
    %dma_wait3A_332 = arith.constant 0 : i32
    %dma_wait3A_333 = arith.constant 0 : i32
    %dma_wait3A_334 = tpu.memref_slice %arg4[%dma_wait3A_331, %dma_wait3A_332, %dma_wait3A_333] : memref<23x24x128xf32, #tpu.memory_space<vmem>> -> memref<12x24x128xf32, #tpu.memory_space<vmem>>
    %dma_wait3A_335 = arith.constant 0 : i32
    %dma_wait3A_336 = arith.constant 0 : i32
    %dma_wait3A_337 = tpu.memref_slice %arg3[%add3A_83, %mul3A_14, %dma_wait3A_335, %dma_wait3A_336] : memref<576x24x24x128xf32, #tpu.memory_space<hbm>> -> memref<1x12x24x128xf32, #tpu.memory_space<hbm>>
    %dma_wait3A_338 = tpu.memref_squeeze %dma_wait3A_337 : memref<1x12x24x128xf32, #tpu.memory_space<hbm>> -> memref<12x24x128xf32, #tpu.memory_space<hbm>>
    %dma_wait3A_339 = arith.constant 0 : i32
    %dma_wait3A_340 = arith.constant 0 : i32
    %dma_wait3A_341 = tpu.memref_slice %arg3[%add3A_83, %mul3A_14, %dma_wait3A_339, %dma_wait3A_340] : memref<576x24x24x128xf32, #tpu.memory_space<hbm>> -> memref<1x12x24x128xf32, #tpu.memory_space<hbm>>
    %dma_wait3A_342 = tpu.memref_squeeze %dma_wait3A_341 : memref<1x12x24x128xf32, #tpu.memory_space<hbm>> -> memref<12x24x128xf32, #tpu.memory_space<hbm>>
    %dma_wait3A_343 = arith.constant 8 : i32
    %dma_wait3A_344 = arith.constant 0 : i32
    %dma_wait3A_345 = arith.constant 0 : i32
    %dma_wait3A_346 = tpu.memref_slice %arg4[%dma_wait3A_343, %dma_wait3A_344, %dma_wait3A_345] : memref<23x24x128xf32, #tpu.memory_space<vmem>> -> memref<12x24x128xf32, #tpu.memory_space<vmem>>
    tpu.wait_dma2 semaphore(%arg5 : memref<!tpu.dma_semaphore, #tpu.memory_space<semaphore_mem>>) src(%dma_wait3A_346 : memref<12x24x128xf32, #tpu.memory_space<vmem>>) dst(%dma_wait3A_342 : memref<12x24x128xf32, #tpu.memory_space<hbm>>)
    %dma_wait3A_347 = arith.constant 7 : i32
    %dma_wait3A_348 = arith.constant 0 : i32
    %dma_wait3A_349 = arith.constant 0 : i32
    %dma_wait3A_350 = tpu.memref_slice %arg4[%dma_wait3A_347, %dma_wait3A_348, %dma_wait3A_349] : memref<23x24x128xf32, #tpu.memory_space<vmem>> -> memref<12x24x128xf32, #tpu.memory_space<vmem>>
    %dma_wait3A_351 = arith.constant 0 : i32
    %dma_wait3A_352 = arith.constant 0 : i32
    %dma_wait3A_353 = tpu.memref_slice %arg3[%add3A_104, %mul3A_14, %dma_wait3A_351, %dma_wait3A_352] : memref<576x24x24x128xf32, #tpu.memory_space<hbm>> -> memref<1x12x24x128xf32, #tpu.memory_space<hbm>>
    %dma_wait3A_354 = tpu.memref_squeeze %dma_wait3A_353 : memref<1x12x24x128xf32, #tpu.memory_space<hbm>> -> memref<12x24x128xf32, #tpu.memory_space<hbm>>
    %dma_wait3A_355 = arith.constant 0 : i32
    %dma_wait3A_356 = arith.constant 0 : i32
    %dma_wait3A_357 = tpu.memref_slice %arg3[%add3A_104, %mul3A_14, %dma_wait3A_355, %dma_wait3A_356] : memref<576x24x24x128xf32, #tpu.memory_space<hbm>> -> memref<1x12x24x128xf32, #tpu.memory_space<hbm>>
    %dma_wait3A_358 = tpu.memref_squeeze %dma_wait3A_357 : memref<1x12x24x128xf32, #tpu.memory_space<hbm>> -> memref<12x24x128xf32, #tpu.memory_space<hbm>>
    %dma_wait3A_359 = arith.constant 7 : i32
    %dma_wait3A_360 = arith.constant 0 : i32
    %dma_wait3A_361 = arith.constant 0 : i32
    %dma_wait3A_362 = tpu.memref_slice %arg4[%dma_wait3A_359, %dma_wait3A_360, %dma_wait3A_361] : memref<23x24x128xf32, #tpu.memory_space<vmem>> -> memref<12x24x128xf32, #tpu.memory_space<vmem>>
    tpu.wait_dma2 semaphore(%arg5 : memref<!tpu.dma_semaphore, #tpu.memory_space<semaphore_mem>>) src(%dma_wait3A_362 : memref<12x24x128xf32, #tpu.memory_space<vmem>>) dst(%dma_wait3A_358 : memref<12x24x128xf32, #tpu.memory_space<hbm>>)
    %dma_wait3A_363 = arith.constant 6 : i32
    %dma_wait3A_364 = arith.constant 0 : i32
    %dma_wait3A_365 = arith.constant 0 : i32
    %dma_wait3A_366 = tpu.memref_slice %arg4[%dma_wait3A_363, %dma_wait3A_364, %dma_wait3A_365] : memref<23x24x128xf32, #tpu.memory_space<vmem>> -> memref<12x24x128xf32, #tpu.memory_space<vmem>>
    %dma_wait3A_367 = arith.constant 0 : i32
    %dma_wait3A_368 = arith.constant 0 : i32
    %dma_wait3A_369 = tpu.memref_slice %arg3[%add3A_125, %mul3A_14, %dma_wait3A_367, %dma_wait3A_368] : memref<576x24x24x128xf32, #tpu.memory_space<hbm>> -> memref<1x12x24x128xf32, #tpu.memory_space<hbm>>
    %dma_wait3A_370 = tpu.memref_squeeze %dma_wait3A_369 : memref<1x12x24x128xf32, #tpu.memory_space<hbm>> -> memref<12x24x128xf32, #tpu.memory_space<hbm>>
    %dma_wait3A_371 = arith.constant 0 : i32
    %dma_wait3A_372 = arith.constant 0 : i32
    %dma_wait3A_373 = tpu.memref_slice %arg3[%add3A_125, %mul3A_14, %dma_wait3A_371, %dma_wait3A_372] : memref<576x24x24x128xf32, #tpu.memory_space<hbm>> -> memref<1x12x24x128xf32, #tpu.memory_space<hbm>>
    %dma_wait3A_374 = tpu.memref_squeeze %dma_wait3A_373 : memref<1x12x24x128xf32, #tpu.memory_space<hbm>> -> memref<12x24x128xf32, #tpu.memory_space<hbm>>
    %dma_wait3A_375 = arith.constant 6 : i32
    %dma_wait3A_376 = arith.constant 0 : i32
    %dma_wait3A_377 = arith.constant 0 : i32
    %dma_wait3A_378 = tpu.memref_slice %arg4[%dma_wait3A_375, %dma_wait3A_376, %dma_wait3A_377] : memref<23x24x128xf32, #tpu.memory_space<vmem>> -> memref<12x24x128xf32, #tpu.memory_space<vmem>>
    tpu.wait_dma2 semaphore(%arg5 : memref<!tpu.dma_semaphore, #tpu.memory_space<semaphore_mem>>) src(%dma_wait3A_378 : memref<12x24x128xf32, #tpu.memory_space<vmem>>) dst(%dma_wait3A_374 : memref<12x24x128xf32, #tpu.memory_space<hbm>>)
    %dma_wait3A_379 = arith.constant 5 : i32
    %dma_wait3A_380 = arith.constant 0 : i32
    %dma_wait3A_381 = arith.constant 0 : i32
    %dma_wait3A_382 = tpu.memref_slice %arg4[%dma_wait3A_379, %dma_wait3A_380, %dma_wait3A_381] : memref<23x24x128xf32, #tpu.memory_space<vmem>> -> memref<12x24x128xf32, #tpu.memory_space<vmem>>
    %dma_wait3A_383 = arith.constant 0 : i32
    %dma_wait3A_384 = arith.constant 0 : i32
    %dma_wait3A_385 = tpu.memref_slice %arg3[%add3A_146, %mul3A_14, %dma_wait3A_383, %dma_wait3A_384] : memref<576x24x24x128xf32, #tpu.memory_space<hbm>> -> memref<1x12x24x128xf32, #tpu.memory_space<hbm>>
    %dma_wait3A_386 = tpu.memref_squeeze %dma_wait3A_385 : memref<1x12x24x128xf32, #tpu.memory_space<hbm>> -> memref<12x24x128xf32, #tpu.memory_space<hbm>>
    %dma_wait3A_387 = arith.constant 0 : i32
    %dma_wait3A_388 = arith.constant 0 : i32
    %dma_wait3A_389 = tpu.memref_slice %arg3[%add3A_146, %mul3A_14, %dma_wait3A_387, %dma_wait3A_388] : memref<576x24x24x128xf32, #tpu.memory_space<hbm>> -> memref<1x12x24x128xf32, #tpu.memory_space<hbm>>
    %dma_wait3A_390 = tpu.memref_squeeze %dma_wait3A_389 : memref<1x12x24x128xf32, #tpu.memory_space<hbm>> -> memref<12x24x128xf32, #tpu.memory_space<hbm>>
    %dma_wait3A_391 = arith.constant 5 : i32
    %dma_wait3A_392 = arith.constant 0 : i32
    %dma_wait3A_393 = arith.constant 0 : i32
    %dma_wait3A_394 = tpu.memref_slice %arg4[%dma_wait3A_391, %dma_wait3A_392, %dma_wait3A_393] : memref<23x24x128xf32, #tpu.memory_space<vmem>> -> memref<12x24x128xf32, #tpu.memory_space<vmem>>
    tpu.wait_dma2 semaphore(%arg5 : memref<!tpu.dma_semaphore, #tpu.memory_space<semaphore_mem>>) src(%dma_wait3A_394 : memref<12x24x128xf32, #tpu.memory_space<vmem>>) dst(%dma_wait3A_390 : memref<12x24x128xf32, #tpu.memory_space<hbm>>)
    %dma_wait3A_395 = arith.constant 4 : i32
    %dma_wait3A_396 = arith.constant 0 : i32
    %dma_wait3A_397 = arith.constant 0 : i32
    %dma_wait3A_398 = tpu.memref_slice %arg4[%dma_wait3A_395, %dma_wait3A_396, %dma_wait3A_397] : memref<23x24x128xf32, #tpu.memory_space<vmem>> -> memref<12x24x128xf32, #tpu.memory_space<vmem>>
    %dma_wait3A_399 = arith.constant 0 : i32
    %dma_wait3A_400 = arith.constant 0 : i32
    %dma_wait3A_401 = tpu.memref_slice %arg3[%add3A_167, %mul3A_14, %dma_wait3A_399, %dma_wait3A_400] : memref<576x24x24x128xf32, #tpu.memory_space<hbm>> -> memref<1x12x24x128xf32, #tpu.memory_space<hbm>>
    %dma_wait3A_402 = tpu.memref_squeeze %dma_wait3A_401 : memref<1x12x24x128xf32, #tpu.memory_space<hbm>> -> memref<12x24x128xf32, #tpu.memory_space<hbm>>
    %dma_wait3A_403 = arith.constant 0 : i32
    %dma_wait3A_404 = arith.constant 0 : i32
    %dma_wait3A_405 = tpu.memref_slice %arg3[%add3A_167, %mul3A_14, %dma_wait3A_403, %dma_wait3A_404] : memref<576x24x24x128xf32, #tpu.memory_space<hbm>> -> memref<1x12x24x128xf32, #tpu.memory_space<hbm>>
    %dma_wait3A_406 = tpu.memref_squeeze %dma_wait3A_405 : memref<1x12x24x128xf32, #tpu.memory_space<hbm>> -> memref<12x24x128xf32, #tpu.memory_space<hbm>>
    %dma_wait3A_407 = arith.constant 4 : i32
    %dma_wait3A_408 = arith.constant 0 : i32
    %dma_wait3A_409 = arith.constant 0 : i32
    %dma_wait3A_410 = tpu.memref_slice %arg4[%dma_wait3A_407, %dma_wait3A_408, %dma_wait3A_409] : memref<23x24x128xf32, #tpu.memory_space<vmem>> -> memref<12x24x128xf32, #tpu.memory_space<vmem>>
    tpu.wait_dma2 semaphore(%arg5 : memref<!tpu.dma_semaphore, #tpu.memory_space<semaphore_mem>>) src(%dma_wait3A_410 : memref<12x24x128xf32, #tpu.memory_space<vmem>>) dst(%dma_wait3A_406 : memref<12x24x128xf32, #tpu.memory_space<hbm>>)
    %dma_wait3A_411 = arith.constant 3 : i32
    %dma_wait3A_412 = arith.constant 0 : i32
    %dma_wait3A_413 = arith.constant 0 : i32
    %dma_wait3A_414 = tpu.memref_slice %arg4[%dma_wait3A_411, %dma_wait3A_412, %dma_wait3A_413] : memref<23x24x128xf32, #tpu.memory_space<vmem>> -> memref<12x24x128xf32, #tpu.memory_space<vmem>>
    %dma_wait3A_415 = arith.constant 0 : i32
    %dma_wait3A_416 = arith.constant 0 : i32
    %dma_wait3A_417 = tpu.memref_slice %arg3[%add3A_188, %mul3A_14, %dma_wait3A_415, %dma_wait3A_416] : memref<576x24x24x128xf32, #tpu.memory_space<hbm>> -> memref<1x12x24x128xf32, #tpu.memory_space<hbm>>
    %dma_wait3A_418 = tpu.memref_squeeze %dma_wait3A_417 : memref<1x12x24x128xf32, #tpu.memory_space<hbm>> -> memref<12x24x128xf32, #tpu.memory_space<hbm>>
    %dma_wait3A_419 = arith.constant 0 : i32
    %dma_wait3A_420 = arith.constant 0 : i32
    %dma_wait3A_421 = tpu.memref_slice %arg3[%add3A_188, %mul3A_14, %dma_wait3A_419, %dma_wait3A_420] : memref<576x24x24x128xf32, #tpu.memory_space<hbm>> -> memref<1x12x24x128xf32, #tpu.memory_space<hbm>>
    %dma_wait3A_422 = tpu.memref_squeeze %dma_wait3A_421 : memref<1x12x24x128xf32, #tpu.memory_space<hbm>> -> memref<12x24x128xf32, #tpu.memory_space<hbm>>
    %dma_wait3A_423 = arith.constant 3 : i32
    %dma_wait3A_424 = arith.constant 0 : i32
    %dma_wait3A_425 = arith.constant 0 : i32
    %dma_wait3A_426 = tpu.memref_slice %arg4[%dma_wait3A_423, %dma_wait3A_424, %dma_wait3A_425] : memref<23x24x128xf32, #tpu.memory_space<vmem>> -> memref<12x24x128xf32, #tpu.memory_space<vmem>>
    tpu.wait_dma2 semaphore(%arg5 : memref<!tpu.dma_semaphore, #tpu.memory_space<semaphore_mem>>) src(%dma_wait3A_426 : memref<12x24x128xf32, #tpu.memory_space<vmem>>) dst(%dma_wait3A_422 : memref<12x24x128xf32, #tpu.memory_space<hbm>>)
    %dma_wait3A_427 = arith.constant 2 : i32
    %dma_wait3A_428 = arith.constant 0 : i32
    %dma_wait3A_429 = arith.constant 0 : i32
    %dma_wait3A_430 = tpu.memref_slice %arg4[%dma_wait3A_427, %dma_wait3A_428, %dma_wait3A_429] : memref<23x24x128xf32, #tpu.memory_space<vmem>> -> memref<12x24x128xf32, #tpu.memory_space<vmem>>
    %dma_wait3A_431 = arith.constant 0 : i32
    %dma_wait3A_432 = arith.constant 0 : i32
    %dma_wait3A_433 = tpu.memref_slice %arg3[%add3A_209, %mul3A_14, %dma_wait3A_431, %dma_wait3A_432] : memref<576x24x24x128xf32, #tpu.memory_space<hbm>> -> memref<1x12x24x128xf32, #tpu.memory_space<hbm>>
    %dma_wait3A_434 = tpu.memref_squeeze %dma_wait3A_433 : memref<1x12x24x128xf32, #tpu.memory_space<hbm>> -> memref<12x24x128xf32, #tpu.memory_space<hbm>>
    %dma_wait3A_435 = arith.constant 0 : i32
    %dma_wait3A_436 = arith.constant 0 : i32
    %dma_wait3A_437 = tpu.memref_slice %arg3[%add3A_209, %mul3A_14, %dma_wait3A_435, %dma_wait3A_436] : memref<576x24x24x128xf32, #tpu.memory_space<hbm>> -> memref<1x12x24x128xf32, #tpu.memory_space<hbm>>
    %dma_wait3A_438 = tpu.memref_squeeze %dma_wait3A_437 : memref<1x12x24x128xf32, #tpu.memory_space<hbm>> -> memref<12x24x128xf32, #tpu.memory_space<hbm>>
    %dma_wait3A_439 = arith.constant 2 : i32
    %dma_wait3A_440 = arith.constant 0 : i32
    %dma_wait3A_441 = arith.constant 0 : i32
    %dma_wait3A_442 = tpu.memref_slice %arg4[%dma_wait3A_439, %dma_wait3A_440, %dma_wait3A_441] : memref<23x24x128xf32, #tpu.memory_space<vmem>> -> memref<12x24x128xf32, #tpu.memory_space<vmem>>
    tpu.wait_dma2 semaphore(%arg5 : memref<!tpu.dma_semaphore, #tpu.memory_space<semaphore_mem>>) src(%dma_wait3A_442 : memref<12x24x128xf32, #tpu.memory_space<vmem>>) dst(%dma_wait3A_438 : memref<12x24x128xf32, #tpu.memory_space<hbm>>)
    %dma_wait3A_443 = arith.constant 1 : i32
    %dma_wait3A_444 = arith.constant 0 : i32
    %dma_wait3A_445 = arith.constant 0 : i32
    %dma_wait3A_446 = tpu.memref_slice %arg4[%dma_wait3A_443, %dma_wait3A_444, %dma_wait3A_445] : memref<23x24x128xf32, #tpu.memory_space<vmem>> -> memref<12x24x128xf32, #tpu.memory_space<vmem>>
    %dma_wait3A_447 = arith.constant 0 : i32
    %dma_wait3A_448 = arith.constant 0 : i32
    %dma_wait3A_449 = tpu.memref_slice %arg3[%add3A_230, %mul3A_14, %dma_wait3A_447, %dma_wait3A_448] : memref<576x24x24x128xf32, #tpu.memory_space<hbm>> -> memref<1x12x24x128xf32, #tpu.memory_space<hbm>>
    %dma_wait3A_450 = tpu.memref_squeeze %dma_wait3A_449 : memref<1x12x24x128xf32, #tpu.memory_space<hbm>> -> memref<12x24x128xf32, #tpu.memory_space<hbm>>
    %dma_wait3A_451 = arith.constant 0 : i32
    %dma_wait3A_452 = arith.constant 0 : i32
    %dma_wait3A_453 = tpu.memref_slice %arg3[%add3A_230, %mul3A_14, %dma_wait3A_451, %dma_wait3A_452] : memref<576x24x24x128xf32, #tpu.memory_space<hbm>> -> memref<1x12x24x128xf32, #tpu.memory_space<hbm>>
    %dma_wait3A_454 = tpu.memref_squeeze %dma_wait3A_453 : memref<1x12x24x128xf32, #tpu.memory_space<hbm>> -> memref<12x24x128xf32, #tpu.memory_space<hbm>>
    %dma_wait3A_455 = arith.constant 1 : i32
    %dma_wait3A_456 = arith.constant 0 : i32
    %dma_wait3A_457 = arith.constant 0 : i32
    %dma_wait3A_458 = tpu.memref_slice %arg4[%dma_wait3A_455, %dma_wait3A_456, %dma_wait3A_457] : memref<23x24x128xf32, #tpu.memory_space<vmem>> -> memref<12x24x128xf32, #tpu.memory_space<vmem>>
    tpu.wait_dma2 semaphore(%arg5 : memref<!tpu.dma_semaphore, #tpu.memory_space<semaphore_mem>>) src(%dma_wait3A_458 : memref<12x24x128xf32, #tpu.memory_space<vmem>>) dst(%dma_wait3A_454 : memref<12x24x128xf32, #tpu.memory_space<hbm>>)
    %dma_wait3A_459 = arith.constant 0 : i32
    %dma_wait3A_460 = arith.constant 0 : i32
    %dma_wait3A_461 = arith.constant 0 : i32
    %dma_wait3A_462 = tpu.memref_slice %arg4[%dma_wait3A_459, %dma_wait3A_460, %dma_wait3A_461] : memref<23x24x128xf32, #tpu.memory_space<vmem>> -> memref<12x24x128xf32, #tpu.memory_space<vmem>>
    %dma_wait3A_463 = arith.constant 0 : i32
    %dma_wait3A_464 = arith.constant 0 : i32
    %dma_wait3A_465 = tpu.memref_slice %arg3[%add3A_251, %mul3A_14, %dma_wait3A_463, %dma_wait3A_464] : memref<576x24x24x128xf32, #tpu.memory_space<hbm>> -> memref<1x12x24x128xf32, #tpu.memory_space<hbm>>
    %dma_wait3A_466 = tpu.memref_squeeze %dma_wait3A_465 : memref<1x12x24x128xf32, #tpu.memory_space<hbm>> -> memref<12x24x128xf32, #tpu.memory_space<hbm>>
    %dma_wait3A_467 = arith.constant 0 : i32
    %dma_wait3A_468 = arith.constant 0 : i32
    %dma_wait3A_469 = tpu.memref_slice %arg3[%add3A_251, %mul3A_14, %dma_wait3A_467, %dma_wait3A_468] : memref<576x24x24x128xf32, #tpu.memory_space<hbm>> -> memref<1x12x24x128xf32, #tpu.memory_space<hbm>>
    %dma_wait3A_470 = tpu.memref_squeeze %dma_wait3A_469 : memref<1x12x24x128xf32, #tpu.memory_space<hbm>> -> memref<12x24x128xf32, #tpu.memory_space<hbm>>
    %dma_wait3A_471 = arith.constant 0 : i32
    %dma_wait3A_472 = arith.constant 0 : i32
    %dma_wait3A_473 = arith.constant 0 : i32
    %dma_wait3A_474 = tpu.memref_slice %arg4[%dma_wait3A_471, %dma_wait3A_472, %dma_wait3A_473] : memref<23x24x128xf32, #tpu.memory_space<vmem>> -> memref<12x24x128xf32, #tpu.memory_space<vmem>>
    tpu.wait_dma2 semaphore(%arg5 : memref<!tpu.dma_semaphore, #tpu.memory_space<semaphore_mem>>) src(%dma_wait3A_474 : memref<12x24x128xf32, #tpu.memory_space<vmem>>) dst(%dma_wait3A_470 : memref<12x24x128xf32, #tpu.memory_space<hbm>>)
    %sub3A_475 = arith.constant 12 : i32
    %sub3A_476 = arith.subi %sub3A_475, %mul3A_281 : i32
    %add3A_477 = arith.addi %sub3A_476, %mul3A_283 : i32
    "tpu.region"() ({
      %run_scoped3A = tpu.sem_alloc : memref<!tpu.dma_semaphore, #tpu.memory_space<semaphore_mem>>
      %dma_start3A_1385 = arith.constant 0 : i32
      %dma_start3A_1386 = arith.constant 0 : i32
      %dma_start3A_1387 = tpu.memref_slice %arg2[%div3A_273, %add3A_477, %dma_start3A_1385, %dma_start3A_1386] : memref<24x47x24x128xf32, #tpu.memory_space<hbm>> -> memref<1x23x24x128xf32, #tpu.memory_space<hbm>>
      %dma_start3A_1388 = tpu.memref_squeeze %dma_start3A_1387 : memref<1x23x24x128xf32, #tpu.memory_space<hbm>> -> memref<23x24x128xf32, #tpu.memory_space<hbm>>
      %dma_start3A_1389 = arith.constant 0 : i32
      %dma_start3A_1390 = arith.constant 0 : i32
      %dma_start3A_1391 = tpu.memref_slice %arg2[%div3A_273, %add3A_477, %dma_start3A_1389, %dma_start3A_1390] : memref<24x47x24x128xf32, #tpu.memory_space<hbm>> -> memref<1x23x24x128xf32, #tpu.memory_space<hbm>>
      %dma_start3A_1392 = tpu.memref_squeeze %dma_start3A_1391 : memref<1x23x24x128xf32, #tpu.memory_space<hbm>> -> memref<23x24x128xf32, #tpu.memory_space<hbm>>
      tpu.enqueue_dma source(%dma_start3A_1392 : memref<23x24x128xf32, #tpu.memory_space<hbm>>) target(%arg4 : memref<23x24x128xf32, #tpu.memory_space<vmem>>) target_semaphore(%run_scoped3A : memref<!tpu.dma_semaphore, #tpu.memory_space<semaphore_mem>>)
      %dma_wait3A_1393 = arith.constant 0 : i32
      %dma_wait3A_1394 = arith.constant 0 : i32
      %dma_wait3A_1395 = tpu.memref_slice %arg2[%div3A_273, %add3A_477, %dma_wait3A_1393, %dma_wait3A_1394] : memref<24x47x24x128xf32, #tpu.memory_space<hbm>> -> memref<1x23x24x128xf32, #tpu.memory_space<hbm>>
      %dma_wait3A_1396 = tpu.memref_squeeze %dma_wait3A_1395 : memref<1x23x24x128xf32, #tpu.memory_space<hbm>> -> memref<23x24x128xf32, #tpu.memory_space<hbm>>
      %dma_wait3A_1397 = arith.constant 0 : i32
      %dma_wait3A_1398 = arith.constant 0 : i32
      %dma_wait3A_1399 = tpu.memref_slice %arg2[%div3A_273, %add3A_477, %dma_wait3A_1397, %dma_wait3A_1398] : memref<24x47x24x128xf32, #tpu.memory_space<hbm>> -> memref<1x23x24x128xf32, #tpu.memory_space<hbm>>
      %dma_wait3A_1400 = tpu.memref_squeeze %dma_wait3A_1399 : memref<1x23x24x128xf32, #tpu.memory_space<hbm>> -> memref<23x24x128xf32, #tpu.memory_space<hbm>>
      tpu.wait_dma2 semaphore(%run_scoped3A : memref<!tpu.dma_semaphore, #tpu.memory_space<semaphore_mem>>) src(%dma_wait3A_1400 : memref<23x24x128xf32, #tpu.memory_space<hbm>>) dst(%arg4 : memref<23x24x128xf32, #tpu.memory_space<vmem>>)
      tpu.yield
    }) : () -> ()
    %add3A_478 = arith.constant 0 : i32
    %add3A_479 = arith.addi %mul3A_281, %add3A_478 : i32
    %mul3A_480 = arith.constant 24 : i32
    %mul3A_481 = arith.muli %add3A_479, %mul3A_480 : i32
    %add3A_482 = arith.addi %mul3A_481, %div3A_273 : i32
    %dma_start3A_483 = arith.constant 11 : i32
    %dma_start3A_484 = arith.constant 0 : i32
    %dma_start3A_485 = arith.constant 0 : i32
    %dma_start3A_486 = tpu.memref_slice %arg4[%dma_start3A_483, %dma_start3A_484, %dma_start3A_485] : memref<23x24x128xf32, #tpu.memory_space<vmem>> -> memref<12x24x128xf32, #tpu.memory_space<vmem>>
    %dma_start3A_487 = arith.constant 0 : i32
    %dma_start3A_488 = arith.constant 0 : i32
    %dma_start3A_489 = tpu.memref_slice %arg3[%add3A_482, %mul3A_283, %dma_start3A_487, %dma_start3A_488] : memref<576x24x24x128xf32, #tpu.memory_space<hbm>> -> memref<1x12x24x128xf32, #tpu.memory_space<hbm>>
    %dma_start3A_490 = tpu.memref_squeeze %dma_start3A_489 : memref<1x12x24x128xf32, #tpu.memory_space<hbm>> -> memref<12x24x128xf32, #tpu.memory_space<hbm>>
    %dma_start3A_491 = arith.constant 0 : i32
    %dma_start3A_492 = arith.constant 0 : i32
    %dma_start3A_493 = tpu.memref_slice %arg3[%add3A_482, %mul3A_283, %dma_start3A_491, %dma_start3A_492] : memref<576x24x24x128xf32, #tpu.memory_space<hbm>> -> memref<1x12x24x128xf32, #tpu.memory_space<hbm>>
    %dma_start3A_494 = tpu.memref_squeeze %dma_start3A_493 : memref<1x12x24x128xf32, #tpu.memory_space<hbm>> -> memref<12x24x128xf32, #tpu.memory_space<hbm>>
    %dma_start3A_495 = arith.constant 11 : i32
    %dma_start3A_496 = arith.constant 0 : i32
    %dma_start3A_497 = arith.constant 0 : i32
    %dma_start3A_498 = tpu.memref_slice %arg4[%dma_start3A_495, %dma_start3A_496, %dma_start3A_497] : memref<23x24x128xf32, #tpu.memory_space<vmem>> -> memref<12x24x128xf32, #tpu.memory_space<vmem>>
    tpu.enqueue_dma source(%dma_start3A_498 : memref<12x24x128xf32, #tpu.memory_space<vmem>>) target(%dma_start3A_494 : memref<12x24x128xf32, #tpu.memory_space<hbm>>) target_semaphore(%arg5 : memref<!tpu.dma_semaphore, #tpu.memory_space<semaphore_mem>>)
    %add3A_499 = arith.constant 1 : i32
    %add3A_500 = arith.addi %mul3A_281, %add3A_499 : i32
    %mul3A_501 = arith.constant 24 : i32
    %mul3A_502 = arith.muli %add3A_500, %mul3A_501 : i32
    %add3A_503 = arith.addi %mul3A_502, %div3A_273 : i32
    %dma_start3A_504 = arith.constant 10 : i32
    %dma_start3A_505 = arith.constant 0 : i32
    %dma_start3A_506 = arith.constant 0 : i32
    %dma_start3A_507 = tpu.memref_slice %arg4[%dma_start3A_504, %dma_start3A_505, %dma_start3A_506] : memref<23x24x128xf32, #tpu.memory_space<vmem>> -> memref<12x24x128xf32, #tpu.memory_space<vmem>>
    %dma_start3A_508 = arith.constant 0 : i32
    %dma_start3A_509 = arith.constant 0 : i32
    %dma_start3A_510 = tpu.memref_slice %arg3[%add3A_503, %mul3A_283, %dma_start3A_508, %dma_start3A_509] : memref<576x24x24x128xf32, #tpu.memory_space<hbm>> -> memref<1x12x24x128xf32, #tpu.memory_space<hbm>>
    %dma_start3A_511 = tpu.memref_squeeze %dma_start3A_510 : memref<1x12x24x128xf32, #tpu.memory_space<hbm>> -> memref<12x24x128xf32, #tpu.memory_space<hbm>>
    %dma_start3A_512 = arith.constant 0 : i32
    %dma_start3A_513 = arith.constant 0 : i32
    %dma_start3A_514 = tpu.memref_slice %arg3[%add3A_503, %mul3A_283, %dma_start3A_512, %dma_start3A_513] : memref<576x24x24x128xf32, #tpu.memory_space<hbm>> -> memref<1x12x24x128xf32, #tpu.memory_space<hbm>>
    %dma_start3A_515 = tpu.memref_squeeze %dma_start3A_514 : memref<1x12x24x128xf32, #tpu.memory_space<hbm>> -> memref<12x24x128xf32, #tpu.memory_space<hbm>>
    %dma_start3A_516 = arith.constant 10 : i32
    %dma_start3A_517 = arith.constant 0 : i32
    %dma_start3A_518 = arith.constant 0 : i32
    %dma_start3A_519 = tpu.memref_slice %arg4[%dma_start3A_516, %dma_start3A_517, %dma_start3A_518] : memref<23x24x128xf32, #tpu.memory_space<vmem>> -> memref<12x24x128xf32, #tpu.memory_space<vmem>>
    tpu.enqueue_dma source(%dma_start3A_519 : memref<12x24x128xf32, #tpu.memory_space<vmem>>) target(%dma_start3A_515 : memref<12x24x128xf32, #tpu.memory_space<hbm>>) target_semaphore(%arg5 : memref<!tpu.dma_semaphore, #tpu.memory_space<semaphore_mem>>)
    %add3A_520 = arith.constant 2 : i32
    %add3A_521 = arith.addi %mul3A_281, %add3A_520 : i32
    %mul3A_522 = arith.constant 24 : i32
    %mul3A_523 = arith.muli %add3A_521, %mul3A_522 : i32
    %add3A_524 = arith.addi %mul3A_523, %div3A_273 : i32
    %dma_start3A_525 = arith.constant 9 : i32
    %dma_start3A_526 = arith.constant 0 : i32
    %dma_start3A_527 = arith.constant 0 : i32
    %dma_start3A_528 = tpu.memref_slice %arg4[%dma_start3A_525, %dma_start3A_526, %dma_start3A_527] : memref<23x24x128xf32, #tpu.memory_space<vmem>> -> memref<12x24x128xf32, #tpu.memory_space<vmem>>
    %dma_start3A_529 = arith.constant 0 : i32
    %dma_start3A_530 = arith.constant 0 : i32
    %dma_start3A_531 = tpu.memref_slice %arg3[%add3A_524, %mul3A_283, %dma_start3A_529, %dma_start3A_530] : memref<576x24x24x128xf32, #tpu.memory_space<hbm>> -> memref<1x12x24x128xf32, #tpu.memory_space<hbm>>
    %dma_start3A_532 = tpu.memref_squeeze %dma_start3A_531 : memref<1x12x24x128xf32, #tpu.memory_space<hbm>> -> memref<12x24x128xf32, #tpu.memory_space<hbm>>
    %dma_start3A_533 = arith.constant 0 : i32
    %dma_start3A_534 = arith.constant 0 : i32
    %dma_start3A_535 = tpu.memref_slice %arg3[%add3A_524, %mul3A_283, %dma_start3A_533, %dma_start3A_534] : memref<576x24x24x128xf32, #tpu.memory_space<hbm>> -> memref<1x12x24x128xf32, #tpu.memory_space<hbm>>
    %dma_start3A_536 = tpu.memref_squeeze %dma_start3A_535 : memref<1x12x24x128xf32, #tpu.memory_space<hbm>> -> memref<12x24x128xf32, #tpu.memory_space<hbm>>
    %dma_start3A_537 = arith.constant 9 : i32
    %dma_start3A_538 = arith.constant 0 : i32
    %dma_start3A_539 = arith.constant 0 : i32
    %dma_start3A_540 = tpu.memref_slice %arg4[%dma_start3A_537, %dma_start3A_538, %dma_start3A_539] : memref<23x24x128xf32, #tpu.memory_space<vmem>> -> memref<12x24x128xf32, #tpu.memory_space<vmem>>
    tpu.enqueue_dma source(%dma_start3A_540 : memref<12x24x128xf32, #tpu.memory_space<vmem>>) target(%dma_start3A_536 : memref<12x24x128xf32, #tpu.memory_space<hbm>>) target_semaphore(%arg5 : memref<!tpu.dma_semaphore, #tpu.memory_space<semaphore_mem>>)
    %add3A_541 = arith.constant 3 : i32
    %add3A_542 = arith.addi %mul3A_281, %add3A_541 : i32
    %mul3A_543 = arith.constant 24 : i32
    %mul3A_544 = arith.muli %add3A_542, %mul3A_543 : i32
    %add3A_545 = arith.addi %mul3A_544, %div3A_273 : i32
    %dma_start3A_546 = arith.constant 8 : i32
    %dma_start3A_547 = arith.constant 0 : i32
    %dma_start3A_548 = arith.constant 0 : i32
    %dma_start3A_549 = tpu.memref_slice %arg4[%dma_start3A_546, %dma_start3A_547, %dma_start3A_548] : memref<23x24x128xf32, #tpu.memory_space<vmem>> -> memref<12x24x128xf32, #tpu.memory_space<vmem>>
    %dma_start3A_550 = arith.constant 0 : i32
    %dma_start3A_551 = arith.constant 0 : i32
    %dma_start3A_552 = tpu.memref_slice %arg3[%add3A_545, %mul3A_283, %dma_start3A_550, %dma_start3A_551] : memref<576x24x24x128xf32, #tpu.memory_space<hbm>> -> memref<1x12x24x128xf32, #tpu.memory_space<hbm>>
    %dma_start3A_553 = tpu.memref_squeeze %dma_start3A_552 : memref<1x12x24x128xf32, #tpu.memory_space<hbm>> -> memref<12x24x128xf32, #tpu.memory_space<hbm>>
    %dma_start3A_554 = arith.constant 0 : i32
    %dma_start3A_555 = arith.constant 0 : i32
    %dma_start3A_556 = tpu.memref_slice %arg3[%add3A_545, %mul3A_283, %dma_start3A_554, %dma_start3A_555] : memref<576x24x24x128xf32, #tpu.memory_space<hbm>> -> memref<1x12x24x128xf32, #tpu.memory_space<hbm>>
    %dma_start3A_557 = tpu.memref_squeeze %dma_start3A_556 : memref<1x12x24x128xf32, #tpu.memory_space<hbm>> -> memref<12x24x128xf32, #tpu.memory_space<hbm>>
    %dma_start3A_558 = arith.constant 8 : i32
    %dma_start3A_559 = arith.constant 0 : i32
    %dma_start3A_560 = arith.constant 0 : i32
    %dma_start3A_561 = tpu.memref_slice %arg4[%dma_start3A_558, %dma_start3A_559, %dma_start3A_560] : memref<23x24x128xf32, #tpu.memory_space<vmem>> -> memref<12x24x128xf32, #tpu.memory_space<vmem>>
    tpu.enqueue_dma source(%dma_start3A_561 : memref<12x24x128xf32, #tpu.memory_space<vmem>>) target(%dma_start3A_557 : memref<12x24x128xf32, #tpu.memory_space<hbm>>) target_semaphore(%arg5 : memref<!tpu.dma_semaphore, #tpu.memory_space<semaphore_mem>>)
    %add3A_562 = arith.constant 4 : i32
    %add3A_563 = arith.addi %mul3A_281, %add3A_562 : i32
    %mul3A_564 = arith.constant 24 : i32
    %mul3A_565 = arith.muli %add3A_563, %mul3A_564 : i32
    %add3A_566 = arith.addi %mul3A_565, %div3A_273 : i32
    %dma_start3A_567 = arith.constant 7 : i32
    %dma_start3A_568 = arith.constant 0 : i32
    %dma_start3A_569 = arith.constant 0 : i32
    %dma_start3A_570 = tpu.memref_slice %arg4[%dma_start3A_567, %dma_start3A_568, %dma_start3A_569] : memref<23x24x128xf32, #tpu.memory_space<vmem>> -> memref<12x24x128xf32, #tpu.memory_space<vmem>>
    %dma_start3A_571 = arith.constant 0 : i32
    %dma_start3A_572 = arith.constant 0 : i32
    %dma_start3A_573 = tpu.memref_slice %arg3[%add3A_566, %mul3A_283, %dma_start3A_571, %dma_start3A_572] : memref<576x24x24x128xf32, #tpu.memory_space<hbm>> -> memref<1x12x24x128xf32, #tpu.memory_space<hbm>>
    %dma_start3A_574 = tpu.memref_squeeze %dma_start3A_573 : memref<1x12x24x128xf32, #tpu.memory_space<hbm>> -> memref<12x24x128xf32, #tpu.memory_space<hbm>>
    %dma_start3A_575 = arith.constant 0 : i32
    %dma_start3A_576 = arith.constant 0 : i32
    %dma_start3A_577 = tpu.memref_slice %arg3[%add3A_566, %mul3A_283, %dma_start3A_575, %dma_start3A_576] : memref<576x24x24x128xf32, #tpu.memory_space<hbm>> -> memref<1x12x24x128xf32, #tpu.memory_space<hbm>>
    %dma_start3A_578 = tpu.memref_squeeze %dma_start3A_577 : memref<1x12x24x128xf32, #tpu.memory_space<hbm>> -> memref<12x24x128xf32, #tpu.memory_space<hbm>>
    %dma_start3A_579 = arith.constant 7 : i32
    %dma_start3A_580 = arith.constant 0 : i32
    %dma_start3A_581 = arith.constant 0 : i32
    %dma_start3A_582 = tpu.memref_slice %arg4[%dma_start3A_579, %dma_start3A_580, %dma_start3A_581] : memref<23x24x128xf32, #tpu.memory_space<vmem>> -> memref<12x24x128xf32, #tpu.memory_space<vmem>>
    tpu.enqueue_dma source(%dma_start3A_582 : memref<12x24x128xf32, #tpu.memory_space<vmem>>) target(%dma_start3A_578 : memref<12x24x128xf32, #tpu.memory_space<hbm>>) target_semaphore(%arg5 : memref<!tpu.dma_semaphore, #tpu.memory_space<semaphore_mem>>)
    %add3A_583 = arith.constant 5 : i32
    %add3A_584 = arith.addi %mul3A_281, %add3A_583 : i32
    %mul3A_585 = arith.constant 24 : i32
    %mul3A_586 = arith.muli %add3A_584, %mul3A_585 : i32
    %add3A_587 = arith.addi %mul3A_586, %div3A_273 : i32
    %dma_start3A_588 = arith.constant 6 : i32
    %dma_start3A_589 = arith.constant 0 : i32
    %dma_start3A_590 = arith.constant 0 : i32
    %dma_start3A_591 = tpu.memref_slice %arg4[%dma_start3A_588, %dma_start3A_589, %dma_start3A_590] : memref<23x24x128xf32, #tpu.memory_space<vmem>> -> memref<12x24x128xf32, #tpu.memory_space<vmem>>
    %dma_start3A_592 = arith.constant 0 : i32
    %dma_start3A_593 = arith.constant 0 : i32
    %dma_start3A_594 = tpu.memref_slice %arg3[%add3A_587, %mul3A_283, %dma_start3A_592, %dma_start3A_593] : memref<576x24x24x128xf32, #tpu.memory_space<hbm>> -> memref<1x12x24x128xf32, #tpu.memory_space<hbm>>
    %dma_start3A_595 = tpu.memref_squeeze %dma_start3A_594 : memref<1x12x24x128xf32, #tpu.memory_space<hbm>> -> memref<12x24x128xf32, #tpu.memory_space<hbm>>
    %dma_start3A_596 = arith.constant 0 : i32
    %dma_start3A_597 = arith.constant 0 : i32
    %dma_start3A_598 = tpu.memref_slice %arg3[%add3A_587, %mul3A_283, %dma_start3A_596, %dma_start3A_597] : memref<576x24x24x128xf32, #tpu.memory_space<hbm>> -> memref<1x12x24x128xf32, #tpu.memory_space<hbm>>
    %dma_start3A_599 = tpu.memref_squeeze %dma_start3A_598 : memref<1x12x24x128xf32, #tpu.memory_space<hbm>> -> memref<12x24x128xf32, #tpu.memory_space<hbm>>
    %dma_start3A_600 = arith.constant 6 : i32
    %dma_start3A_601 = arith.constant 0 : i32
    %dma_start3A_602 = arith.constant 0 : i32
    %dma_start3A_603 = tpu.memref_slice %arg4[%dma_start3A_600, %dma_start3A_601, %dma_start3A_602] : memref<23x24x128xf32, #tpu.memory_space<vmem>> -> memref<12x24x128xf32, #tpu.memory_space<vmem>>
    tpu.enqueue_dma source(%dma_start3A_603 : memref<12x24x128xf32, #tpu.memory_space<vmem>>) target(%dma_start3A_599 : memref<12x24x128xf32, #tpu.memory_space<hbm>>) target_semaphore(%arg5 : memref<!tpu.dma_semaphore, #tpu.memory_space<semaphore_mem>>)
    %add3A_604 = arith.constant 6 : i32
    %add3A_605 = arith.addi %mul3A_281, %add3A_604 : i32
    %mul3A_606 = arith.constant 24 : i32
    %mul3A_607 = arith.muli %add3A_605, %mul3A_606 : i32
    %add3A_608 = arith.addi %mul3A_607, %div3A_273 : i32
    %dma_start3A_609 = arith.constant 5 : i32
    %dma_start3A_610 = arith.constant 0 : i32
    %dma_start3A_611 = arith.constant 0 : i32
    %dma_start3A_612 = tpu.memref_slice %arg4[%dma_start3A_609, %dma_start3A_610, %dma_start3A_611] : memref<23x24x128xf32, #tpu.memory_space<vmem>> -> memref<12x24x128xf32, #tpu.memory_space<vmem>>
    %dma_start3A_613 = arith.constant 0 : i32
    %dma_start3A_614 = arith.constant 0 : i32
    %dma_start3A_615 = tpu.memref_slice %arg3[%add3A_608, %mul3A_283, %dma_start3A_613, %dma_start3A_614] : memref<576x24x24x128xf32, #tpu.memory_space<hbm>> -> memref<1x12x24x128xf32, #tpu.memory_space<hbm>>
    %dma_start3A_616 = tpu.memref_squeeze %dma_start3A_615 : memref<1x12x24x128xf32, #tpu.memory_space<hbm>> -> memref<12x24x128xf32, #tpu.memory_space<hbm>>
    %dma_start3A_617 = arith.constant 0 : i32
    %dma_start3A_618 = arith.constant 0 : i32
    %dma_start3A_619 = tpu.memref_slice %arg3[%add3A_608, %mul3A_283, %dma_start3A_617, %dma_start3A_618] : memref<576x24x24x128xf32, #tpu.memory_space<hbm>> -> memref<1x12x24x128xf32, #tpu.memory_space<hbm>>
    %dma_start3A_620 = tpu.memref_squeeze %dma_start3A_619 : memref<1x12x24x128xf32, #tpu.memory_space<hbm>> -> memref<12x24x128xf32, #tpu.memory_space<hbm>>
    %dma_start3A_621 = arith.constant 5 : i32
    %dma_start3A_622 = arith.constant 0 : i32
    %dma_start3A_623 = arith.constant 0 : i32
    %dma_start3A_624 = tpu.memref_slice %arg4[%dma_start3A_621, %dma_start3A_622, %dma_start3A_623] : memref<23x24x128xf32, #tpu.memory_space<vmem>> -> memref<12x24x128xf32, #tpu.memory_space<vmem>>
    tpu.enqueue_dma source(%dma_start3A_624 : memref<12x24x128xf32, #tpu.memory_space<vmem>>) target(%dma_start3A_620 : memref<12x24x128xf32, #tpu.memory_space<hbm>>) target_semaphore(%arg5 : memref<!tpu.dma_semaphore, #tpu.memory_space<semaphore_mem>>)
    %add3A_625 = arith.constant 7 : i32
    %add3A_626 = arith.addi %mul3A_281, %add3A_625 : i32
    %mul3A_627 = arith.constant 24 : i32
    %mul3A_628 = arith.muli %add3A_626, %mul3A_627 : i32
    %add3A_629 = arith.addi %mul3A_628, %div3A_273 : i32
    %dma_start3A_630 = arith.constant 4 : i32
    %dma_start3A_631 = arith.constant 0 : i32
    %dma_start3A_632 = arith.constant 0 : i32
    %dma_start3A_633 = tpu.memref_slice %arg4[%dma_start3A_630, %dma_start3A_631, %dma_start3A_632] : memref<23x24x128xf32, #tpu.memory_space<vmem>> -> memref<12x24x128xf32, #tpu.memory_space<vmem>>
    %dma_start3A_634 = arith.constant 0 : i32
    %dma_start3A_635 = arith.constant 0 : i32
    %dma_start3A_636 = tpu.memref_slice %arg3[%add3A_629, %mul3A_283, %dma_start3A_634, %dma_start3A_635] : memref<576x24x24x128xf32, #tpu.memory_space<hbm>> -> memref<1x12x24x128xf32, #tpu.memory_space<hbm>>
    %dma_start3A_637 = tpu.memref_squeeze %dma_start3A_636 : memref<1x12x24x128xf32, #tpu.memory_space<hbm>> -> memref<12x24x128xf32, #tpu.memory_space<hbm>>
    %dma_start3A_638 = arith.constant 0 : i32
    %dma_start3A_639 = arith.constant 0 : i32
    %dma_start3A_640 = tpu.memref_slice %arg3[%add3A_629, %mul3A_283, %dma_start3A_638, %dma_start3A_639] : memref<576x24x24x128xf32, #tpu.memory_space<hbm>> -> memref<1x12x24x128xf32, #tpu.memory_space<hbm>>
    %dma_start3A_641 = tpu.memref_squeeze %dma_start3A_640 : memref<1x12x24x128xf32, #tpu.memory_space<hbm>> -> memref<12x24x128xf32, #tpu.memory_space<hbm>>
    %dma_start3A_642 = arith.constant 4 : i32
    %dma_start3A_643 = arith.constant 0 : i32
    %dma_start3A_644 = arith.constant 0 : i32
    %dma_start3A_645 = tpu.memref_slice %arg4[%dma_start3A_642, %dma_start3A_643, %dma_start3A_644] : memref<23x24x128xf32, #tpu.memory_space<vmem>> -> memref<12x24x128xf32, #tpu.memory_space<vmem>>
    tpu.enqueue_dma source(%dma_start3A_645 : memref<12x24x128xf32, #tpu.memory_space<vmem>>) target(%dma_start3A_641 : memref<12x24x128xf32, #tpu.memory_space<hbm>>) target_semaphore(%arg5 : memref<!tpu.dma_semaphore, #tpu.memory_space<semaphore_mem>>)
    %add3A_646 = arith.constant 8 : i32
    %add3A_647 = arith.addi %mul3A_281, %add3A_646 : i32
    %mul3A_648 = arith.constant 24 : i32
    %mul3A_649 = arith.muli %add3A_647, %mul3A_648 : i32
    %add3A_650 = arith.addi %mul3A_649, %div3A_273 : i32
    %dma_start3A_651 = arith.constant 3 : i32
    %dma_start3A_652 = arith.constant 0 : i32
    %dma_start3A_653 = arith.constant 0 : i32
    %dma_start3A_654 = tpu.memref_slice %arg4[%dma_start3A_651, %dma_start3A_652, %dma_start3A_653] : memref<23x24x128xf32, #tpu.memory_space<vmem>> -> memref<12x24x128xf32, #tpu.memory_space<vmem>>
    %dma_start3A_655 = arith.constant 0 : i32
    %dma_start3A_656 = arith.constant 0 : i32
    %dma_start3A_657 = tpu.memref_slice %arg3[%add3A_650, %mul3A_283, %dma_start3A_655, %dma_start3A_656] : memref<576x24x24x128xf32, #tpu.memory_space<hbm>> -> memref<1x12x24x128xf32, #tpu.memory_space<hbm>>
    %dma_start3A_658 = tpu.memref_squeeze %dma_start3A_657 : memref<1x12x24x128xf32, #tpu.memory_space<hbm>> -> memref<12x24x128xf32, #tpu.memory_space<hbm>>
    %dma_start3A_659 = arith.constant 0 : i32
    %dma_start3A_660 = arith.constant 0 : i32
    %dma_start3A_661 = tpu.memref_slice %arg3[%add3A_650, %mul3A_283, %dma_start3A_659, %dma_start3A_660] : memref<576x24x24x128xf32, #tpu.memory_space<hbm>> -> memref<1x12x24x128xf32, #tpu.memory_space<hbm>>
    %dma_start3A_662 = tpu.memref_squeeze %dma_start3A_661 : memref<1x12x24x128xf32, #tpu.memory_space<hbm>> -> memref<12x24x128xf32, #tpu.memory_space<hbm>>
    %dma_start3A_663 = arith.constant 3 : i32
    %dma_start3A_664 = arith.constant 0 : i32
    %dma_start3A_665 = arith.constant 0 : i32
    %dma_start3A_666 = tpu.memref_slice %arg4[%dma_start3A_663, %dma_start3A_664, %dma_start3A_665] : memref<23x24x128xf32, #tpu.memory_space<vmem>> -> memref<12x24x128xf32, #tpu.memory_space<vmem>>
    tpu.enqueue_dma source(%dma_start3A_666 : memref<12x24x128xf32, #tpu.memory_space<vmem>>) target(%dma_start3A_662 : memref<12x24x128xf32, #tpu.memory_space<hbm>>) target_semaphore(%arg5 : memref<!tpu.dma_semaphore, #tpu.memory_space<semaphore_mem>>)
    %add3A_667 = arith.constant 9 : i32
    %add3A_668 = arith.addi %mul3A_281, %add3A_667 : i32
    %mul3A_669 = arith.constant 24 : i32
    %mul3A_670 = arith.muli %add3A_668, %mul3A_669 : i32
    %add3A_671 = arith.addi %mul3A_670, %div3A_273 : i32
    %dma_start3A_672 = arith.constant 2 : i32
    %dma_start3A_673 = arith.constant 0 : i32
    %dma_start3A_674 = arith.constant 0 : i32
    %dma_start3A_675 = tpu.memref_slice %arg4[%dma_start3A_672, %dma_start3A_673, %dma_start3A_674] : memref<23x24x128xf32, #tpu.memory_space<vmem>> -> memref<12x24x128xf32, #tpu.memory_space<vmem>>
    %dma_start3A_676 = arith.constant 0 : i32
    %dma_start3A_677 = arith.constant 0 : i32
    %dma_start3A_678 = tpu.memref_slice %arg3[%add3A_671, %mul3A_283, %dma_start3A_676, %dma_start3A_677] : memref<576x24x24x128xf32, #tpu.memory_space<hbm>> -> memref<1x12x24x128xf32, #tpu.memory_space<hbm>>
    %dma_start3A_679 = tpu.memref_squeeze %dma_start3A_678 : memref<1x12x24x128xf32, #tpu.memory_space<hbm>> -> memref<12x24x128xf32, #tpu.memory_space<hbm>>
    %dma_start3A_680 = arith.constant 0 : i32
    %dma_start3A_681 = arith.constant 0 : i32
    %dma_start3A_682 = tpu.memref_slice %arg3[%add3A_671, %mul3A_283, %dma_start3A_680, %dma_start3A_681] : memref<576x24x24x128xf32, #tpu.memory_space<hbm>> -> memref<1x12x24x128xf32, #tpu.memory_space<hbm>>
    %dma_start3A_683 = tpu.memref_squeeze %dma_start3A_682 : memref<1x12x24x128xf32, #tpu.memory_space<hbm>> -> memref<12x24x128xf32, #tpu.memory_space<hbm>>
    %dma_start3A_684 = arith.constant 2 : i32
    %dma_start3A_685 = arith.constant 0 : i32
    %dma_start3A_686 = arith.constant 0 : i32
    %dma_start3A_687 = tpu.memref_slice %arg4[%dma_start3A_684, %dma_start3A_685, %dma_start3A_686] : memref<23x24x128xf32, #tpu.memory_space<vmem>> -> memref<12x24x128xf32, #tpu.memory_space<vmem>>
    tpu.enqueue_dma source(%dma_start3A_687 : memref<12x24x128xf32, #tpu.memory_space<vmem>>) target(%dma_start3A_683 : memref<12x24x128xf32, #tpu.memory_space<hbm>>) target_semaphore(%arg5 : memref<!tpu.dma_semaphore, #tpu.memory_space<semaphore_mem>>)
    %add3A_688 = arith.constant 10 : i32
    %add3A_689 = arith.addi %mul3A_281, %add3A_688 : i32
    %mul3A_690 = arith.constant 24 : i32
    %mul3A_691 = arith.muli %add3A_689, %mul3A_690 : i32
    %add3A_692 = arith.addi %mul3A_691, %div3A_273 : i32
    %dma_start3A_693 = arith.constant 1 : i32
    %dma_start3A_694 = arith.constant 0 : i32
    %dma_start3A_695 = arith.constant 0 : i32
    %dma_start3A_696 = tpu.memref_slice %arg4[%dma_start3A_693, %dma_start3A_694, %dma_start3A_695] : memref<23x24x128xf32, #tpu.memory_space<vmem>> -> memref<12x24x128xf32, #tpu.memory_space<vmem>>
    %dma_start3A_697 = arith.constant 0 : i32
    %dma_start3A_698 = arith.constant 0 : i32
    %dma_start3A_699 = tpu.memref_slice %arg3[%add3A_692, %mul3A_283, %dma_start3A_697, %dma_start3A_698] : memref<576x24x24x128xf32, #tpu.memory_space<hbm>> -> memref<1x12x24x128xf32, #tpu.memory_space<hbm>>
    %dma_start3A_700 = tpu.memref_squeeze %dma_start3A_699 : memref<1x12x24x128xf32, #tpu.memory_space<hbm>> -> memref<12x24x128xf32, #tpu.memory_space<hbm>>
    %dma_start3A_701 = arith.constant 0 : i32
    %dma_start3A_702 = arith.constant 0 : i32
    %dma_start3A_703 = tpu.memref_slice %arg3[%add3A_692, %mul3A_283, %dma_start3A_701, %dma_start3A_702] : memref<576x24x24x128xf32, #tpu.memory_space<hbm>> -> memref<1x12x24x128xf32, #tpu.memory_space<hbm>>
    %dma_start3A_704 = tpu.memref_squeeze %dma_start3A_703 : memref<1x12x24x128xf32, #tpu.memory_space<hbm>> -> memref<12x24x128xf32, #tpu.memory_space<hbm>>
    %dma_start3A_705 = arith.constant 1 : i32
    %dma_start3A_706 = arith.constant 0 : i32
    %dma_start3A_707 = arith.constant 0 : i32
    %dma_start3A_708 = tpu.memref_slice %arg4[%dma_start3A_705, %dma_start3A_706, %dma_start3A_707] : memref<23x24x128xf32, #tpu.memory_space<vmem>> -> memref<12x24x128xf32, #tpu.memory_space<vmem>>
    tpu.enqueue_dma source(%dma_start3A_708 : memref<12x24x128xf32, #tpu.memory_space<vmem>>) target(%dma_start3A_704 : memref<12x24x128xf32, #tpu.memory_space<hbm>>) target_semaphore(%arg5 : memref<!tpu.dma_semaphore, #tpu.memory_space<semaphore_mem>>)
    %add3A_709 = arith.constant 11 : i32
    %add3A_710 = arith.addi %mul3A_281, %add3A_709 : i32
    %mul3A_711 = arith.constant 24 : i32
    %mul3A_712 = arith.muli %add3A_710, %mul3A_711 : i32
    %add3A_713 = arith.addi %mul3A_712, %div3A_273 : i32
    %dma_start3A_714 = arith.constant 0 : i32
    %dma_start3A_715 = arith.constant 0 : i32
    %dma_start3A_716 = arith.constant 0 : i32
    %dma_start3A_717 = tpu.memref_slice %arg4[%dma_start3A_714, %dma_start3A_715, %dma_start3A_716] : memref<23x24x128xf32, #tpu.memory_space<vmem>> -> memref<12x24x128xf32, #tpu.memory_space<vmem>>
    %dma_start3A_718 = arith.constant 0 : i32
    %dma_start3A_719 = arith.constant 0 : i32
    %dma_start3A_720 = tpu.memref_slice %arg3[%add3A_713, %mul3A_283, %dma_start3A_718, %dma_start3A_719] : memref<576x24x24x128xf32, #tpu.memory_space<hbm>> -> memref<1x12x24x128xf32, #tpu.memory_space<hbm>>
    %dma_start3A_721 = tpu.memref_squeeze %dma_start3A_720 : memref<1x12x24x128xf32, #tpu.memory_space<hbm>> -> memref<12x24x128xf32, #tpu.memory_space<hbm>>
    %dma_start3A_722 = arith.constant 0 : i32
    %dma_start3A_723 = arith.constant 0 : i32
    %dma_start3A_724 = tpu.memref_slice %arg3[%add3A_713, %mul3A_283, %dma_start3A_722, %dma_start3A_723] : memref<576x24x24x128xf32, #tpu.memory_space<hbm>> -> memref<1x12x24x128xf32, #tpu.memory_space<hbm>>
    %dma_start3A_725 = tpu.memref_squeeze %dma_start3A_724 : memref<1x12x24x128xf32, #tpu.memory_space<hbm>> -> memref<12x24x128xf32, #tpu.memory_space<hbm>>
    %dma_start3A_726 = arith.constant 0 : i32
    %dma_start3A_727 = arith.constant 0 : i32
    %dma_start3A_728 = arith.constant 0 : i32
    %dma_start3A_729 = tpu.memref_slice %arg4[%dma_start3A_726, %dma_start3A_727, %dma_start3A_728] : memref<23x24x128xf32, #tpu.memory_space<vmem>> -> memref<12x24x128xf32, #tpu.memory_space<vmem>>
    tpu.enqueue_dma source(%dma_start3A_729 : memref<12x24x128xf32, #tpu.memory_space<vmem>>) target(%dma_start3A_725 : memref<12x24x128xf32, #tpu.memory_space<hbm>>) target_semaphore(%arg5 : memref<!tpu.dma_semaphore, #tpu.memory_space<semaphore_mem>>)
    %mul3A_730 = arith.constant 3 : i32
    %mul3A_731 = arith.muli %add3A, %mul3A_730 : i32
    %add3A_732 = arith.constant 2 : i32
    %add3A_733 = arith.addi %mul3A_731, %add3A_732 : i32
    %div3A_734 = arith.constant 4 : i32
    %div3A_735 = arith.divsi %add3A_733, %div3A_734 : i32
    %rem3A_736 = arith.constant 4 : i32
    %rem3A_737 = arith.remsi %add3A_733, %rem3A_736 : i32
    %div3A_738 = arith.constant 2 : i32
    %div3A_739 = arith.divsi %rem3A_737, %div3A_738 : i32
    %rem3A_740 = arith.constant 2 : i32
    %rem3A_741 = arith.remsi %rem3A_737, %rem3A_740 : i32
    %mul3A_742 = arith.constant 12 : i32
    %mul3A_743 = arith.muli %div3A_739, %mul3A_742 : i32
    %mul3A_744 = arith.constant 12 : i32
    %mul3A_745 = arith.muli %rem3A_741, %mul3A_744 : i32
    %dma_wait3A_746 = arith.constant 11 : i32
    %dma_wait3A_747 = arith.constant 0 : i32
    %dma_wait3A_748 = arith.constant 0 : i32
    %dma_wait3A_749 = tpu.memref_slice %arg4[%dma_wait3A_746, %dma_wait3A_747, %dma_wait3A_748] : memref<23x24x128xf32, #tpu.memory_space<vmem>> -> memref<12x24x128xf32, #tpu.memory_space<vmem>>
    %dma_wait3A_750 = arith.constant 0 : i32
    %dma_wait3A_751 = arith.constant 0 : i32
    %dma_wait3A_752 = tpu.memref_slice %arg3[%add3A_482, %mul3A_283, %dma_wait3A_750, %dma_wait3A_751] : memref<576x24x24x128xf32, #tpu.memory_space<hbm>> -> memref<1x12x24x128xf32, #tpu.memory_space<hbm>>
    %dma_wait3A_753 = tpu.memref_squeeze %dma_wait3A_752 : memref<1x12x24x128xf32, #tpu.memory_space<hbm>> -> memref<12x24x128xf32, #tpu.memory_space<hbm>>
    %dma_wait3A_754 = arith.constant 0 : i32
    %dma_wait3A_755 = arith.constant 0 : i32
    %dma_wait3A_756 = tpu.memref_slice %arg3[%add3A_482, %mul3A_283, %dma_wait3A_754, %dma_wait3A_755] : memref<576x24x24x128xf32, #tpu.memory_space<hbm>> -> memref<1x12x24x128xf32, #tpu.memory_space<hbm>>
    %dma_wait3A_757 = tpu.memref_squeeze %dma_wait3A_756 : memref<1x12x24x128xf32, #tpu.memory_space<hbm>> -> memref<12x24x128xf32, #tpu.memory_space<hbm>>
    %dma_wait3A_758 = arith.constant 11 : i32
    %dma_wait3A_759 = arith.constant 0 : i32
    %dma_wait3A_760 = arith.constant 0 : i32
    %dma_wait3A_761 = tpu.memref_slice %arg4[%dma_wait3A_758, %dma_wait3A_759, %dma_wait3A_760] : memref<23x24x128xf32, #tpu.memory_space<vmem>> -> memref<12x24x128xf32, #tpu.memory_space<vmem>>
    tpu.wait_dma2 semaphore(%arg5 : memref<!tpu.dma_semaphore, #tpu.memory_space<semaphore_mem>>) src(%dma_wait3A_761 : memref<12x24x128xf32, #tpu.memory_space<vmem>>) dst(%dma_wait3A_757 : memref<12x24x128xf32, #tpu.memory_space<hbm>>)
    %dma_wait3A_762 = arith.constant 10 : i32
    %dma_wait3A_763 = arith.constant 0 : i32
    %dma_wait3A_764 = arith.constant 0 : i32
    %dma_wait3A_765 = tpu.memref_slice %arg4[%dma_wait3A_762, %dma_wait3A_763, %dma_wait3A_764] : memref<23x24x128xf32, #tpu.memory_space<vmem>> -> memref<12x24x128xf32, #tpu.memory_space<vmem>>
    %dma_wait3A_766 = arith.constant 0 : i32
    %dma_wait3A_767 = arith.constant 0 : i32
    %dma_wait3A_768 = tpu.memref_slice %arg3[%add3A_503, %mul3A_283, %dma_wait3A_766, %dma_wait3A_767] : memref<576x24x24x128xf32, #tpu.memory_space<hbm>> -> memref<1x12x24x128xf32, #tpu.memory_space<hbm>>
    %dma_wait3A_769 = tpu.memref_squeeze %dma_wait3A_768 : memref<1x12x24x128xf32, #tpu.memory_space<hbm>> -> memref<12x24x128xf32, #tpu.memory_space<hbm>>
    %dma_wait3A_770 = arith.constant 0 : i32
    %dma_wait3A_771 = arith.constant 0 : i32
    %dma_wait3A_772 = tpu.memref_slice %arg3[%add3A_503, %mul3A_283, %dma_wait3A_770, %dma_wait3A_771] : memref<576x24x24x128xf32, #tpu.memory_space<hbm>> -> memref<1x12x24x128xf32, #tpu.memory_space<hbm>>
    %dma_wait3A_773 = tpu.memref_squeeze %dma_wait3A_772 : memref<1x12x24x128xf32, #tpu.memory_space<hbm>> -> memref<12x24x128xf32, #tpu.memory_space<hbm>>
    %dma_wait3A_774 = arith.constant 10 : i32
    %dma_wait3A_775 = arith.constant 0 : i32
    %dma_wait3A_776 = arith.constant 0 : i32
    %dma_wait3A_777 = tpu.memref_slice %arg4[%dma_wait3A_774, %dma_wait3A_775, %dma_wait3A_776] : memref<23x24x128xf32, #tpu.memory_space<vmem>> -> memref<12x24x128xf32, #tpu.memory_space<vmem>>
    tpu.wait_dma2 semaphore(%arg5 : memref<!tpu.dma_semaphore, #tpu.memory_space<semaphore_mem>>) src(%dma_wait3A_777 : memref<12x24x128xf32, #tpu.memory_space<vmem>>) dst(%dma_wait3A_773 : memref<12x24x128xf32, #tpu.memory_space<hbm>>)
    %dma_wait3A_778 = arith.constant 9 : i32
    %dma_wait3A_779 = arith.constant 0 : i32
    %dma_wait3A_780 = arith.constant 0 : i32
    %dma_wait3A_781 = tpu.memref_slice %arg4[%dma_wait3A_778, %dma_wait3A_779, %dma_wait3A_780] : memref<23x24x128xf32, #tpu.memory_space<vmem>> -> memref<12x24x128xf32, #tpu.memory_space<vmem>>
    %dma_wait3A_782 = arith.constant 0 : i32
    %dma_wait3A_783 = arith.constant 0 : i32
    %dma_wait3A_784 = tpu.memref_slice %arg3[%add3A_524, %mul3A_283, %dma_wait3A_782, %dma_wait3A_783] : memref<576x24x24x128xf32, #tpu.memory_space<hbm>> -> memref<1x12x24x128xf32, #tpu.memory_space<hbm>>
    %dma_wait3A_785 = tpu.memref_squeeze %dma_wait3A_784 : memref<1x12x24x128xf32, #tpu.memory_space<hbm>> -> memref<12x24x128xf32, #tpu.memory_space<hbm>>
    %dma_wait3A_786 = arith.constant 0 : i32
    %dma_wait3A_787 = arith.constant 0 : i32
    %dma_wait3A_788 = tpu.memref_slice %arg3[%add3A_524, %mul3A_283, %dma_wait3A_786, %dma_wait3A_787] : memref<576x24x24x128xf32, #tpu.memory_space<hbm>> -> memref<1x12x24x128xf32, #tpu.memory_space<hbm>>
    %dma_wait3A_789 = tpu.memref_squeeze %dma_wait3A_788 : memref<1x12x24x128xf32, #tpu.memory_space<hbm>> -> memref<12x24x128xf32, #tpu.memory_space<hbm>>
    %dma_wait3A_790 = arith.constant 9 : i32
    %dma_wait3A_791 = arith.constant 0 : i32
    %dma_wait3A_792 = arith.constant 0 : i32
    %dma_wait3A_793 = tpu.memref_slice %arg4[%dma_wait3A_790, %dma_wait3A_791, %dma_wait3A_792] : memref<23x24x128xf32, #tpu.memory_space<vmem>> -> memref<12x24x128xf32, #tpu.memory_space<vmem>>
    tpu.wait_dma2 semaphore(%arg5 : memref<!tpu.dma_semaphore, #tpu.memory_space<semaphore_mem>>) src(%dma_wait3A_793 : memref<12x24x128xf32, #tpu.memory_space<vmem>>) dst(%dma_wait3A_789 : memref<12x24x128xf32, #tpu.memory_space<hbm>>)
    %dma_wait3A_794 = arith.constant 8 : i32
    %dma_wait3A_795 = arith.constant 0 : i32
    %dma_wait3A_796 = arith.constant 0 : i32
    %dma_wait3A_797 = tpu.memref_slice %arg4[%dma_wait3A_794, %dma_wait3A_795, %dma_wait3A_796] : memref<23x24x128xf32, #tpu.memory_space<vmem>> -> memref<12x24x128xf32, #tpu.memory_space<vmem>>
    %dma_wait3A_798 = arith.constant 0 : i32
    %dma_wait3A_799 = arith.constant 0 : i32
    %dma_wait3A_800 = tpu.memref_slice %arg3[%add3A_545, %mul3A_283, %dma_wait3A_798, %dma_wait3A_799] : memref<576x24x24x128xf32, #tpu.memory_space<hbm>> -> memref<1x12x24x128xf32, #tpu.memory_space<hbm>>
    %dma_wait3A_801 = tpu.memref_squeeze %dma_wait3A_800 : memref<1x12x24x128xf32, #tpu.memory_space<hbm>> -> memref<12x24x128xf32, #tpu.memory_space<hbm>>
    %dma_wait3A_802 = arith.constant 0 : i32
    %dma_wait3A_803 = arith.constant 0 : i32
    %dma_wait3A_804 = tpu.memref_slice %arg3[%add3A_545, %mul3A_283, %dma_wait3A_802, %dma_wait3A_803] : memref<576x24x24x128xf32, #tpu.memory_space<hbm>> -> memref<1x12x24x128xf32, #tpu.memory_space<hbm>>
    %dma_wait3A_805 = tpu.memref_squeeze %dma_wait3A_804 : memref<1x12x24x128xf32, #tpu.memory_space<hbm>> -> memref<12x24x128xf32, #tpu.memory_space<hbm>>
    %dma_wait3A_806 = arith.constant 8 : i32
    %dma_wait3A_807 = arith.constant 0 : i32
    %dma_wait3A_808 = arith.constant 0 : i32
    %dma_wait3A_809 = tpu.memref_slice %arg4[%dma_wait3A_806, %dma_wait3A_807, %dma_wait3A_808] : memref<23x24x128xf32, #tpu.memory_space<vmem>> -> memref<12x24x128xf32, #tpu.memory_space<vmem>>
    tpu.wait_dma2 semaphore(%arg5 : memref<!tpu.dma_semaphore, #tpu.memory_space<semaphore_mem>>) src(%dma_wait3A_809 : memref<12x24x128xf32, #tpu.memory_space<vmem>>) dst(%dma_wait3A_805 : memref<12x24x128xf32, #tpu.memory_space<hbm>>)
    %dma_wait3A_810 = arith.constant 7 : i32
    %dma_wait3A_811 = arith.constant 0 : i32
    %dma_wait3A_812 = arith.constant 0 : i32
    %dma_wait3A_813 = tpu.memref_slice %arg4[%dma_wait3A_810, %dma_wait3A_811, %dma_wait3A_812] : memref<23x24x128xf32, #tpu.memory_space<vmem>> -> memref<12x24x128xf32, #tpu.memory_space<vmem>>
    %dma_wait3A_814 = arith.constant 0 : i32
    %dma_wait3A_815 = arith.constant 0 : i32
    %dma_wait3A_816 = tpu.memref_slice %arg3[%add3A_566, %mul3A_283, %dma_wait3A_814, %dma_wait3A_815] : memref<576x24x24x128xf32, #tpu.memory_space<hbm>> -> memref<1x12x24x128xf32, #tpu.memory_space<hbm>>
    %dma_wait3A_817 = tpu.memref_squeeze %dma_wait3A_816 : memref<1x12x24x128xf32, #tpu.memory_space<hbm>> -> memref<12x24x128xf32, #tpu.memory_space<hbm>>
    %dma_wait3A_818 = arith.constant 0 : i32
    %dma_wait3A_819 = arith.constant 0 : i32
    %dma_wait3A_820 = tpu.memref_slice %arg3[%add3A_566, %mul3A_283, %dma_wait3A_818, %dma_wait3A_819] : memref<576x24x24x128xf32, #tpu.memory_space<hbm>> -> memref<1x12x24x128xf32, #tpu.memory_space<hbm>>
    %dma_wait3A_821 = tpu.memref_squeeze %dma_wait3A_820 : memref<1x12x24x128xf32, #tpu.memory_space<hbm>> -> memref<12x24x128xf32, #tpu.memory_space<hbm>>
    %dma_wait3A_822 = arith.constant 7 : i32
    %dma_wait3A_823 = arith.constant 0 : i32
    %dma_wait3A_824 = arith.constant 0 : i32
    %dma_wait3A_825 = tpu.memref_slice %arg4[%dma_wait3A_822, %dma_wait3A_823, %dma_wait3A_824] : memref<23x24x128xf32, #tpu.memory_space<vmem>> -> memref<12x24x128xf32, #tpu.memory_space<vmem>>
    tpu.wait_dma2 semaphore(%arg5 : memref<!tpu.dma_semaphore, #tpu.memory_space<semaphore_mem>>) src(%dma_wait3A_825 : memref<12x24x128xf32, #tpu.memory_space<vmem>>) dst(%dma_wait3A_821 : memref<12x24x128xf32, #tpu.memory_space<hbm>>)
    %dma_wait3A_826 = arith.constant 6 : i32
    %dma_wait3A_827 = arith.constant 0 : i32
    %dma_wait3A_828 = arith.constant 0 : i32
    %dma_wait3A_829 = tpu.memref_slice %arg4[%dma_wait3A_826, %dma_wait3A_827, %dma_wait3A_828] : memref<23x24x128xf32, #tpu.memory_space<vmem>> -> memref<12x24x128xf32, #tpu.memory_space<vmem>>
    %dma_wait3A_830 = arith.constant 0 : i32
    %dma_wait3A_831 = arith.constant 0 : i32
    %dma_wait3A_832 = tpu.memref_slice %arg3[%add3A_587, %mul3A_283, %dma_wait3A_830, %dma_wait3A_831] : memref<576x24x24x128xf32, #tpu.memory_space<hbm>> -> memref<1x12x24x128xf32, #tpu.memory_space<hbm>>
    %dma_wait3A_833 = tpu.memref_squeeze %dma_wait3A_832 : memref<1x12x24x128xf32, #tpu.memory_space<hbm>> -> memref<12x24x128xf32, #tpu.memory_space<hbm>>
    %dma_wait3A_834 = arith.constant 0 : i32
    %dma_wait3A_835 = arith.constant 0 : i32
    %dma_wait3A_836 = tpu.memref_slice %arg3[%add3A_587, %mul3A_283, %dma_wait3A_834, %dma_wait3A_835] : memref<576x24x24x128xf32, #tpu.memory_space<hbm>> -> memref<1x12x24x128xf32, #tpu.memory_space<hbm>>
    %dma_wait3A_837 = tpu.memref_squeeze %dma_wait3A_836 : memref<1x12x24x128xf32, #tpu.memory_space<hbm>> -> memref<12x24x128xf32, #tpu.memory_space<hbm>>
    %dma_wait3A_838 = arith.constant 6 : i32
    %dma_wait3A_839 = arith.constant 0 : i32
    %dma_wait3A_840 = arith.constant 0 : i32
    %dma_wait3A_841 = tpu.memref_slice %arg4[%dma_wait3A_838, %dma_wait3A_839, %dma_wait3A_840] : memref<23x24x128xf32, #tpu.memory_space<vmem>> -> memref<12x24x128xf32, #tpu.memory_space<vmem>>
    tpu.wait_dma2 semaphore(%arg5 : memref<!tpu.dma_semaphore, #tpu.memory_space<semaphore_mem>>) src(%dma_wait3A_841 : memref<12x24x128xf32, #tpu.memory_space<vmem>>) dst(%dma_wait3A_837 : memref<12x24x128xf32, #tpu.memory_space<hbm>>)
    %dma_wait3A_842 = arith.constant 5 : i32
    %dma_wait3A_843 = arith.constant 0 : i32
    %dma_wait3A_844 = arith.constant 0 : i32
    %dma_wait3A_845 = tpu.memref_slice %arg4[%dma_wait3A_842, %dma_wait3A_843, %dma_wait3A_844] : memref<23x24x128xf32, #tpu.memory_space<vmem>> -> memref<12x24x128xf32, #tpu.memory_space<vmem>>
    %dma_wait3A_846 = arith.constant 0 : i32
    %dma_wait3A_847 = arith.constant 0 : i32
    %dma_wait3A_848 = tpu.memref_slice %arg3[%add3A_608, %mul3A_283, %dma_wait3A_846, %dma_wait3A_847] : memref<576x24x24x128xf32, #tpu.memory_space<hbm>> -> memref<1x12x24x128xf32, #tpu.memory_space<hbm>>
    %dma_wait3A_849 = tpu.memref_squeeze %dma_wait3A_848 : memref<1x12x24x128xf32, #tpu.memory_space<hbm>> -> memref<12x24x128xf32, #tpu.memory_space<hbm>>
    %dma_wait3A_850 = arith.constant 0 : i32
    %dma_wait3A_851 = arith.constant 0 : i32
    %dma_wait3A_852 = tpu.memref_slice %arg3[%add3A_608, %mul3A_283, %dma_wait3A_850, %dma_wait3A_851] : memref<576x24x24x128xf32, #tpu.memory_space<hbm>> -> memref<1x12x24x128xf32, #tpu.memory_space<hbm>>
    %dma_wait3A_853 = tpu.memref_squeeze %dma_wait3A_852 : memref<1x12x24x128xf32, #tpu.memory_space<hbm>> -> memref<12x24x128xf32, #tpu.memory_space<hbm>>
    %dma_wait3A_854 = arith.constant 5 : i32
    %dma_wait3A_855 = arith.constant 0 : i32
    %dma_wait3A_856 = arith.constant 0 : i32
    %dma_wait3A_857 = tpu.memref_slice %arg4[%dma_wait3A_854, %dma_wait3A_855, %dma_wait3A_856] : memref<23x24x128xf32, #tpu.memory_space<vmem>> -> memref<12x24x128xf32, #tpu.memory_space<vmem>>
    tpu.wait_dma2 semaphore(%arg5 : memref<!tpu.dma_semaphore, #tpu.memory_space<semaphore_mem>>) src(%dma_wait3A_857 : memref<12x24x128xf32, #tpu.memory_space<vmem>>) dst(%dma_wait3A_853 : memref<12x24x128xf32, #tpu.memory_space<hbm>>)
    %dma_wait3A_858 = arith.constant 4 : i32
    %dma_wait3A_859 = arith.constant 0 : i32
    %dma_wait3A_860 = arith.constant 0 : i32
    %dma_wait3A_861 = tpu.memref_slice %arg4[%dma_wait3A_858, %dma_wait3A_859, %dma_wait3A_860] : memref<23x24x128xf32, #tpu.memory_space<vmem>> -> memref<12x24x128xf32, #tpu.memory_space<vmem>>
    %dma_wait3A_862 = arith.constant 0 : i32
    %dma_wait3A_863 = arith.constant 0 : i32
    %dma_wait3A_864 = tpu.memref_slice %arg3[%add3A_629, %mul3A_283, %dma_wait3A_862, %dma_wait3A_863] : memref<576x24x24x128xf32, #tpu.memory_space<hbm>> -> memref<1x12x24x128xf32, #tpu.memory_space<hbm>>
    %dma_wait3A_865 = tpu.memref_squeeze %dma_wait3A_864 : memref<1x12x24x128xf32, #tpu.memory_space<hbm>> -> memref<12x24x128xf32, #tpu.memory_space<hbm>>
    %dma_wait3A_866 = arith.constant 0 : i32
    %dma_wait3A_867 = arith.constant 0 : i32
    %dma_wait3A_868 = tpu.memref_slice %arg3[%add3A_629, %mul3A_283, %dma_wait3A_866, %dma_wait3A_867] : memref<576x24x24x128xf32, #tpu.memory_space<hbm>> -> memref<1x12x24x128xf32, #tpu.memory_space<hbm>>
    %dma_wait3A_869 = tpu.memref_squeeze %dma_wait3A_868 : memref<1x12x24x128xf32, #tpu.memory_space<hbm>> -> memref<12x24x128xf32, #tpu.memory_space<hbm>>
    %dma_wait3A_870 = arith.constant 4 : i32
    %dma_wait3A_871 = arith.constant 0 : i32
    %dma_wait3A_872 = arith.constant 0 : i32
    %dma_wait3A_873 = tpu.memref_slice %arg4[%dma_wait3A_870, %dma_wait3A_871, %dma_wait3A_872] : memref<23x24x128xf32, #tpu.memory_space<vmem>> -> memref<12x24x128xf32, #tpu.memory_space<vmem>>
    tpu.wait_dma2 semaphore(%arg5 : memref<!tpu.dma_semaphore, #tpu.memory_space<semaphore_mem>>) src(%dma_wait3A_873 : memref<12x24x128xf32, #tpu.memory_space<vmem>>) dst(%dma_wait3A_869 : memref<12x24x128xf32, #tpu.memory_space<hbm>>)
    %dma_wait3A_874 = arith.constant 3 : i32
    %dma_wait3A_875 = arith.constant 0 : i32
    %dma_wait3A_876 = arith.constant 0 : i32
    %dma_wait3A_877 = tpu.memref_slice %arg4[%dma_wait3A_874, %dma_wait3A_875, %dma_wait3A_876] : memref<23x24x128xf32, #tpu.memory_space<vmem>> -> memref<12x24x128xf32, #tpu.memory_space<vmem>>
    %dma_wait3A_878 = arith.constant 0 : i32
    %dma_wait3A_879 = arith.constant 0 : i32
    %dma_wait3A_880 = tpu.memref_slice %arg3[%add3A_650, %mul3A_283, %dma_wait3A_878, %dma_wait3A_879] : memref<576x24x24x128xf32, #tpu.memory_space<hbm>> -> memref<1x12x24x128xf32, #tpu.memory_space<hbm>>
    %dma_wait3A_881 = tpu.memref_squeeze %dma_wait3A_880 : memref<1x12x24x128xf32, #tpu.memory_space<hbm>> -> memref<12x24x128xf32, #tpu.memory_space<hbm>>
    %dma_wait3A_882 = arith.constant 0 : i32
    %dma_wait3A_883 = arith.constant 0 : i32
    %dma_wait3A_884 = tpu.memref_slice %arg3[%add3A_650, %mul3A_283, %dma_wait3A_882, %dma_wait3A_883] : memref<576x24x24x128xf32, #tpu.memory_space<hbm>> -> memref<1x12x24x128xf32, #tpu.memory_space<hbm>>
    %dma_wait3A_885 = tpu.memref_squeeze %dma_wait3A_884 : memref<1x12x24x128xf32, #tpu.memory_space<hbm>> -> memref<12x24x128xf32, #tpu.memory_space<hbm>>
    %dma_wait3A_886 = arith.constant 3 : i32
    %dma_wait3A_887 = arith.constant 0 : i32
    %dma_wait3A_888 = arith.constant 0 : i32
    %dma_wait3A_889 = tpu.memref_slice %arg4[%dma_wait3A_886, %dma_wait3A_887, %dma_wait3A_888] : memref<23x24x128xf32, #tpu.memory_space<vmem>> -> memref<12x24x128xf32, #tpu.memory_space<vmem>>
    tpu.wait_dma2 semaphore(%arg5 : memref<!tpu.dma_semaphore, #tpu.memory_space<semaphore_mem>>) src(%dma_wait3A_889 : memref<12x24x128xf32, #tpu.memory_space<vmem>>) dst(%dma_wait3A_885 : memref<12x24x128xf32, #tpu.memory_space<hbm>>)
    %dma_wait3A_890 = arith.constant 2 : i32
    %dma_wait3A_891 = arith.constant 0 : i32
    %dma_wait3A_892 = arith.constant 0 : i32
    %dma_wait3A_893 = tpu.memref_slice %arg4[%dma_wait3A_890, %dma_wait3A_891, %dma_wait3A_892] : memref<23x24x128xf32, #tpu.memory_space<vmem>> -> memref<12x24x128xf32, #tpu.memory_space<vmem>>
    %dma_wait3A_894 = arith.constant 0 : i32
    %dma_wait3A_895 = arith.constant 0 : i32
    %dma_wait3A_896 = tpu.memref_slice %arg3[%add3A_671, %mul3A_283, %dma_wait3A_894, %dma_wait3A_895] : memref<576x24x24x128xf32, #tpu.memory_space<hbm>> -> memref<1x12x24x128xf32, #tpu.memory_space<hbm>>
    %dma_wait3A_897 = tpu.memref_squeeze %dma_wait3A_896 : memref<1x12x24x128xf32, #tpu.memory_space<hbm>> -> memref<12x24x128xf32, #tpu.memory_space<hbm>>
    %dma_wait3A_898 = arith.constant 0 : i32
    %dma_wait3A_899 = arith.constant 0 : i32
    %dma_wait3A_900 = tpu.memref_slice %arg3[%add3A_671, %mul3A_283, %dma_wait3A_898, %dma_wait3A_899] : memref<576x24x24x128xf32, #tpu.memory_space<hbm>> -> memref<1x12x24x128xf32, #tpu.memory_space<hbm>>
    %dma_wait3A_901 = tpu.memref_squeeze %dma_wait3A_900 : memref<1x12x24x128xf32, #tpu.memory_space<hbm>> -> memref<12x24x128xf32, #tpu.memory_space<hbm>>
    %dma_wait3A_902 = arith.constant 2 : i32
    %dma_wait3A_903 = arith.constant 0 : i32
    %dma_wait3A_904 = arith.constant 0 : i32
    %dma_wait3A_905 = tpu.memref_slice %arg4[%dma_wait3A_902, %dma_wait3A_903, %dma_wait3A_904] : memref<23x24x128xf32, #tpu.memory_space<vmem>> -> memref<12x24x128xf32, #tpu.memory_space<vmem>>
    tpu.wait_dma2 semaphore(%arg5 : memref<!tpu.dma_semaphore, #tpu.memory_space<semaphore_mem>>) src(%dma_wait3A_905 : memref<12x24x128xf32, #tpu.memory_space<vmem>>) dst(%dma_wait3A_901 : memref<12x24x128xf32, #tpu.memory_space<hbm>>)
    %dma_wait3A_906 = arith.constant 1 : i32
    %dma_wait3A_907 = arith.constant 0 : i32
    %dma_wait3A_908 = arith.constant 0 : i32
    %dma_wait3A_909 = tpu.memref_slice %arg4[%dma_wait3A_906, %dma_wait3A_907, %dma_wait3A_908] : memref<23x24x128xf32, #tpu.memory_space<vmem>> -> memref<12x24x128xf32, #tpu.memory_space<vmem>>
    %dma_wait3A_910 = arith.constant 0 : i32
    %dma_wait3A_911 = arith.constant 0 : i32
    %dma_wait3A_912 = tpu.memref_slice %arg3[%add3A_692, %mul3A_283, %dma_wait3A_910, %dma_wait3A_911] : memref<576x24x24x128xf32, #tpu.memory_space<hbm>> -> memref<1x12x24x128xf32, #tpu.memory_space<hbm>>
    %dma_wait3A_913 = tpu.memref_squeeze %dma_wait3A_912 : memref<1x12x24x128xf32, #tpu.memory_space<hbm>> -> memref<12x24x128xf32, #tpu.memory_space<hbm>>
    %dma_wait3A_914 = arith.constant 0 : i32
    %dma_wait3A_915 = arith.constant 0 : i32
    %dma_wait3A_916 = tpu.memref_slice %arg3[%add3A_692, %mul3A_283, %dma_wait3A_914, %dma_wait3A_915] : memref<576x24x24x128xf32, #tpu.memory_space<hbm>> -> memref<1x12x24x128xf32, #tpu.memory_space<hbm>>
    %dma_wait3A_917 = tpu.memref_squeeze %dma_wait3A_916 : memref<1x12x24x128xf32, #tpu.memory_space<hbm>> -> memref<12x24x128xf32, #tpu.memory_space<hbm>>
    %dma_wait3A_918 = arith.constant 1 : i32
    %dma_wait3A_919 = arith.constant 0 : i32
    %dma_wait3A_920 = arith.constant 0 : i32
    %dma_wait3A_921 = tpu.memref_slice %arg4[%dma_wait3A_918, %dma_wait3A_919, %dma_wait3A_920] : memref<23x24x128xf32, #tpu.memory_space<vmem>> -> memref<12x24x128xf32, #tpu.memory_space<vmem>>
    tpu.wait_dma2 semaphore(%arg5 : memref<!tpu.dma_semaphore, #tpu.memory_space<semaphore_mem>>) src(%dma_wait3A_921 : memref<12x24x128xf32, #tpu.memory_space<vmem>>) dst(%dma_wait3A_917 : memref<12x24x128xf32, #tpu.memory_space<hbm>>)
    %dma_wait3A_922 = arith.constant 0 : i32
    %dma_wait3A_923 = arith.constant 0 : i32
    %dma_wait3A_924 = arith.constant 0 : i32
    %dma_wait3A_925 = tpu.memref_slice %arg4[%dma_wait3A_922, %dma_wait3A_923, %dma_wait3A_924] : memref<23x24x128xf32, #tpu.memory_space<vmem>> -> memref<12x24x128xf32, #tpu.memory_space<vmem>>
    %dma_wait3A_926 = arith.constant 0 : i32
    %dma_wait3A_927 = arith.constant 0 : i32
    %dma_wait3A_928 = tpu.memref_slice %arg3[%add3A_713, %mul3A_283, %dma_wait3A_926, %dma_wait3A_927] : memref<576x24x24x128xf32, #tpu.memory_space<hbm>> -> memref<1x12x24x128xf32, #tpu.memory_space<hbm>>
    %dma_wait3A_929 = tpu.memref_squeeze %dma_wait3A_928 : memref<1x12x24x128xf32, #tpu.memory_space<hbm>> -> memref<12x24x128xf32, #tpu.memory_space<hbm>>
    %dma_wait3A_930 = arith.constant 0 : i32
    %dma_wait3A_931 = arith.constant 0 : i32
    %dma_wait3A_932 = tpu.memref_slice %arg3[%add3A_713, %mul3A_283, %dma_wait3A_930, %dma_wait3A_931] : memref<576x24x24x128xf32, #tpu.memory_space<hbm>> -> memref<1x12x24x128xf32, #tpu.memory_space<hbm>>
    %dma_wait3A_933 = tpu.memref_squeeze %dma_wait3A_932 : memref<1x12x24x128xf32, #tpu.memory_space<hbm>> -> memref<12x24x128xf32, #tpu.memory_space<hbm>>
    %dma_wait3A_934 = arith.constant 0 : i32
    %dma_wait3A_935 = arith.constant 0 : i32
    %dma_wait3A_936 = arith.constant 0 : i32
    %dma_wait3A_937 = tpu.memref_slice %arg4[%dma_wait3A_934, %dma_wait3A_935, %dma_wait3A_936] : memref<23x24x128xf32, #tpu.memory_space<vmem>> -> memref<12x24x128xf32, #tpu.memory_space<vmem>>
    tpu.wait_dma2 semaphore(%arg5 : memref<!tpu.dma_semaphore, #tpu.memory_space<semaphore_mem>>) src(%dma_wait3A_937 : memref<12x24x128xf32, #tpu.memory_space<vmem>>) dst(%dma_wait3A_933 : memref<12x24x128xf32, #tpu.memory_space<hbm>>)
    %sub3A_938 = arith.constant 12 : i32
    %sub3A_939 = arith.subi %sub3A_938, %mul3A_743 : i32
    %add3A_940 = arith.addi %sub3A_939, %mul3A_745 : i32
    "tpu.region"() ({
      %run_scoped3A = tpu.sem_alloc : memref<!tpu.dma_semaphore, #tpu.memory_space<semaphore_mem>>
      %dma_start3A_1385 = arith.constant 0 : i32
      %dma_start3A_1386 = arith.constant 0 : i32
      %dma_start3A_1387 = tpu.memref_slice %arg2[%div3A_735, %add3A_940, %dma_start3A_1385, %dma_start3A_1386] : memref<24x47x24x128xf32, #tpu.memory_space<hbm>> -> memref<1x23x24x128xf32, #tpu.memory_space<hbm>>
      %dma_start3A_1388 = tpu.memref_squeeze %dma_start3A_1387 : memref<1x23x24x128xf32, #tpu.memory_space<hbm>> -> memref<23x24x128xf32, #tpu.memory_space<hbm>>
      %dma_start3A_1389 = arith.constant 0 : i32
      %dma_start3A_1390 = arith.constant 0 : i32
      %dma_start3A_1391 = tpu.memref_slice %arg2[%div3A_735, %add3A_940, %dma_start3A_1389, %dma_start3A_1390] : memref<24x47x24x128xf32, #tpu.memory_space<hbm>> -> memref<1x23x24x128xf32, #tpu.memory_space<hbm>>
      %dma_start3A_1392 = tpu.memref_squeeze %dma_start3A_1391 : memref<1x23x24x128xf32, #tpu.memory_space<hbm>> -> memref<23x24x128xf32, #tpu.memory_space<hbm>>
      tpu.enqueue_dma source(%dma_start3A_1392 : memref<23x24x128xf32, #tpu.memory_space<hbm>>) target(%arg4 : memref<23x24x128xf32, #tpu.memory_space<vmem>>) target_semaphore(%run_scoped3A : memref<!tpu.dma_semaphore, #tpu.memory_space<semaphore_mem>>)
      %dma_wait3A_1393 = arith.constant 0 : i32
      %dma_wait3A_1394 = arith.constant 0 : i32
      %dma_wait3A_1395 = tpu.memref_slice %arg2[%div3A_735, %add3A_940, %dma_wait3A_1393, %dma_wait3A_1394] : memref<24x47x24x128xf32, #tpu.memory_space<hbm>> -> memref<1x23x24x128xf32, #tpu.memory_space<hbm>>
      %dma_wait3A_1396 = tpu.memref_squeeze %dma_wait3A_1395 : memref<1x23x24x128xf32, #tpu.memory_space<hbm>> -> memref<23x24x128xf32, #tpu.memory_space<hbm>>
      %dma_wait3A_1397 = arith.constant 0 : i32
      %dma_wait3A_1398 = arith.constant 0 : i32
      %dma_wait3A_1399 = tpu.memref_slice %arg2[%div3A_735, %add3A_940, %dma_wait3A_1397, %dma_wait3A_1398] : memref<24x47x24x128xf32, #tpu.memory_space<hbm>> -> memref<1x23x24x128xf32, #tpu.memory_space<hbm>>
      %dma_wait3A_1400 = tpu.memref_squeeze %dma_wait3A_1399 : memref<1x23x24x128xf32, #tpu.memory_space<hbm>> -> memref<23x24x128xf32, #tpu.memory_space<hbm>>
      tpu.wait_dma2 semaphore(%run_scoped3A : memref<!tpu.dma_semaphore, #tpu.memory_space<semaphore_mem>>) src(%dma_wait3A_1400 : memref<23x24x128xf32, #tpu.memory_space<hbm>>) dst(%arg4 : memref<23x24x128xf32, #tpu.memory_space<vmem>>)
      tpu.yield
    }) : () -> ()
    %add3A_941 = arith.constant 0 : i32
    %add3A_942 = arith.addi %mul3A_743, %add3A_941 : i32
    %mul3A_943 = arith.constant 24 : i32
    %mul3A_944 = arith.muli %add3A_942, %mul3A_943 : i32
    %add3A_945 = arith.addi %mul3A_944, %div3A_735 : i32
    %dma_start3A_946 = arith.constant 11 : i32
    %dma_start3A_947 = arith.constant 0 : i32
    %dma_start3A_948 = arith.constant 0 : i32
    %dma_start3A_949 = tpu.memref_slice %arg4[%dma_start3A_946, %dma_start3A_947, %dma_start3A_948] : memref<23x24x128xf32, #tpu.memory_space<vmem>> -> memref<12x24x128xf32, #tpu.memory_space<vmem>>
    %dma_start3A_950 = arith.constant 0 : i32
    %dma_start3A_951 = arith.constant 0 : i32
    %dma_start3A_952 = tpu.memref_slice %arg3[%add3A_945, %mul3A_745, %dma_start3A_950, %dma_start3A_951] : memref<576x24x24x128xf32, #tpu.memory_space<hbm>> -> memref<1x12x24x128xf32, #tpu.memory_space<hbm>>
    %dma_start3A_953 = tpu.memref_squeeze %dma_start3A_952 : memref<1x12x24x128xf32, #tpu.memory_space<hbm>> -> memref<12x24x128xf32, #tpu.memory_space<hbm>>
    %dma_start3A_954 = arith.constant 0 : i32
    %dma_start3A_955 = arith.constant 0 : i32
    %dma_start3A_956 = tpu.memref_slice %arg3[%add3A_945, %mul3A_745, %dma_start3A_954, %dma_start3A_955] : memref<576x24x24x128xf32, #tpu.memory_space<hbm>> -> memref<1x12x24x128xf32, #tpu.memory_space<hbm>>
    %dma_start3A_957 = tpu.memref_squeeze %dma_start3A_956 : memref<1x12x24x128xf32, #tpu.memory_space<hbm>> -> memref<12x24x128xf32, #tpu.memory_space<hbm>>
    %dma_start3A_958 = arith.constant 11 : i32
    %dma_start3A_959 = arith.constant 0 : i32
    %dma_start3A_960 = arith.constant 0 : i32
    %dma_start3A_961 = tpu.memref_slice %arg4[%dma_start3A_958, %dma_start3A_959, %dma_start3A_960] : memref<23x24x128xf32, #tpu.memory_space<vmem>> -> memref<12x24x128xf32, #tpu.memory_space<vmem>>
    tpu.enqueue_dma source(%dma_start3A_961 : memref<12x24x128xf32, #tpu.memory_space<vmem>>) target(%dma_start3A_957 : memref<12x24x128xf32, #tpu.memory_space<hbm>>) target_semaphore(%arg5 : memref<!tpu.dma_semaphore, #tpu.memory_space<semaphore_mem>>)
    %add3A_962 = arith.constant 1 : i32
    %add3A_963 = arith.addi %mul3A_743, %add3A_962 : i32
    %mul3A_964 = arith.constant 24 : i32
    %mul3A_965 = arith.muli %add3A_963, %mul3A_964 : i32
    %add3A_966 = arith.addi %mul3A_965, %div3A_735 : i32
    %dma_start3A_967 = arith.constant 10 : i32
    %dma_start3A_968 = arith.constant 0 : i32
    %dma_start3A_969 = arith.constant 0 : i32
    %dma_start3A_970 = tpu.memref_slice %arg4[%dma_start3A_967, %dma_start3A_968, %dma_start3A_969] : memref<23x24x128xf32, #tpu.memory_space<vmem>> -> memref<12x24x128xf32, #tpu.memory_space<vmem>>
    %dma_start3A_971 = arith.constant 0 : i32
    %dma_start3A_972 = arith.constant 0 : i32
    %dma_start3A_973 = tpu.memref_slice %arg3[%add3A_966, %mul3A_745, %dma_start3A_971, %dma_start3A_972] : memref<576x24x24x128xf32, #tpu.memory_space<hbm>> -> memref<1x12x24x128xf32, #tpu.memory_space<hbm>>
    %dma_start3A_974 = tpu.memref_squeeze %dma_start3A_973 : memref<1x12x24x128xf32, #tpu.memory_space<hbm>> -> memref<12x24x128xf32, #tpu.memory_space<hbm>>
    %dma_start3A_975 = arith.constant 0 : i32
    %dma_start3A_976 = arith.constant 0 : i32
    %dma_start3A_977 = tpu.memref_slice %arg3[%add3A_966, %mul3A_745, %dma_start3A_975, %dma_start3A_976] : memref<576x24x24x128xf32, #tpu.memory_space<hbm>> -> memref<1x12x24x128xf32, #tpu.memory_space<hbm>>
    %dma_start3A_978 = tpu.memref_squeeze %dma_start3A_977 : memref<1x12x24x128xf32, #tpu.memory_space<hbm>> -> memref<12x24x128xf32, #tpu.memory_space<hbm>>
    %dma_start3A_979 = arith.constant 10 : i32
    %dma_start3A_980 = arith.constant 0 : i32
    %dma_start3A_981 = arith.constant 0 : i32
    %dma_start3A_982 = tpu.memref_slice %arg4[%dma_start3A_979, %dma_start3A_980, %dma_start3A_981] : memref<23x24x128xf32, #tpu.memory_space<vmem>> -> memref<12x24x128xf32, #tpu.memory_space<vmem>>
    tpu.enqueue_dma source(%dma_start3A_982 : memref<12x24x128xf32, #tpu.memory_space<vmem>>) target(%dma_start3A_978 : memref<12x24x128xf32, #tpu.memory_space<hbm>>) target_semaphore(%arg5 : memref<!tpu.dma_semaphore, #tpu.memory_space<semaphore_mem>>)
    %add3A_983 = arith.constant 2 : i32
    %add3A_984 = arith.addi %mul3A_743, %add3A_983 : i32
    %mul3A_985 = arith.constant 24 : i32
    %mul3A_986 = arith.muli %add3A_984, %mul3A_985 : i32
    %add3A_987 = arith.addi %mul3A_986, %div3A_735 : i32
    %dma_start3A_988 = arith.constant 9 : i32
    %dma_start3A_989 = arith.constant 0 : i32
    %dma_start3A_990 = arith.constant 0 : i32
    %dma_start3A_991 = tpu.memref_slice %arg4[%dma_start3A_988, %dma_start3A_989, %dma_start3A_990] : memref<23x24x128xf32, #tpu.memory_space<vmem>> -> memref<12x24x128xf32, #tpu.memory_space<vmem>>
    %dma_start3A_992 = arith.constant 0 : i32
    %dma_start3A_993 = arith.constant 0 : i32
    %dma_start3A_994 = tpu.memref_slice %arg3[%add3A_987, %mul3A_745, %dma_start3A_992, %dma_start3A_993] : memref<576x24x24x128xf32, #tpu.memory_space<hbm>> -> memref<1x12x24x128xf32, #tpu.memory_space<hbm>>
    %dma_start3A_995 = tpu.memref_squeeze %dma_start3A_994 : memref<1x12x24x128xf32, #tpu.memory_space<hbm>> -> memref<12x24x128xf32, #tpu.memory_space<hbm>>
    %dma_start3A_996 = arith.constant 0 : i32
    %dma_start3A_997 = arith.constant 0 : i32
    %dma_start3A_998 = tpu.memref_slice %arg3[%add3A_987, %mul3A_745, %dma_start3A_996, %dma_start3A_997] : memref<576x24x24x128xf32, #tpu.memory_space<hbm>> -> memref<1x12x24x128xf32, #tpu.memory_space<hbm>>
    %dma_start3A_999 = tpu.memref_squeeze %dma_start3A_998 : memref<1x12x24x128xf32, #tpu.memory_space<hbm>> -> memref<12x24x128xf32, #tpu.memory_space<hbm>>
    %dma_start3A_1000 = arith.constant 9 : i32
    %dma_start3A_1001 = arith.constant 0 : i32
    %dma_start3A_1002 = arith.constant 0 : i32
    %dma_start3A_1003 = tpu.memref_slice %arg4[%dma_start3A_1000, %dma_start3A_1001, %dma_start3A_1002] : memref<23x24x128xf32, #tpu.memory_space<vmem>> -> memref<12x24x128xf32, #tpu.memory_space<vmem>>
    tpu.enqueue_dma source(%dma_start3A_1003 : memref<12x24x128xf32, #tpu.memory_space<vmem>>) target(%dma_start3A_999 : memref<12x24x128xf32, #tpu.memory_space<hbm>>) target_semaphore(%arg5 : memref<!tpu.dma_semaphore, #tpu.memory_space<semaphore_mem>>)
    %add3A_1004 = arith.constant 3 : i32
    %add3A_1005 = arith.addi %mul3A_743, %add3A_1004 : i32
    %mul3A_1006 = arith.constant 24 : i32
    %mul3A_1007 = arith.muli %add3A_1005, %mul3A_1006 : i32
    %add3A_1008 = arith.addi %mul3A_1007, %div3A_735 : i32
    %dma_start3A_1009 = arith.constant 8 : i32
    %dma_start3A_1010 = arith.constant 0 : i32
    %dma_start3A_1011 = arith.constant 0 : i32
    %dma_start3A_1012 = tpu.memref_slice %arg4[%dma_start3A_1009, %dma_start3A_1010, %dma_start3A_1011] : memref<23x24x128xf32, #tpu.memory_space<vmem>> -> memref<12x24x128xf32, #tpu.memory_space<vmem>>
    %dma_start3A_1013 = arith.constant 0 : i32
    %dma_start3A_1014 = arith.constant 0 : i32
    %dma_start3A_1015 = tpu.memref_slice %arg3[%add3A_1008, %mul3A_745, %dma_start3A_1013, %dma_start3A_1014] : memref<576x24x24x128xf32, #tpu.memory_space<hbm>> -> memref<1x12x24x128xf32, #tpu.memory_space<hbm>>
    %dma_start3A_1016 = tpu.memref_squeeze %dma_start3A_1015 : memref<1x12x24x128xf32, #tpu.memory_space<hbm>> -> memref<12x24x128xf32, #tpu.memory_space<hbm>>
    %dma_start3A_1017 = arith.constant 0 : i32
    %dma_start3A_1018 = arith.constant 0 : i32
    %dma_start3A_1019 = tpu.memref_slice %arg3[%add3A_1008, %mul3A_745, %dma_start3A_1017, %dma_start3A_1018] : memref<576x24x24x128xf32, #tpu.memory_space<hbm>> -> memref<1x12x24x128xf32, #tpu.memory_space<hbm>>
    %dma_start3A_1020 = tpu.memref_squeeze %dma_start3A_1019 : memref<1x12x24x128xf32, #tpu.memory_space<hbm>> -> memref<12x24x128xf32, #tpu.memory_space<hbm>>
    %dma_start3A_1021 = arith.constant 8 : i32
    %dma_start3A_1022 = arith.constant 0 : i32
    %dma_start3A_1023 = arith.constant 0 : i32
    %dma_start3A_1024 = tpu.memref_slice %arg4[%dma_start3A_1021, %dma_start3A_1022, %dma_start3A_1023] : memref<23x24x128xf32, #tpu.memory_space<vmem>> -> memref<12x24x128xf32, #tpu.memory_space<vmem>>
    tpu.enqueue_dma source(%dma_start3A_1024 : memref<12x24x128xf32, #tpu.memory_space<vmem>>) target(%dma_start3A_1020 : memref<12x24x128xf32, #tpu.memory_space<hbm>>) target_semaphore(%arg5 : memref<!tpu.dma_semaphore, #tpu.memory_space<semaphore_mem>>)
    %add3A_1025 = arith.constant 4 : i32
    %add3A_1026 = arith.addi %mul3A_743, %add3A_1025 : i32
    %mul3A_1027 = arith.constant 24 : i32
    %mul3A_1028 = arith.muli %add3A_1026, %mul3A_1027 : i32
    %add3A_1029 = arith.addi %mul3A_1028, %div3A_735 : i32
    %dma_start3A_1030 = arith.constant 7 : i32
    %dma_start3A_1031 = arith.constant 0 : i32
    %dma_start3A_1032 = arith.constant 0 : i32
    %dma_start3A_1033 = tpu.memref_slice %arg4[%dma_start3A_1030, %dma_start3A_1031, %dma_start3A_1032] : memref<23x24x128xf32, #tpu.memory_space<vmem>> -> memref<12x24x128xf32, #tpu.memory_space<vmem>>
    %dma_start3A_1034 = arith.constant 0 : i32
    %dma_start3A_1035 = arith.constant 0 : i32
    %dma_start3A_1036 = tpu.memref_slice %arg3[%add3A_1029, %mul3A_745, %dma_start3A_1034, %dma_start3A_1035] : memref<576x24x24x128xf32, #tpu.memory_space<hbm>> -> memref<1x12x24x128xf32, #tpu.memory_space<hbm>>
    %dma_start3A_1037 = tpu.memref_squeeze %dma_start3A_1036 : memref<1x12x24x128xf32, #tpu.memory_space<hbm>> -> memref<12x24x128xf32, #tpu.memory_space<hbm>>
    %dma_start3A_1038 = arith.constant 0 : i32
    %dma_start3A_1039 = arith.constant 0 : i32
    %dma_start3A_1040 = tpu.memref_slice %arg3[%add3A_1029, %mul3A_745, %dma_start3A_1038, %dma_start3A_1039] : memref<576x24x24x128xf32, #tpu.memory_space<hbm>> -> memref<1x12x24x128xf32, #tpu.memory_space<hbm>>
    %dma_start3A_1041 = tpu.memref_squeeze %dma_start3A_1040 : memref<1x12x24x128xf32, #tpu.memory_space<hbm>> -> memref<12x24x128xf32, #tpu.memory_space<hbm>>
    %dma_start3A_1042 = arith.constant 7 : i32
    %dma_start3A_1043 = arith.constant 0 : i32
    %dma_start3A_1044 = arith.constant 0 : i32
    %dma_start3A_1045 = tpu.memref_slice %arg4[%dma_start3A_1042, %dma_start3A_1043, %dma_start3A_1044] : memref<23x24x128xf32, #tpu.memory_space<vmem>> -> memref<12x24x128xf32, #tpu.memory_space<vmem>>
    tpu.enqueue_dma source(%dma_start3A_1045 : memref<12x24x128xf32, #tpu.memory_space<vmem>>) target(%dma_start3A_1041 : memref<12x24x128xf32, #tpu.memory_space<hbm>>) target_semaphore(%arg5 : memref<!tpu.dma_semaphore, #tpu.memory_space<semaphore_mem>>)
    %add3A_1046 = arith.constant 5 : i32
    %add3A_1047 = arith.addi %mul3A_743, %add3A_1046 : i32
    %mul3A_1048 = arith.constant 24 : i32
    %mul3A_1049 = arith.muli %add3A_1047, %mul3A_1048 : i32
    %add3A_1050 = arith.addi %mul3A_1049, %div3A_735 : i32
    %dma_start3A_1051 = arith.constant 6 : i32
    %dma_start3A_1052 = arith.constant 0 : i32
    %dma_start3A_1053 = arith.constant 0 : i32
    %dma_start3A_1054 = tpu.memref_slice %arg4[%dma_start3A_1051, %dma_start3A_1052, %dma_start3A_1053] : memref<23x24x128xf32, #tpu.memory_space<vmem>> -> memref<12x24x128xf32, #tpu.memory_space<vmem>>
    %dma_start3A_1055 = arith.constant 0 : i32
    %dma_start3A_1056 = arith.constant 0 : i32
    %dma_start3A_1057 = tpu.memref_slice %arg3[%add3A_1050, %mul3A_745, %dma_start3A_1055, %dma_start3A_1056] : memref<576x24x24x128xf32, #tpu.memory_space<hbm>> -> memref<1x12x24x128xf32, #tpu.memory_space<hbm>>
    %dma_start3A_1058 = tpu.memref_squeeze %dma_start3A_1057 : memref<1x12x24x128xf32, #tpu.memory_space<hbm>> -> memref<12x24x128xf32, #tpu.memory_space<hbm>>
    %dma_start3A_1059 = arith.constant 0 : i32
    %dma_start3A_1060 = arith.constant 0 : i32
    %dma_start3A_1061 = tpu.memref_slice %arg3[%add3A_1050, %mul3A_745, %dma_start3A_1059, %dma_start3A_1060] : memref<576x24x24x128xf32, #tpu.memory_space<hbm>> -> memref<1x12x24x128xf32, #tpu.memory_space<hbm>>
    %dma_start3A_1062 = tpu.memref_squeeze %dma_start3A_1061 : memref<1x12x24x128xf32, #tpu.memory_space<hbm>> -> memref<12x24x128xf32, #tpu.memory_space<hbm>>
    %dma_start3A_1063 = arith.constant 6 : i32
    %dma_start3A_1064 = arith.constant 0 : i32
    %dma_start3A_1065 = arith.constant 0 : i32
    %dma_start3A_1066 = tpu.memref_slice %arg4[%dma_start3A_1063, %dma_start3A_1064, %dma_start3A_1065] : memref<23x24x128xf32, #tpu.memory_space<vmem>> -> memref<12x24x128xf32, #tpu.memory_space<vmem>>
    tpu.enqueue_dma source(%dma_start3A_1066 : memref<12x24x128xf32, #tpu.memory_space<vmem>>) target(%dma_start3A_1062 : memref<12x24x128xf32, #tpu.memory_space<hbm>>) target_semaphore(%arg5 : memref<!tpu.dma_semaphore, #tpu.memory_space<semaphore_mem>>)
    %add3A_1067 = arith.constant 6 : i32
    %add3A_1068 = arith.addi %mul3A_743, %add3A_1067 : i32
    %mul3A_1069 = arith.constant 24 : i32
    %mul3A_1070 = arith.muli %add3A_1068, %mul3A_1069 : i32
    %add3A_1071 = arith.addi %mul3A_1070, %div3A_735 : i32
    %dma_start3A_1072 = arith.constant 5 : i32
    %dma_start3A_1073 = arith.constant 0 : i32
    %dma_start3A_1074 = arith.constant 0 : i32
    %dma_start3A_1075 = tpu.memref_slice %arg4[%dma_start3A_1072, %dma_start3A_1073, %dma_start3A_1074] : memref<23x24x128xf32, #tpu.memory_space<vmem>> -> memref<12x24x128xf32, #tpu.memory_space<vmem>>
    %dma_start3A_1076 = arith.constant 0 : i32
    %dma_start3A_1077 = arith.constant 0 : i32
    %dma_start3A_1078 = tpu.memref_slice %arg3[%add3A_1071, %mul3A_745, %dma_start3A_1076, %dma_start3A_1077] : memref<576x24x24x128xf32, #tpu.memory_space<hbm>> -> memref<1x12x24x128xf32, #tpu.memory_space<hbm>>
    %dma_start3A_1079 = tpu.memref_squeeze %dma_start3A_1078 : memref<1x12x24x128xf32, #tpu.memory_space<hbm>> -> memref<12x24x128xf32, #tpu.memory_space<hbm>>
    %dma_start3A_1080 = arith.constant 0 : i32
    %dma_start3A_1081 = arith.constant 0 : i32
    %dma_start3A_1082 = tpu.memref_slice %arg3[%add3A_1071, %mul3A_745, %dma_start3A_1080, %dma_start3A_1081] : memref<576x24x24x128xf32, #tpu.memory_space<hbm>> -> memref<1x12x24x128xf32, #tpu.memory_space<hbm>>
    %dma_start3A_1083 = tpu.memref_squeeze %dma_start3A_1082 : memref<1x12x24x128xf32, #tpu.memory_space<hbm>> -> memref<12x24x128xf32, #tpu.memory_space<hbm>>
    %dma_start3A_1084 = arith.constant 5 : i32
    %dma_start3A_1085 = arith.constant 0 : i32
    %dma_start3A_1086 = arith.constant 0 : i32
    %dma_start3A_1087 = tpu.memref_slice %arg4[%dma_start3A_1084, %dma_start3A_1085, %dma_start3A_1086] : memref<23x24x128xf32, #tpu.memory_space<vmem>> -> memref<12x24x128xf32, #tpu.memory_space<vmem>>
    tpu.enqueue_dma source(%dma_start3A_1087 : memref<12x24x128xf32, #tpu.memory_space<vmem>>) target(%dma_start3A_1083 : memref<12x24x128xf32, #tpu.memory_space<hbm>>) target_semaphore(%arg5 : memref<!tpu.dma_semaphore, #tpu.memory_space<semaphore_mem>>)
    %add3A_1088 = arith.constant 7 : i32
    %add3A_1089 = arith.addi %mul3A_743, %add3A_1088 : i32
    %mul3A_1090 = arith.constant 24 : i32
    %mul3A_1091 = arith.muli %add3A_1089, %mul3A_1090 : i32
    %add3A_1092 = arith.addi %mul3A_1091, %div3A_735 : i32
    %dma_start3A_1093 = arith.constant 4 : i32
    %dma_start3A_1094 = arith.constant 0 : i32
    %dma_start3A_1095 = arith.constant 0 : i32
    %dma_start3A_1096 = tpu.memref_slice %arg4[%dma_start3A_1093, %dma_start3A_1094, %dma_start3A_1095] : memref<23x24x128xf32, #tpu.memory_space<vmem>> -> memref<12x24x128xf32, #tpu.memory_space<vmem>>
    %dma_start3A_1097 = arith.constant 0 : i32
    %dma_start3A_1098 = arith.constant 0 : i32
    %dma_start3A_1099 = tpu.memref_slice %arg3[%add3A_1092, %mul3A_745, %dma_start3A_1097, %dma_start3A_1098] : memref<576x24x24x128xf32, #tpu.memory_space<hbm>> -> memref<1x12x24x128xf32, #tpu.memory_space<hbm>>
    %dma_start3A_1100 = tpu.memref_squeeze %dma_start3A_1099 : memref<1x12x24x128xf32, #tpu.memory_space<hbm>> -> memref<12x24x128xf32, #tpu.memory_space<hbm>>
    %dma_start3A_1101 = arith.constant 0 : i32
    %dma_start3A_1102 = arith.constant 0 : i32
    %dma_start3A_1103 = tpu.memref_slice %arg3[%add3A_1092, %mul3A_745, %dma_start3A_1101, %dma_start3A_1102] : memref<576x24x24x128xf32, #tpu.memory_space<hbm>> -> memref<1x12x24x128xf32, #tpu.memory_space<hbm>>
    %dma_start3A_1104 = tpu.memref_squeeze %dma_start3A_1103 : memref<1x12x24x128xf32, #tpu.memory_space<hbm>> -> memref<12x24x128xf32, #tpu.memory_space<hbm>>
    %dma_start3A_1105 = arith.constant 4 : i32
    %dma_start3A_1106 = arith.constant 0 : i32
    %dma_start3A_1107 = arith.constant 0 : i32
    %dma_start3A_1108 = tpu.memref_slice %arg4[%dma_start3A_1105, %dma_start3A_1106, %dma_start3A_1107] : memref<23x24x128xf32, #tpu.memory_space<vmem>> -> memref<12x24x128xf32, #tpu.memory_space<vmem>>
    tpu.enqueue_dma source(%dma_start3A_1108 : memref<12x24x128xf32, #tpu.memory_space<vmem>>) target(%dma_start3A_1104 : memref<12x24x128xf32, #tpu.memory_space<hbm>>) target_semaphore(%arg5 : memref<!tpu.dma_semaphore, #tpu.memory_space<semaphore_mem>>)
    %add3A_1109 = arith.constant 8 : i32
    %add3A_1110 = arith.addi %mul3A_743, %add3A_1109 : i32
    %mul3A_1111 = arith.constant 24 : i32
    %mul3A_1112 = arith.muli %add3A_1110, %mul3A_1111 : i32
    %add3A_1113 = arith.addi %mul3A_1112, %div3A_735 : i32
    %dma_start3A_1114 = arith.constant 3 : i32
    %dma_start3A_1115 = arith.constant 0 : i32
    %dma_start3A_1116 = arith.constant 0 : i32
    %dma_start3A_1117 = tpu.memref_slice %arg4[%dma_start3A_1114, %dma_start3A_1115, %dma_start3A_1116] : memref<23x24x128xf32, #tpu.memory_space<vmem>> -> memref<12x24x128xf32, #tpu.memory_space<vmem>>
    %dma_start3A_1118 = arith.constant 0 : i32
    %dma_start3A_1119 = arith.constant 0 : i32
    %dma_start3A_1120 = tpu.memref_slice %arg3[%add3A_1113, %mul3A_745, %dma_start3A_1118, %dma_start3A_1119] : memref<576x24x24x128xf32, #tpu.memory_space<hbm>> -> memref<1x12x24x128xf32, #tpu.memory_space<hbm>>
    %dma_start3A_1121 = tpu.memref_squeeze %dma_start3A_1120 : memref<1x12x24x128xf32, #tpu.memory_space<hbm>> -> memref<12x24x128xf32, #tpu.memory_space<hbm>>
    %dma_start3A_1122 = arith.constant 0 : i32
    %dma_start3A_1123 = arith.constant 0 : i32
    %dma_start3A_1124 = tpu.memref_slice %arg3[%add3A_1113, %mul3A_745, %dma_start3A_1122, %dma_start3A_1123] : memref<576x24x24x128xf32, #tpu.memory_space<hbm>> -> memref<1x12x24x128xf32, #tpu.memory_space<hbm>>
    %dma_start3A_1125 = tpu.memref_squeeze %dma_start3A_1124 : memref<1x12x24x128xf32, #tpu.memory_space<hbm>> -> memref<12x24x128xf32, #tpu.memory_space<hbm>>
    %dma_start3A_1126 = arith.constant 3 : i32
    %dma_start3A_1127 = arith.constant 0 : i32
    %dma_start3A_1128 = arith.constant 0 : i32
    %dma_start3A_1129 = tpu.memref_slice %arg4[%dma_start3A_1126, %dma_start3A_1127, %dma_start3A_1128] : memref<23x24x128xf32, #tpu.memory_space<vmem>> -> memref<12x24x128xf32, #tpu.memory_space<vmem>>
    tpu.enqueue_dma source(%dma_start3A_1129 : memref<12x24x128xf32, #tpu.memory_space<vmem>>) target(%dma_start3A_1125 : memref<12x24x128xf32, #tpu.memory_space<hbm>>) target_semaphore(%arg5 : memref<!tpu.dma_semaphore, #tpu.memory_space<semaphore_mem>>)
    %add3A_1130 = arith.constant 9 : i32
    %add3A_1131 = arith.addi %mul3A_743, %add3A_1130 : i32
    %mul3A_1132 = arith.constant 24 : i32
    %mul3A_1133 = arith.muli %add3A_1131, %mul3A_1132 : i32
    %add3A_1134 = arith.addi %mul3A_1133, %div3A_735 : i32
    %dma_start3A_1135 = arith.constant 2 : i32
    %dma_start3A_1136 = arith.constant 0 : i32
    %dma_start3A_1137 = arith.constant 0 : i32
    %dma_start3A_1138 = tpu.memref_slice %arg4[%dma_start3A_1135, %dma_start3A_1136, %dma_start3A_1137] : memref<23x24x128xf32, #tpu.memory_space<vmem>> -> memref<12x24x128xf32, #tpu.memory_space<vmem>>
    %dma_start3A_1139 = arith.constant 0 : i32
    %dma_start3A_1140 = arith.constant 0 : i32
    %dma_start3A_1141 = tpu.memref_slice %arg3[%add3A_1134, %mul3A_745, %dma_start3A_1139, %dma_start3A_1140] : memref<576x24x24x128xf32, #tpu.memory_space<hbm>> -> memref<1x12x24x128xf32, #tpu.memory_space<hbm>>
    %dma_start3A_1142 = tpu.memref_squeeze %dma_start3A_1141 : memref<1x12x24x128xf32, #tpu.memory_space<hbm>> -> memref<12x24x128xf32, #tpu.memory_space<hbm>>
    %dma_start3A_1143 = arith.constant 0 : i32
    %dma_start3A_1144 = arith.constant 0 : i32
    %dma_start3A_1145 = tpu.memref_slice %arg3[%add3A_1134, %mul3A_745, %dma_start3A_1143, %dma_start3A_1144] : memref<576x24x24x128xf32, #tpu.memory_space<hbm>> -> memref<1x12x24x128xf32, #tpu.memory_space<hbm>>
    %dma_start3A_1146 = tpu.memref_squeeze %dma_start3A_1145 : memref<1x12x24x128xf32, #tpu.memory_space<hbm>> -> memref<12x24x128xf32, #tpu.memory_space<hbm>>
    %dma_start3A_1147 = arith.constant 2 : i32
    %dma_start3A_1148 = arith.constant 0 : i32
    %dma_start3A_1149 = arith.constant 0 : i32
    %dma_start3A_1150 = tpu.memref_slice %arg4[%dma_start3A_1147, %dma_start3A_1148, %dma_start3A_1149] : memref<23x24x128xf32, #tpu.memory_space<vmem>> -> memref<12x24x128xf32, #tpu.memory_space<vmem>>
    tpu.enqueue_dma source(%dma_start3A_1150 : memref<12x24x128xf32, #tpu.memory_space<vmem>>) target(%dma_start3A_1146 : memref<12x24x128xf32, #tpu.memory_space<hbm>>) target_semaphore(%arg5 : memref<!tpu.dma_semaphore, #tpu.memory_space<semaphore_mem>>)
    %add3A_1151 = arith.constant 10 : i32
    %add3A_1152 = arith.addi %mul3A_743, %add3A_1151 : i32
    %mul3A_1153 = arith.constant 24 : i32
    %mul3A_1154 = arith.muli %add3A_1152, %mul3A_1153 : i32
    %add3A_1155 = arith.addi %mul3A_1154, %div3A_735 : i32
    %dma_start3A_1156 = arith.constant 1 : i32
    %dma_start3A_1157 = arith.constant 0 : i32
    %dma_start3A_1158 = arith.constant 0 : i32
    %dma_start3A_1159 = tpu.memref_slice %arg4[%dma_start3A_1156, %dma_start3A_1157, %dma_start3A_1158] : memref<23x24x128xf32, #tpu.memory_space<vmem>> -> memref<12x24x128xf32, #tpu.memory_space<vmem>>
    %dma_start3A_1160 = arith.constant 0 : i32
    %dma_start3A_1161 = arith.constant 0 : i32
    %dma_start3A_1162 = tpu.memref_slice %arg3[%add3A_1155, %mul3A_745, %dma_start3A_1160, %dma_start3A_1161] : memref<576x24x24x128xf32, #tpu.memory_space<hbm>> -> memref<1x12x24x128xf32, #tpu.memory_space<hbm>>
    %dma_start3A_1163 = tpu.memref_squeeze %dma_start3A_1162 : memref<1x12x24x128xf32, #tpu.memory_space<hbm>> -> memref<12x24x128xf32, #tpu.memory_space<hbm>>
    %dma_start3A_1164 = arith.constant 0 : i32
    %dma_start3A_1165 = arith.constant 0 : i32
    %dma_start3A_1166 = tpu.memref_slice %arg3[%add3A_1155, %mul3A_745, %dma_start3A_1164, %dma_start3A_1165] : memref<576x24x24x128xf32, #tpu.memory_space<hbm>> -> memref<1x12x24x128xf32, #tpu.memory_space<hbm>>
    %dma_start3A_1167 = tpu.memref_squeeze %dma_start3A_1166 : memref<1x12x24x128xf32, #tpu.memory_space<hbm>> -> memref<12x24x128xf32, #tpu.memory_space<hbm>>
    %dma_start3A_1168 = arith.constant 1 : i32
    %dma_start3A_1169 = arith.constant 0 : i32
    %dma_start3A_1170 = arith.constant 0 : i32
    %dma_start3A_1171 = tpu.memref_slice %arg4[%dma_start3A_1168, %dma_start3A_1169, %dma_start3A_1170] : memref<23x24x128xf32, #tpu.memory_space<vmem>> -> memref<12x24x128xf32, #tpu.memory_space<vmem>>
    tpu.enqueue_dma source(%dma_start3A_1171 : memref<12x24x128xf32, #tpu.memory_space<vmem>>) target(%dma_start3A_1167 : memref<12x24x128xf32, #tpu.memory_space<hbm>>) target_semaphore(%arg5 : memref<!tpu.dma_semaphore, #tpu.memory_space<semaphore_mem>>)
    %add3A_1172 = arith.constant 11 : i32
    %add3A_1173 = arith.addi %mul3A_743, %add3A_1172 : i32
    %mul3A_1174 = arith.constant 24 : i32
    %mul3A_1175 = arith.muli %add3A_1173, %mul3A_1174 : i32
    %add3A_1176 = arith.addi %mul3A_1175, %div3A_735 : i32
    %dma_start3A_1177 = arith.constant 0 : i32
    %dma_start3A_1178 = arith.constant 0 : i32
    %dma_start3A_1179 = arith.constant 0 : i32
    %dma_start3A_1180 = tpu.memref_slice %arg4[%dma_start3A_1177, %dma_start3A_1178, %dma_start3A_1179] : memref<23x24x128xf32, #tpu.memory_space<vmem>> -> memref<12x24x128xf32, #tpu.memory_space<vmem>>
    %dma_start3A_1181 = arith.constant 0 : i32
    %dma_start3A_1182 = arith.constant 0 : i32
    %dma_start3A_1183 = tpu.memref_slice %arg3[%add3A_1176, %mul3A_745, %dma_start3A_1181, %dma_start3A_1182] : memref<576x24x24x128xf32, #tpu.memory_space<hbm>> -> memref<1x12x24x128xf32, #tpu.memory_space<hbm>>
    %dma_start3A_1184 = tpu.memref_squeeze %dma_start3A_1183 : memref<1x12x24x128xf32, #tpu.memory_space<hbm>> -> memref<12x24x128xf32, #tpu.memory_space<hbm>>
    %dma_start3A_1185 = arith.constant 0 : i32
    %dma_start3A_1186 = arith.constant 0 : i32
    %dma_start3A_1187 = tpu.memref_slice %arg3[%add3A_1176, %mul3A_745, %dma_start3A_1185, %dma_start3A_1186] : memref<576x24x24x128xf32, #tpu.memory_space<hbm>> -> memref<1x12x24x128xf32, #tpu.memory_space<hbm>>
    %dma_start3A_1188 = tpu.memref_squeeze %dma_start3A_1187 : memref<1x12x24x128xf32, #tpu.memory_space<hbm>> -> memref<12x24x128xf32, #tpu.memory_space<hbm>>
    %dma_start3A_1189 = arith.constant 0 : i32
    %dma_start3A_1190 = arith.constant 0 : i32
    %dma_start3A_1191 = arith.constant 0 : i32
    %dma_start3A_1192 = tpu.memref_slice %arg4[%dma_start3A_1189, %dma_start3A_1190, %dma_start3A_1191] : memref<23x24x128xf32, #tpu.memory_space<vmem>> -> memref<12x24x128xf32, #tpu.memory_space<vmem>>
    tpu.enqueue_dma source(%dma_start3A_1192 : memref<12x24x128xf32, #tpu.memory_space<vmem>>) target(%dma_start3A_1188 : memref<12x24x128xf32, #tpu.memory_space<hbm>>) target_semaphore(%arg5 : memref<!tpu.dma_semaphore, #tpu.memory_space<semaphore_mem>>)
    %dma_wait3A_1193 = arith.constant 11 : i32
    %dma_wait3A_1194 = arith.constant 0 : i32
    %dma_wait3A_1195 = arith.constant 0 : i32
    %dma_wait3A_1196 = tpu.memref_slice %arg4[%dma_wait3A_1193, %dma_wait3A_1194, %dma_wait3A_1195] : memref<23x24x128xf32, #tpu.memory_space<vmem>> -> memref<12x24x128xf32, #tpu.memory_space<vmem>>
    %dma_wait3A_1197 = arith.constant 0 : i32
    %dma_wait3A_1198 = arith.constant 0 : i32
    %dma_wait3A_1199 = tpu.memref_slice %arg3[%add3A_945, %mul3A_745, %dma_wait3A_1197, %dma_wait3A_1198] : memref<576x24x24x128xf32, #tpu.memory_space<hbm>> -> memref<1x12x24x128xf32, #tpu.memory_space<hbm>>
    %dma_wait3A_1200 = tpu.memref_squeeze %dma_wait3A_1199 : memref<1x12x24x128xf32, #tpu.memory_space<hbm>> -> memref<12x24x128xf32, #tpu.memory_space<hbm>>
    %dma_wait3A_1201 = arith.constant 0 : i32
    %dma_wait3A_1202 = arith.constant 0 : i32
    %dma_wait3A_1203 = tpu.memref_slice %arg3[%add3A_945, %mul3A_745, %dma_wait3A_1201, %dma_wait3A_1202] : memref<576x24x24x128xf32, #tpu.memory_space<hbm>> -> memref<1x12x24x128xf32, #tpu.memory_space<hbm>>
    %dma_wait3A_1204 = tpu.memref_squeeze %dma_wait3A_1203 : memref<1x12x24x128xf32, #tpu.memory_space<hbm>> -> memref<12x24x128xf32, #tpu.memory_space<hbm>>
    %dma_wait3A_1205 = arith.constant 11 : i32
    %dma_wait3A_1206 = arith.constant 0 : i32
    %dma_wait3A_1207 = arith.constant 0 : i32
    %dma_wait3A_1208 = tpu.memref_slice %arg4[%dma_wait3A_1205, %dma_wait3A_1206, %dma_wait3A_1207] : memref<23x24x128xf32, #tpu.memory_space<vmem>> -> memref<12x24x128xf32, #tpu.memory_space<vmem>>
    tpu.wait_dma2 semaphore(%arg5 : memref<!tpu.dma_semaphore, #tpu.memory_space<semaphore_mem>>) src(%dma_wait3A_1208 : memref<12x24x128xf32, #tpu.memory_space<vmem>>) dst(%dma_wait3A_1204 : memref<12x24x128xf32, #tpu.memory_space<hbm>>)
    %dma_wait3A_1209 = arith.constant 10 : i32
    %dma_wait3A_1210 = arith.constant 0 : i32
    %dma_wait3A_1211 = arith.constant 0 : i32
    %dma_wait3A_1212 = tpu.memref_slice %arg4[%dma_wait3A_1209, %dma_wait3A_1210, %dma_wait3A_1211] : memref<23x24x128xf32, #tpu.memory_space<vmem>> -> memref<12x24x128xf32, #tpu.memory_space<vmem>>
    %dma_wait3A_1213 = arith.constant 0 : i32
    %dma_wait3A_1214 = arith.constant 0 : i32
    %dma_wait3A_1215 = tpu.memref_slice %arg3[%add3A_966, %mul3A_745, %dma_wait3A_1213, %dma_wait3A_1214] : memref<576x24x24x128xf32, #tpu.memory_space<hbm>> -> memref<1x12x24x128xf32, #tpu.memory_space<hbm>>
    %dma_wait3A_1216 = tpu.memref_squeeze %dma_wait3A_1215 : memref<1x12x24x128xf32, #tpu.memory_space<hbm>> -> memref<12x24x128xf32, #tpu.memory_space<hbm>>
    %dma_wait3A_1217 = arith.constant 0 : i32
    %dma_wait3A_1218 = arith.constant 0 : i32
    %dma_wait3A_1219 = tpu.memref_slice %arg3[%add3A_966, %mul3A_745, %dma_wait3A_1217, %dma_wait3A_1218] : memref<576x24x24x128xf32, #tpu.memory_space<hbm>> -> memref<1x12x24x128xf32, #tpu.memory_space<hbm>>
    %dma_wait3A_1220 = tpu.memref_squeeze %dma_wait3A_1219 : memref<1x12x24x128xf32, #tpu.memory_space<hbm>> -> memref<12x24x128xf32, #tpu.memory_space<hbm>>
    %dma_wait3A_1221 = arith.constant 10 : i32
    %dma_wait3A_1222 = arith.constant 0 : i32
    %dma_wait3A_1223 = arith.constant 0 : i32
    %dma_wait3A_1224 = tpu.memref_slice %arg4[%dma_wait3A_1221, %dma_wait3A_1222, %dma_wait3A_1223] : memref<23x24x128xf32, #tpu.memory_space<vmem>> -> memref<12x24x128xf32, #tpu.memory_space<vmem>>
    tpu.wait_dma2 semaphore(%arg5 : memref<!tpu.dma_semaphore, #tpu.memory_space<semaphore_mem>>) src(%dma_wait3A_1224 : memref<12x24x128xf32, #tpu.memory_space<vmem>>) dst(%dma_wait3A_1220 : memref<12x24x128xf32, #tpu.memory_space<hbm>>)
    %dma_wait3A_1225 = arith.constant 9 : i32
    %dma_wait3A_1226 = arith.constant 0 : i32
    %dma_wait3A_1227 = arith.constant 0 : i32
    %dma_wait3A_1228 = tpu.memref_slice %arg4[%dma_wait3A_1225, %dma_wait3A_1226, %dma_wait3A_1227] : memref<23x24x128xf32, #tpu.memory_space<vmem>> -> memref<12x24x128xf32, #tpu.memory_space<vmem>>
    %dma_wait3A_1229 = arith.constant 0 : i32
    %dma_wait3A_1230 = arith.constant 0 : i32
    %dma_wait3A_1231 = tpu.memref_slice %arg3[%add3A_987, %mul3A_745, %dma_wait3A_1229, %dma_wait3A_1230] : memref<576x24x24x128xf32, #tpu.memory_space<hbm>> -> memref<1x12x24x128xf32, #tpu.memory_space<hbm>>
    %dma_wait3A_1232 = tpu.memref_squeeze %dma_wait3A_1231 : memref<1x12x24x128xf32, #tpu.memory_space<hbm>> -> memref<12x24x128xf32, #tpu.memory_space<hbm>>
    %dma_wait3A_1233 = arith.constant 0 : i32
    %dma_wait3A_1234 = arith.constant 0 : i32
    %dma_wait3A_1235 = tpu.memref_slice %arg3[%add3A_987, %mul3A_745, %dma_wait3A_1233, %dma_wait3A_1234] : memref<576x24x24x128xf32, #tpu.memory_space<hbm>> -> memref<1x12x24x128xf32, #tpu.memory_space<hbm>>
    %dma_wait3A_1236 = tpu.memref_squeeze %dma_wait3A_1235 : memref<1x12x24x128xf32, #tpu.memory_space<hbm>> -> memref<12x24x128xf32, #tpu.memory_space<hbm>>
    %dma_wait3A_1237 = arith.constant 9 : i32
    %dma_wait3A_1238 = arith.constant 0 : i32
    %dma_wait3A_1239 = arith.constant 0 : i32
    %dma_wait3A_1240 = tpu.memref_slice %arg4[%dma_wait3A_1237, %dma_wait3A_1238, %dma_wait3A_1239] : memref<23x24x128xf32, #tpu.memory_space<vmem>> -> memref<12x24x128xf32, #tpu.memory_space<vmem>>
    tpu.wait_dma2 semaphore(%arg5 : memref<!tpu.dma_semaphore, #tpu.memory_space<semaphore_mem>>) src(%dma_wait3A_1240 : memref<12x24x128xf32, #tpu.memory_space<vmem>>) dst(%dma_wait3A_1236 : memref<12x24x128xf32, #tpu.memory_space<hbm>>)
    %dma_wait3A_1241 = arith.constant 8 : i32
    %dma_wait3A_1242 = arith.constant 0 : i32
    %dma_wait3A_1243 = arith.constant 0 : i32
    %dma_wait3A_1244 = tpu.memref_slice %arg4[%dma_wait3A_1241, %dma_wait3A_1242, %dma_wait3A_1243] : memref<23x24x128xf32, #tpu.memory_space<vmem>> -> memref<12x24x128xf32, #tpu.memory_space<vmem>>
    %dma_wait3A_1245 = arith.constant 0 : i32
    %dma_wait3A_1246 = arith.constant 0 : i32
    %dma_wait3A_1247 = tpu.memref_slice %arg3[%add3A_1008, %mul3A_745, %dma_wait3A_1245, %dma_wait3A_1246] : memref<576x24x24x128xf32, #tpu.memory_space<hbm>> -> memref<1x12x24x128xf32, #tpu.memory_space<hbm>>
    %dma_wait3A_1248 = tpu.memref_squeeze %dma_wait3A_1247 : memref<1x12x24x128xf32, #tpu.memory_space<hbm>> -> memref<12x24x128xf32, #tpu.memory_space<hbm>>
    %dma_wait3A_1249 = arith.constant 0 : i32
    %dma_wait3A_1250 = arith.constant 0 : i32
    %dma_wait3A_1251 = tpu.memref_slice %arg3[%add3A_1008, %mul3A_745, %dma_wait3A_1249, %dma_wait3A_1250] : memref<576x24x24x128xf32, #tpu.memory_space<hbm>> -> memref<1x12x24x128xf32, #tpu.memory_space<hbm>>
    %dma_wait3A_1252 = tpu.memref_squeeze %dma_wait3A_1251 : memref<1x12x24x128xf32, #tpu.memory_space<hbm>> -> memref<12x24x128xf32, #tpu.memory_space<hbm>>
    %dma_wait3A_1253 = arith.constant 8 : i32
    %dma_wait3A_1254 = arith.constant 0 : i32
    %dma_wait3A_1255 = arith.constant 0 : i32
    %dma_wait3A_1256 = tpu.memref_slice %arg4[%dma_wait3A_1253, %dma_wait3A_1254, %dma_wait3A_1255] : memref<23x24x128xf32, #tpu.memory_space<vmem>> -> memref<12x24x128xf32, #tpu.memory_space<vmem>>
    tpu.wait_dma2 semaphore(%arg5 : memref<!tpu.dma_semaphore, #tpu.memory_space<semaphore_mem>>) src(%dma_wait3A_1256 : memref<12x24x128xf32, #tpu.memory_space<vmem>>) dst(%dma_wait3A_1252 : memref<12x24x128xf32, #tpu.memory_space<hbm>>)
    %dma_wait3A_1257 = arith.constant 7 : i32
    %dma_wait3A_1258 = arith.constant 0 : i32
    %dma_wait3A_1259 = arith.constant 0 : i32
    %dma_wait3A_1260 = tpu.memref_slice %arg4[%dma_wait3A_1257, %dma_wait3A_1258, %dma_wait3A_1259] : memref<23x24x128xf32, #tpu.memory_space<vmem>> -> memref<12x24x128xf32, #tpu.memory_space<vmem>>
    %dma_wait3A_1261 = arith.constant 0 : i32
    %dma_wait3A_1262 = arith.constant 0 : i32
    %dma_wait3A_1263 = tpu.memref_slice %arg3[%add3A_1029, %mul3A_745, %dma_wait3A_1261, %dma_wait3A_1262] : memref<576x24x24x128xf32, #tpu.memory_space<hbm>> -> memref<1x12x24x128xf32, #tpu.memory_space<hbm>>
    %dma_wait3A_1264 = tpu.memref_squeeze %dma_wait3A_1263 : memref<1x12x24x128xf32, #tpu.memory_space<hbm>> -> memref<12x24x128xf32, #tpu.memory_space<hbm>>
    %dma_wait3A_1265 = arith.constant 0 : i32
    %dma_wait3A_1266 = arith.constant 0 : i32
    %dma_wait3A_1267 = tpu.memref_slice %arg3[%add3A_1029, %mul3A_745, %dma_wait3A_1265, %dma_wait3A_1266] : memref<576x24x24x128xf32, #tpu.memory_space<hbm>> -> memref<1x12x24x128xf32, #tpu.memory_space<hbm>>
    %dma_wait3A_1268 = tpu.memref_squeeze %dma_wait3A_1267 : memref<1x12x24x128xf32, #tpu.memory_space<hbm>> -> memref<12x24x128xf32, #tpu.memory_space<hbm>>
    %dma_wait3A_1269 = arith.constant 7 : i32
    %dma_wait3A_1270 = arith.constant 0 : i32
    %dma_wait3A_1271 = arith.constant 0 : i32
    %dma_wait3A_1272 = tpu.memref_slice %arg4[%dma_wait3A_1269, %dma_wait3A_1270, %dma_wait3A_1271] : memref<23x24x128xf32, #tpu.memory_space<vmem>> -> memref<12x24x128xf32, #tpu.memory_space<vmem>>
    tpu.wait_dma2 semaphore(%arg5 : memref<!tpu.dma_semaphore, #tpu.memory_space<semaphore_mem>>) src(%dma_wait3A_1272 : memref<12x24x128xf32, #tpu.memory_space<vmem>>) dst(%dma_wait3A_1268 : memref<12x24x128xf32, #tpu.memory_space<hbm>>)
    %dma_wait3A_1273 = arith.constant 6 : i32
    %dma_wait3A_1274 = arith.constant 0 : i32
    %dma_wait3A_1275 = arith.constant 0 : i32
    %dma_wait3A_1276 = tpu.memref_slice %arg4[%dma_wait3A_1273, %dma_wait3A_1274, %dma_wait3A_1275] : memref<23x24x128xf32, #tpu.memory_space<vmem>> -> memref<12x24x128xf32, #tpu.memory_space<vmem>>
    %dma_wait3A_1277 = arith.constant 0 : i32
    %dma_wait3A_1278 = arith.constant 0 : i32
    %dma_wait3A_1279 = tpu.memref_slice %arg3[%add3A_1050, %mul3A_745, %dma_wait3A_1277, %dma_wait3A_1278] : memref<576x24x24x128xf32, #tpu.memory_space<hbm>> -> memref<1x12x24x128xf32, #tpu.memory_space<hbm>>
    %dma_wait3A_1280 = tpu.memref_squeeze %dma_wait3A_1279 : memref<1x12x24x128xf32, #tpu.memory_space<hbm>> -> memref<12x24x128xf32, #tpu.memory_space<hbm>>
    %dma_wait3A_1281 = arith.constant 0 : i32
    %dma_wait3A_1282 = arith.constant 0 : i32
    %dma_wait3A_1283 = tpu.memref_slice %arg3[%add3A_1050, %mul3A_745, %dma_wait3A_1281, %dma_wait3A_1282] : memref<576x24x24x128xf32, #tpu.memory_space<hbm>> -> memref<1x12x24x128xf32, #tpu.memory_space<hbm>>
    %dma_wait3A_1284 = tpu.memref_squeeze %dma_wait3A_1283 : memref<1x12x24x128xf32, #tpu.memory_space<hbm>> -> memref<12x24x128xf32, #tpu.memory_space<hbm>>
    %dma_wait3A_1285 = arith.constant 6 : i32
    %dma_wait3A_1286 = arith.constant 0 : i32
    %dma_wait3A_1287 = arith.constant 0 : i32
    %dma_wait3A_1288 = tpu.memref_slice %arg4[%dma_wait3A_1285, %dma_wait3A_1286, %dma_wait3A_1287] : memref<23x24x128xf32, #tpu.memory_space<vmem>> -> memref<12x24x128xf32, #tpu.memory_space<vmem>>
    tpu.wait_dma2 semaphore(%arg5 : memref<!tpu.dma_semaphore, #tpu.memory_space<semaphore_mem>>) src(%dma_wait3A_1288 : memref<12x24x128xf32, #tpu.memory_space<vmem>>) dst(%dma_wait3A_1284 : memref<12x24x128xf32, #tpu.memory_space<hbm>>)
    %dma_wait3A_1289 = arith.constant 5 : i32
    %dma_wait3A_1290 = arith.constant 0 : i32
    %dma_wait3A_1291 = arith.constant 0 : i32
    %dma_wait3A_1292 = tpu.memref_slice %arg4[%dma_wait3A_1289, %dma_wait3A_1290, %dma_wait3A_1291] : memref<23x24x128xf32, #tpu.memory_space<vmem>> -> memref<12x24x128xf32, #tpu.memory_space<vmem>>
    %dma_wait3A_1293 = arith.constant 0 : i32
    %dma_wait3A_1294 = arith.constant 0 : i32
    %dma_wait3A_1295 = tpu.memref_slice %arg3[%add3A_1071, %mul3A_745, %dma_wait3A_1293, %dma_wait3A_1294] : memref<576x24x24x128xf32, #tpu.memory_space<hbm>> -> memref<1x12x24x128xf32, #tpu.memory_space<hbm>>
    %dma_wait3A_1296 = tpu.memref_squeeze %dma_wait3A_1295 : memref<1x12x24x128xf32, #tpu.memory_space<hbm>> -> memref<12x24x128xf32, #tpu.memory_space<hbm>>
    %dma_wait3A_1297 = arith.constant 0 : i32
    %dma_wait3A_1298 = arith.constant 0 : i32
    %dma_wait3A_1299 = tpu.memref_slice %arg3[%add3A_1071, %mul3A_745, %dma_wait3A_1297, %dma_wait3A_1298] : memref<576x24x24x128xf32, #tpu.memory_space<hbm>> -> memref<1x12x24x128xf32, #tpu.memory_space<hbm>>
    %dma_wait3A_1300 = tpu.memref_squeeze %dma_wait3A_1299 : memref<1x12x24x128xf32, #tpu.memory_space<hbm>> -> memref<12x24x128xf32, #tpu.memory_space<hbm>>
    %dma_wait3A_1301 = arith.constant 5 : i32
    %dma_wait3A_1302 = arith.constant 0 : i32
    %dma_wait3A_1303 = arith.constant 0 : i32
    %dma_wait3A_1304 = tpu.memref_slice %arg4[%dma_wait3A_1301, %dma_wait3A_1302, %dma_wait3A_1303] : memref<23x24x128xf32, #tpu.memory_space<vmem>> -> memref<12x24x128xf32, #tpu.memory_space<vmem>>
    tpu.wait_dma2 semaphore(%arg5 : memref<!tpu.dma_semaphore, #tpu.memory_space<semaphore_mem>>) src(%dma_wait3A_1304 : memref<12x24x128xf32, #tpu.memory_space<vmem>>) dst(%dma_wait3A_1300 : memref<12x24x128xf32, #tpu.memory_space<hbm>>)
    %dma_wait3A_1305 = arith.constant 4 : i32
    %dma_wait3A_1306 = arith.constant 0 : i32
    %dma_wait3A_1307 = arith.constant 0 : i32
    %dma_wait3A_1308 = tpu.memref_slice %arg4[%dma_wait3A_1305, %dma_wait3A_1306, %dma_wait3A_1307] : memref<23x24x128xf32, #tpu.memory_space<vmem>> -> memref<12x24x128xf32, #tpu.memory_space<vmem>>
    %dma_wait3A_1309 = arith.constant 0 : i32
    %dma_wait3A_1310 = arith.constant 0 : i32
    %dma_wait3A_1311 = tpu.memref_slice %arg3[%add3A_1092, %mul3A_745, %dma_wait3A_1309, %dma_wait3A_1310] : memref<576x24x24x128xf32, #tpu.memory_space<hbm>> -> memref<1x12x24x128xf32, #tpu.memory_space<hbm>>
    %dma_wait3A_1312 = tpu.memref_squeeze %dma_wait3A_1311 : memref<1x12x24x128xf32, #tpu.memory_space<hbm>> -> memref<12x24x128xf32, #tpu.memory_space<hbm>>
    %dma_wait3A_1313 = arith.constant 0 : i32
    %dma_wait3A_1314 = arith.constant 0 : i32
    %dma_wait3A_1315 = tpu.memref_slice %arg3[%add3A_1092, %mul3A_745, %dma_wait3A_1313, %dma_wait3A_1314] : memref<576x24x24x128xf32, #tpu.memory_space<hbm>> -> memref<1x12x24x128xf32, #tpu.memory_space<hbm>>
    %dma_wait3A_1316 = tpu.memref_squeeze %dma_wait3A_1315 : memref<1x12x24x128xf32, #tpu.memory_space<hbm>> -> memref<12x24x128xf32, #tpu.memory_space<hbm>>
    %dma_wait3A_1317 = arith.constant 4 : i32
    %dma_wait3A_1318 = arith.constant 0 : i32
    %dma_wait3A_1319 = arith.constant 0 : i32
    %dma_wait3A_1320 = tpu.memref_slice %arg4[%dma_wait3A_1317, %dma_wait3A_1318, %dma_wait3A_1319] : memref<23x24x128xf32, #tpu.memory_space<vmem>> -> memref<12x24x128xf32, #tpu.memory_space<vmem>>
    tpu.wait_dma2 semaphore(%arg5 : memref<!tpu.dma_semaphore, #tpu.memory_space<semaphore_mem>>) src(%dma_wait3A_1320 : memref<12x24x128xf32, #tpu.memory_space<vmem>>) dst(%dma_wait3A_1316 : memref<12x24x128xf32, #tpu.memory_space<hbm>>)
    %dma_wait3A_1321 = arith.constant 3 : i32
    %dma_wait3A_1322 = arith.constant 0 : i32
    %dma_wait3A_1323 = arith.constant 0 : i32
    %dma_wait3A_1324 = tpu.memref_slice %arg4[%dma_wait3A_1321, %dma_wait3A_1322, %dma_wait3A_1323] : memref<23x24x128xf32, #tpu.memory_space<vmem>> -> memref<12x24x128xf32, #tpu.memory_space<vmem>>
    %dma_wait3A_1325 = arith.constant 0 : i32
    %dma_wait3A_1326 = arith.constant 0 : i32
    %dma_wait3A_1327 = tpu.memref_slice %arg3[%add3A_1113, %mul3A_745, %dma_wait3A_1325, %dma_wait3A_1326] : memref<576x24x24x128xf32, #tpu.memory_space<hbm>> -> memref<1x12x24x128xf32, #tpu.memory_space<hbm>>
    %dma_wait3A_1328 = tpu.memref_squeeze %dma_wait3A_1327 : memref<1x12x24x128xf32, #tpu.memory_space<hbm>> -> memref<12x24x128xf32, #tpu.memory_space<hbm>>
    %dma_wait3A_1329 = arith.constant 0 : i32
    %dma_wait3A_1330 = arith.constant 0 : i32
    %dma_wait3A_1331 = tpu.memref_slice %arg3[%add3A_1113, %mul3A_745, %dma_wait3A_1329, %dma_wait3A_1330] : memref<576x24x24x128xf32, #tpu.memory_space<hbm>> -> memref<1x12x24x128xf32, #tpu.memory_space<hbm>>
    %dma_wait3A_1332 = tpu.memref_squeeze %dma_wait3A_1331 : memref<1x12x24x128xf32, #tpu.memory_space<hbm>> -> memref<12x24x128xf32, #tpu.memory_space<hbm>>
    %dma_wait3A_1333 = arith.constant 3 : i32
    %dma_wait3A_1334 = arith.constant 0 : i32
    %dma_wait3A_1335 = arith.constant 0 : i32
    %dma_wait3A_1336 = tpu.memref_slice %arg4[%dma_wait3A_1333, %dma_wait3A_1334, %dma_wait3A_1335] : memref<23x24x128xf32, #tpu.memory_space<vmem>> -> memref<12x24x128xf32, #tpu.memory_space<vmem>>
    tpu.wait_dma2 semaphore(%arg5 : memref<!tpu.dma_semaphore, #tpu.memory_space<semaphore_mem>>) src(%dma_wait3A_1336 : memref<12x24x128xf32, #tpu.memory_space<vmem>>) dst(%dma_wait3A_1332 : memref<12x24x128xf32, #tpu.memory_space<hbm>>)
    %dma_wait3A_1337 = arith.constant 2 : i32
    %dma_wait3A_1338 = arith.constant 0 : i32
    %dma_wait3A_1339 = arith.constant 0 : i32
    %dma_wait3A_1340 = tpu.memref_slice %arg4[%dma_wait3A_1337, %dma_wait3A_1338, %dma_wait3A_1339] : memref<23x24x128xf32, #tpu.memory_space<vmem>> -> memref<12x24x128xf32, #tpu.memory_space<vmem>>
    %dma_wait3A_1341 = arith.constant 0 : i32
    %dma_wait3A_1342 = arith.constant 0 : i32
    %dma_wait3A_1343 = tpu.memref_slice %arg3[%add3A_1134, %mul3A_745, %dma_wait3A_1341, %dma_wait3A_1342] : memref<576x24x24x128xf32, #tpu.memory_space<hbm>> -> memref<1x12x24x128xf32, #tpu.memory_space<hbm>>
    %dma_wait3A_1344 = tpu.memref_squeeze %dma_wait3A_1343 : memref<1x12x24x128xf32, #tpu.memory_space<hbm>> -> memref<12x24x128xf32, #tpu.memory_space<hbm>>
    %dma_wait3A_1345 = arith.constant 0 : i32
    %dma_wait3A_1346 = arith.constant 0 : i32
    %dma_wait3A_1347 = tpu.memref_slice %arg3[%add3A_1134, %mul3A_745, %dma_wait3A_1345, %dma_wait3A_1346] : memref<576x24x24x128xf32, #tpu.memory_space<hbm>> -> memref<1x12x24x128xf32, #tpu.memory_space<hbm>>
    %dma_wait3A_1348 = tpu.memref_squeeze %dma_wait3A_1347 : memref<1x12x24x128xf32, #tpu.memory_space<hbm>> -> memref<12x24x128xf32, #tpu.memory_space<hbm>>
    %dma_wait3A_1349 = arith.constant 2 : i32
    %dma_wait3A_1350 = arith.constant 0 : i32
    %dma_wait3A_1351 = arith.constant 0 : i32
    %dma_wait3A_1352 = tpu.memref_slice %arg4[%dma_wait3A_1349, %dma_wait3A_1350, %dma_wait3A_1351] : memref<23x24x128xf32, #tpu.memory_space<vmem>> -> memref<12x24x128xf32, #tpu.memory_space<vmem>>
    tpu.wait_dma2 semaphore(%arg5 : memref<!tpu.dma_semaphore, #tpu.memory_space<semaphore_mem>>) src(%dma_wait3A_1352 : memref<12x24x128xf32, #tpu.memory_space<vmem>>) dst(%dma_wait3A_1348 : memref<12x24x128xf32, #tpu.memory_space<hbm>>)
    %dma_wait3A_1353 = arith.constant 1 : i32
    %dma_wait3A_1354 = arith.constant 0 : i32
    %dma_wait3A_1355 = arith.constant 0 : i32
    %dma_wait3A_1356 = tpu.memref_slice %arg4[%dma_wait3A_1353, %dma_wait3A_1354, %dma_wait3A_1355] : memref<23x24x128xf32, #tpu.memory_space<vmem>> -> memref<12x24x128xf32, #tpu.memory_space<vmem>>
    %dma_wait3A_1357 = arith.constant 0 : i32
    %dma_wait3A_1358 = arith.constant 0 : i32
    %dma_wait3A_1359 = tpu.memref_slice %arg3[%add3A_1155, %mul3A_745, %dma_wait3A_1357, %dma_wait3A_1358] : memref<576x24x24x128xf32, #tpu.memory_space<hbm>> -> memref<1x12x24x128xf32, #tpu.memory_space<hbm>>
    %dma_wait3A_1360 = tpu.memref_squeeze %dma_wait3A_1359 : memref<1x12x24x128xf32, #tpu.memory_space<hbm>> -> memref<12x24x128xf32, #tpu.memory_space<hbm>>
    %dma_wait3A_1361 = arith.constant 0 : i32
    %dma_wait3A_1362 = arith.constant 0 : i32
    %dma_wait3A_1363 = tpu.memref_slice %arg3[%add3A_1155, %mul3A_745, %dma_wait3A_1361, %dma_wait3A_1362] : memref<576x24x24x128xf32, #tpu.memory_space<hbm>> -> memref<1x12x24x128xf32, #tpu.memory_space<hbm>>
    %dma_wait3A_1364 = tpu.memref_squeeze %dma_wait3A_1363 : memref<1x12x24x128xf32, #tpu.memory_space<hbm>> -> memref<12x24x128xf32, #tpu.memory_space<hbm>>
    %dma_wait3A_1365 = arith.constant 1 : i32
    %dma_wait3A_1366 = arith.constant 0 : i32
    %dma_wait3A_1367 = arith.constant 0 : i32
    %dma_wait3A_1368 = tpu.memref_slice %arg4[%dma_wait3A_1365, %dma_wait3A_1366, %dma_wait3A_1367] : memref<23x24x128xf32, #tpu.memory_space<vmem>> -> memref<12x24x128xf32, #tpu.memory_space<vmem>>
    tpu.wait_dma2 semaphore(%arg5 : memref<!tpu.dma_semaphore, #tpu.memory_space<semaphore_mem>>) src(%dma_wait3A_1368 : memref<12x24x128xf32, #tpu.memory_space<vmem>>) dst(%dma_wait3A_1364 : memref<12x24x128xf32, #tpu.memory_space<hbm>>)
    %dma_wait3A_1369 = arith.constant 0 : i32
    %dma_wait3A_1370 = arith.constant 0 : i32
    %dma_wait3A_1371 = arith.constant 0 : i32
    %dma_wait3A_1372 = tpu.memref_slice %arg4[%dma_wait3A_1369, %dma_wait3A_1370, %dma_wait3A_1371] : memref<23x24x128xf32, #tpu.memory_space<vmem>> -> memref<12x24x128xf32, #tpu.memory_space<vmem>>
    %dma_wait3A_1373 = arith.constant 0 : i32
    %dma_wait3A_1374 = arith.constant 0 : i32
    %dma_wait3A_1375 = tpu.memref_slice %arg3[%add3A_1176, %mul3A_745, %dma_wait3A_1373, %dma_wait3A_1374] : memref<576x24x24x128xf32, #tpu.memory_space<hbm>> -> memref<1x12x24x128xf32, #tpu.memory_space<hbm>>
    %dma_wait3A_1376 = tpu.memref_squeeze %dma_wait3A_1375 : memref<1x12x24x128xf32, #tpu.memory_space<hbm>> -> memref<12x24x128xf32, #tpu.memory_space<hbm>>
    %dma_wait3A_1377 = arith.constant 0 : i32
    %dma_wait3A_1378 = arith.constant 0 : i32
    %dma_wait3A_1379 = tpu.memref_slice %arg3[%add3A_1176, %mul3A_745, %dma_wait3A_1377, %dma_wait3A_1378] : memref<576x24x24x128xf32, #tpu.memory_space<hbm>> -> memref<1x12x24x128xf32, #tpu.memory_space<hbm>>
    %dma_wait3A_1380 = tpu.memref_squeeze %dma_wait3A_1379 : memref<1x12x24x128xf32, #tpu.memory_space<hbm>> -> memref<12x24x128xf32, #tpu.memory_space<hbm>>
    %dma_wait3A_1381 = arith.constant 0 : i32
    %dma_wait3A_1382 = arith.constant 0 : i32
    %dma_wait3A_1383 = arith.constant 0 : i32
    %dma_wait3A_1384 = tpu.memref_slice %arg4[%dma_wait3A_1381, %dma_wait3A_1382, %dma_wait3A_1383] : memref<23x24x128xf32, #tpu.memory_space<vmem>> -> memref<12x24x128xf32, #tpu.memory_space<vmem>>
    tpu.wait_dma2 semaphore(%arg5 : memref<!tpu.dma_semaphore, #tpu.memory_space<semaphore_mem>>) src(%dma_wait3A_1384 : memref<12x24x128xf32, #tpu.memory_space<vmem>>) dst(%dma_wait3A_1380 : memref<12x24x128xf32, #tpu.memory_space<hbm>>)
    return
  }
}

module attributes {stable_mosaic.version = 14 : i64} {
  func.func @_build_body(%arg0: i32, %arg1: memref<47x64xf32, #tpu.memory_space<vmem>>, %arg2: memref<47x64xf32, #tpu.memory_space<vmem>>, %arg3: memref<12x47x24x128xf32, #tpu.memory_space<vmem>>) attributes {dimension_semantics = [#tpu.dimension_semantics<parallel>], iteration_bounds = array<i64: 2>, scalar_prefetch = 0 : i64, scratch_operands = 0 : i64, tpu.core_type = #tpu.core_type<tc>, window_params = [{pipeline_mode = #tpu.pipeline_mode<synchronous>, transform_indices = @transform_0, window_bounds = array<i64: 47, 64>}, {pipeline_mode = #tpu.pipeline_mode<synchronous>, transform_indices = @transform_1, window_bounds = array<i64: 47, 64>}, {transform_indices = @transform_2, window_bounds = array<i64: 12, 47, 24, 128>}]} {
    %mul3A = arith.constant 12 : i32
    %mul3A_0 = arith.muli %arg0, %mul3A : i32
    %iota3A = tpu.iota {dimensions = array<i32: 2>} : vector<12x24x47xi32>
    %iota3A_1 = tpu.iota {dimensions = array<i32: 0>} : vector<12x24x47xi32>
    %iota3A_2 = tpu.iota {dimensions = array<i32: 1>} : vector<12x24x47xi32>
    %sub3A = arith.constant 23 : i32
    %sub3A_3 = arith.subi %sub3A, %mul3A_0 : i32
    %sub3A_4 = vector.broadcast %sub3A_3 : i32 to vector<12x24x47xi32>
    %sub3A_5 = arith.subi %sub3A_4, %iota3A_1 : vector<12x24x47xi32>
    %add3A = arith.addi %sub3A_5, %iota3A_2 : vector<12x24x47xi32>
    %eq3A = arith.cmpi eq, %iota3A, %add3A : vector<12x24x47xi32>
    %jit3A = arith.constant 1.000000e+00 : f32
    %jit3A_6 = arith.constant 0.000000e+00 : f32
    %broadcast_in_dim3A = vector.broadcast %jit3A : f32 to vector<12x24x47xf32>
    %broadcast_in_dim3A_7 = vector.broadcast %jit3A_6 : f32 to vector<12x24x47xf32>
    %select_n3A = arith.select %eq3A, %broadcast_in_dim3A, %broadcast_in_dim3A_7 : vector<12x24x47xi1>, vector<12x24x47xf32>
    %reshape3A = vector.shape_cast %select_n3A : vector<12x24x47xf32> to vector<288x47xf32>
    %get3A = arith.constant 0 : index
    %get3A_8 = arith.constant 0 : index
    %get3A_9 = vector.load %arg2[%get3A, %get3A_8] : memref<47x64xf32, #tpu.memory_space<vmem>>, vector<47x64xf32>
    %dot_general3A = arith.constant dense<0.000000e+00> : vector<288x64xf32>
    %dot_general3A_10 = tpu.matmul %reshape3A, %get3A_9, %dot_general3A {dimension_numbers = #tpu.dot_dimension_numbers<[1], [0], [0], [1], [0, 0, 1, 1], [], []>, precision = #tpu.contract_precision<fp32>, transpose_lhs_hint = false} : vector<288x47xf32>, vector<47x64xf32>, vector<288x64xf32> -> vector<288x64xf32>
    %reshape3A_11 = vector.shape_cast %dot_general3A_10 : vector<288x64xf32> to vector<12x24x64xf32>
    %get3A_12 = arith.constant 0 : index
    %get3A_13 = arith.constant 0 : index
    %get3A_14 = vector.load %arg1[%get3A_12, %get3A_13] : memref<47x64xf32, #tpu.memory_space<vmem>>, vector<47x64xf32>
    %broadcast_in_dim3A_15 = vector.shape_cast %get3A_14 : vector<47x64xf32> to vector<1x47x1x64xf32>
    %broadcast_in_dim3A_16 = vector.shape_cast %broadcast_in_dim3A_15 : vector<1x47x1x64xf32> to vector<1x47x1x64xf32>
    %broadcast_in_dim3A_17 = vector.broadcast %broadcast_in_dim3A_16 : vector<1x47x1x64xf32> to vector<12x47x24x64xf32>
    %swap3A = arith.constant 0 : index
    %swap3A_18 = arith.constant 0 : index
    %swap3A_19 = arith.constant 0 : index
    %swap3A_20 = arith.constant 0 : index
    %swap3A_21 = vector.load %arg3[%swap3A, %swap3A_18, %swap3A_19, %swap3A_20] : memref<12x47x24x128xf32, #tpu.memory_space<vmem>>, vector<12x47x24x64xf32>
    tpu.vector_store %arg3[%swap3A, %swap3A_18, %swap3A_19, %swap3A_20], %broadcast_in_dim3A_17 {strides = array<i32>} : memref<12x47x24x128xf32, #tpu.memory_space<vmem>>, vector<12x47x24x64xf32>,
    %broadcast_in_dim3A_22 = vector.shape_cast %reshape3A_11 : vector<12x24x64xf32> to vector<12x1x24x64xf32>
    %broadcast_in_dim3A_23 = vector.shape_cast %broadcast_in_dim3A_22 : vector<12x1x24x64xf32> to vector<12x1x24x64xf32>
    %broadcast_in_dim3A_24 = vector.broadcast %broadcast_in_dim3A_23 : vector<12x1x24x64xf32> to vector<12x47x24x64xf32>
    %swap3A_25 = arith.constant 0 : index
    %swap3A_26 = arith.constant 0 : index
    %swap3A_27 = arith.constant 0 : index
    %swap3A_28 = arith.constant 64 : index
    %swap3A_29 = vector.load %arg3[%swap3A_25, %swap3A_26, %swap3A_27, %swap3A_28] : memref<12x47x24x128xf32, #tpu.memory_space<vmem>>, vector<12x47x24x64xf32>
    tpu.vector_store %arg3[%swap3A_25, %swap3A_26, %swap3A_27, %swap3A_28], %broadcast_in_dim3A_24 {strides = array<i32>} : memref<12x47x24x128xf32, #tpu.memory_space<vmem>>, vector<12x47x24x64xf32>,
    return
  }
  func.func @transform_0(%arg0: i32) -> (i32, i32) {
    %c0_i32 = arith.constant 0 : i32
    %c0_i32_0 = arith.constant 0 : i32
    %c0_i32_1 = arith.constant 0 : i32
    return %c0_i32, %c0_i32_0 : i32, i32
  }
  func.func @transform_1(%arg0: i32) -> (i32, i32) {
    %c0_i32 = arith.constant 0 : i32
    %c0_i32_0 = arith.constant 0 : i32
    %c0_i32_1 = arith.constant 0 : i32
    return %c0_i32, %c0_i32_0 : i32, i32
  }
  func.func @transform_2(%arg0: i32) -> (i32, i32, i32, i32) {
    %c0_i32 = arith.constant 0 : i32
    %c0_i32_0 = arith.constant 0 : i32
    %c0_i32_1 = arith.constant 0 : i32
    %c0_i32_2 = arith.constant 0 : i32
    return %arg0, %c0_i32, %c0_i32_0, %c0_i32_1 : i32, i32, i32, i32
  }
}

</mosaic_0001>

<sc_bundles>
// kernel: kernel.4.cloned.1.call-start
scs
__scs_entry_jumppad:
0x0: {  	(pc) =	sbr.rel $0x88, $3  }
0x1: {  	(tag) =	ssettag $0x0;
	lr =	simm.s32 $0x1  }
0x2: {  	[smem:$0x3F9F] =	sst lr;
	_ =	strace $0xD0000000  }
0x3: {  	_ = 	snop  }
0x4: {  	_ = 	snop  }
0x5: {  	_ = 	snop  }
0x6: {  	_ = 	snop  }
0x7: {  	_ = 	snop  }
__scs_overlays_trampoline_lowered:
0x8: {  	[smem:$0x3FAE] =	sst s0  }
0x9: {  	[smem:$0x3FAF] =	sst s1  }
0xa: {  	[smem:$0x3FB0] =	sst s2  }
0xb: {  	[smem:$0x3FB1] =	sst s3  }
0xc: {  	[smem:$0x3FB2] =	sst s4  }
0xd: {  	[smem:$0x3FB3] =	sst s5  }
0xe: {  	[smem:$0x3FB4] =	sst s6  }
0xf: {  	[smem:$0x3FB5] =	sst s7  }
0x10: {  	[smem:$0x3FB6] =	sst s8  }
0x11: {  	[smem:$0x3FB7] =	sst s9;
	s0 =	simm.s32 @!p0 $0x0  }
0x12: {  	s1 =	sld [smem:$0x3F9D];
	s0 =	simm.s32 @p0 $0x1  }
0x13: {  	[smem:$0x3FB8] =	sst s0;
	s0 =	simm.s32 @!p1 $0x0  }
0x14: {  	s2 =	sld [smem:$0x3F9C];
	s0 =	simm.s32 @p1 $0x1  }
0x15: {  	[smem:$0x3FB9] =	sst s0;
	s0 =	simm.s32 @!p2 $0x0  }
0x16: {  	s3 =	sld [smem:$0x3FDB];
	s0 =	simm.s32 @p2 $0x1  }
0x17: {  	s4 =	simm.s32 $0x1BF5;
	[smem:$0x3FBB] =	sst s0  }
0x18: {  	s0 =	sld [smem:$0x3F9E];
	_ =	swait.ge [sflag:s4], $0x0  }
0x19: {  	s7 =	sld [smem:$0x3F9F]  }
0x1a: {  	s8 =	sadd.s32 $0xFFFFE003, lr  }
0x1b: {  	s9 =	sadd.s32 $0xFFFFFEF7, lr;
	s5 =	simm.s32 $0xFFFFFFFF;
	p2 =	slt.u32 s8, $0xFFFFF086  }
0x1c: {  	p1 =	slt.u32 s9, $0xF7A;
	s5 =	simm.s32 @!p2 $0x0  }
0x1d: {  	s5 =	simm.s32 @p1 $0x1;
	p0 =	seq.s32 s7, s2  }
0x1e: {  	s7 =	smul.u32 @!p0 $0xF7A, s2;
	p2 =	seq.s32 @!p0 s5, $0x0  }
0x1f: {  	s9 =	smul.u32 $0xF7A, s1;
	s8 =	simm.s32 @!p0 $0x1BF5;
	p2 =	por !p2, p0  }
0x20: {  	[sflag:s8] =	ssyncset.s32 @!p0 $0xFFFFF086;
	s6 =	sadd.s32 @!p0 s3, s7;
	s7 =	simm.s32 @!p0 $0x108  }
0x21: {  	s3 =	sadd.s32 s3, s9;
	s6 =	sadd.s32 @!p0 $0x88, s6;
	s7 =	simm.s32 @p2 $0x1082  }
0x22: {  	[simem:s7], [sflag:s8] =	dma.local @!p0 [hbm:s6], $0xF7A  }
0x23: {  	s9 =	sor.u32 $0xD0000000, s2;
	s6 =	simm.s32 $0x108;
	_ =	swait.ge @!p0 [sflag:s8], $0x0  }
0x24: {  	s3 =	sadd.s32 $0x88, s3;
	s6 =	simm.s32 @!p1 $0x1082;
	[sflag:s4] =	ssyncset.s32 $0xFFFFF086  }
0x25: {  	[simem:s6], [sflag:s4] =	dma.local [hbm:s3], $0xF7A  }
0x26: {  	[smem:$0x3F9F] =	sst s1;
	(tag) =	ssettag s2;
	_ =	strace s9  }
0x27: {  	s1 =	sld [smem:$0x3FAF]  }
0x28: {  	s2 =	sld [smem:$0x3FB0]  }
0x29: {  	s4 =	sld [smem:$0x3FB2]  }
0x2a: {  	p0 =	seq.s32 s5, $0x0;
	s5 =	sld [smem:$0x3FB3]  }
0x2b: {  	s6 =	sld [smem:$0x3FB4]  }
0x2c: {  	s7 =	sld [smem:$0x3FB5]  }
0x2d: {  	s3 =	simm.s32 $0x108;
	s8 =	sld [smem:$0x3FB6]  }
0x2e: {  	s3 =	simm.s32 @!p0 $0x1082;
	s9 =	sld [smem:$0x3FB7]  }
0x2f: {  	lr =	sadd.s32 s0, s3;
	s0 =	sld [smem:$0x3FAE]  }
0x30: {  	s3 =	sld [smem:$0x3FB1]  }
0x31: {  	[smem:$0x3FBA] =	sst s10  }
0x32: {  	s10 =	sld [smem:$0x3FB8];
	_ =	sdelay $0x3  }
0x33: {  	p0 =	seq.s32 s10, $0x1;
	s10 =	sld [smem:$0x3FBA];
	_ =	sdelay $0x3  }
0x34: {  	[smem:$0x3FBA] =	sst s10  }
0x35: {  	s10 =	sld [smem:$0x3FB9];
	_ =	sdelay $0x3  }
0x36: {  	p1 =	seq.s32 s10, $0x1;
	s10 =	sld [smem:$0x3FBA];
	_ =	sdelay $0x3  }
0x37: {  	[smem:$0x3FBA] =	sst s10  }
0x38: {  	s10 =	sld [smem:$0x3FBB]  }
0x39: {  	_ = 	snop;
	(pc) =	sbr.ind lr, $3  }
0x3a: {  	_ = 	snop  }
0x3b: {  	_ = 	snop  }
0x3c: {  	p2 =	seq.s32 s10, $0x1;
	s10 =	sld [smem:$0x3FBA]  }
0x3d: {  	_ =	shalt  }
0x3e: {  	_ =	shalt  }
0x3f: {  	_ =	shalt  }
0x40: {  	_ =	shalt  }
0x41: {  	_ =	shalt  }
0x42: {  	_ =	shalt  }
0x43: {  	_ =	shalt  }
0x44: {  	_ =	shalt  }
0x45: {  	_ =	shalt  }
0x46: {  	_ =	shalt  }
0x47: {  	_ =	shalt  }
0x48: {  	_ =	shalt  }
0x49: {  	_ =	shalt  }
0x4a: {  	_ =	shalt  }
0x4b: {  	_ =	shalt  }
0x4c: {  	_ =	shalt  }
0x4d: {  	_ =	shalt  }
0x4e: {  	_ =	shalt  }
0x4f: {  	_ =	shalt  }
0x50: {  	_ =	shalt  }
0x51: {  	_ =	shalt  }
0x52: {  	_ =	shalt  }
0x53: {  	_ =	shalt  }
0x54: {  	_ =	shalt  }
0x55: {  	_ =	shalt  }
0x56: {  	_ =	shalt  }
0x57: {  	_ =	shalt  }
0x58: {  	_ =	shalt  }
0x59: {  	_ =	shalt  }
0x5a: {  	_ =	shalt  }
0x5b: {  	_ =	shalt  }
0x5c: {  	_ =	shalt  }
0x5d: {  	_ =	shalt  }
0x5e: {  	_ =	shalt  }
0x5f: {  	_ =	shalt  }
0x60: {  	_ =	shalt  }
0x61: {  	_ =	shalt  }
0x62: {  	_ =	shalt  }
0x63: {  	_ =	shalt  }
0x64: {  	_ =	shalt  }
0x65: {  	_ =	shalt  }
0x66: {  	_ =	shalt  }
0x67: {  	_ =	shalt  }
0x68: {  	_ =	shalt  }
0x69: {  	_ =	shalt  }
0x6a: {  	_ =	shalt  }
0x6b: {  	_ =	shalt  }
0x6c: {  	_ =	shalt  }
0x6d: {  	_ =	shalt  }
0x6e: {  	_ =	shalt  }
0x6f: {  	_ =	shalt  }
0x70: {  	_ =	shalt  }
0x71: {  	_ =	shalt  }
0x72: {  	_ =	shalt  }
0x73: {  	_ =	shalt  }
0x74: {  	_ =	shalt  }
0x75: {  	_ =	shalt  }
0x76: {  	_ =	shalt  }
0x77: {  	_ =	shalt  }
0x78: {  	_ =	shalt  }
0x79: {  	_ =	shalt  }
0x7a: {  	_ =	shalt  }
0x7b: {  	_ =	shalt  }
0x7c: {  	_ =	shalt  }
0x7d: {  	_ =	shalt  }
0x7e: {  	_ =	shalt  }
0x7f: {  	_ =	shalt  }
0x80: {  	_ =	shalt  }
0x81: {  	_ =	shalt  }
0x82: {  	_ =	shalt  }
0x83: {  	_ =	shalt  }
0x84: {  	_ =	shalt  }
0x85: {  	_ =	shalt  }
0x86: {  	_ =	shalt  }
0x87: {  	_ =	shalt  }
.Lfunc_end0:
.L_simem_size_0:
called_computation_lowered:
.L_overlay_start_0:
0x88: {  	s2 =	sld [smem:$0x3FD9]  }
0x89: {  	s3 =	sld [smem:$0x3FFE];
	_ =	sdelay $0x1  }
0x8a: {  	s1 =	srdreg.scid  }
0x8b: {  	s0 =	sand.u32 $0x1, s1  }
0x8c: {  	s17 =	sshll.u32 s0, $0xA;
	s2 =	sadd.s32 s3, s2  }
0x8d: {  	s2 =	sadd.s32 s2, s17  }
0x8e: {  	[smem:$0x3FC6] =	sst s2  }
0x8f: {  	_ = 	snop  }
0x90: {  	s2 =	sld [smem:$0x3FD0];
	(tm) =	ssettm $0x1  }
0x91: {  	s18 =	sld [smem:$0x3FFB];
	_ =	sdelay $0x3  }
0x92: {  	_ =	strace s18  }
0x93: {  	s3 =	sld [smem:$0x3FFC];
	_ =	sdelay $0x3  }
0x94: {  	_ =	strace s3  }
0x95: {  	s3 =	sld [smem:$0x3FFD];
	_ =	sdelay $0x3  }
0x96: {  	_ =	strace s3  }
0x97: {  	_ =	strace $0x8FFFFFFF  }
0x98: {  	s19 =	sld [smem:$0x3FDB];
	_ =	sdelay $0x1  }
0x99: {  	s4 =	simm.s32 $_scs_section_size  }
0x9a: {  	s5 =	simm.s32 $_size__tile_overlayer_lowered;
	s6 =	simm.s32 $_tile_overlayer_lowered  }
0x9b: {  	s22 =	simm.s32 $0x1BFF;
	s21 =	sshll.u32 s6, $0x1;
	s3 =	sadd.s32 s4, s19  }
0x9c: {  	s7 =	simm.s32 $0x0;
	s20 =	sshll.u32 s5, $0x1;
	s5 =	sadd.s32 s21, s3  }
0x9d: {  	[timem:s7], [sflag:s22] =	dma.local [hbm:s5], s20  }
0x9e: {  	_ =	swait.ge [sflag:s22], s20  }
0x9f: {  	s4 =	ssub.s32 $0x0, s20;
	[sflag:s22] =	ssyncset.done $0x0  }
0xa0: {  	[sflag:s22] =	ssyncadd.s32 s4;
	_ =	sdelay $0x1  }
0xa1: {  	s23 =	simm.s32 $0x1B8B  }
0xa2: {  	_ =	swait.ge [sflag:s23], $0x1  }
0xa3: {  	[sflag:s23] =	ssyncset.done $0x0  }
0xa4: {  	s25 =	simm.s32 $0x1B8E;
	s24 =	sld [smem:$0x3FFE];
	[sflag:s23] =	ssyncadd.s32 $0xFFFFFFFF  }
0xa5: {  	s26 =	simm.s32 $execute0_lowered;
	[smem:$0x3FD2] =	sst s25  }
0xa6: {  	s5 =	sshll.u32 s26, $0x1;
	_ =	strace $0x80000046;
	[dreg:$0x1] =	wrdreg $0xFFFFFFFF  }
0xa7: {  	s28 =	simm.s32 $_size_execute0_lowered;
	s3 =	sadd.s32 s3, s5;
	[dreg:$0x0] =	wrdreg $0x0  }
0xa8: {  	s5 =	sshll.u32 s28, $0x1;
	[dreg:$0x2] =	wrdreg s3  }
0xa9: {  	[dreg:$0x3] =	wrdreg s5  }
0xaa: {  	[dreg:$0x4] =	wrdreg $0xC0  }
0xab: {  	_ =	task [dreg:s7], $0x5FFFF  }
0xac: {  	[dreg:$0x1] =	wrdreg $0xFFFFFFFF  }
0xad: {  	[dreg:$0x0] =	wrdreg $0x60  }
0xae: {  	[dreg:$0x2] =	wrdreg s24  }
0xaf: {  	[dreg:$0x3] =	wrdreg s2  }
0xb0: {  	[dreg:$0x4] =	wrdreg $0x9  }
0xb1: {  	_ =	task.clear_ibuf [dreg:s7], $0x5FFFF;
	_ =	strace $0x90000046  }
0xb2: {  	s29 =	simm.s32 $0x9;
	_ =	strace $0x80000048  }
0xb3: {  	_ =	swait.ge [sflag:s29], $0x1  }
0xb4: {  	[sflag:s29] =	ssyncadd.s32 $0xFFFFFFFF  }
0xb5: {  	_ =	strace $0x90000048  }
0xb6: {  	_ =	sfence  }
0xb7: {  	s30 =	sld [smem:$0x0];
	_ =	sdelay $0x2  }
0xb8: {  	s31 =	sshll.u32 s1, $0xD;
	s1 =	sshrl.u32 s1, $0x2  }
0xb9: {  	s3 =	sand.u32 $0x4000, s31;
	s1 =	sadd.s32 s1, s30  }
0xba: {  	s0 =	sor.u32 s3, s0;
	s1 =	sshll.u32 s1, $0x11  }
0xbb: {  	s0 =	sor.u32 s1, s0  }
0xbc: {  	s0 =	sadd.s32 $0x8F2B, s0  }
0xbd: {  	[sflag:s0] =	ssyncadd.remote.s32 $0x1  }
0xbe: {  	_ =	sfence.sel $0xFFFF  }
0xbf: {  	[dreg:$0x0] =	wrdreg $0xFFFFFFFF;
	(pc) =	sbr.abs _section_cstart, $3  }
0xc0: {  	[dreg:$0x1] =	wrdreg $0xFFFFFFFF  }
0xc1: {  	_ =	task.clear_ibuf [dreg:s7], $0x2FFFF;
	_ =	strace $0x9FFFFFFF  }
0xc2: {  	(tm) =	ssettm $0x7FFFFFFF  }
0xc3: {  	_ =	shalt  }
tec
execute0_lowered:
.L_overlay_start_1:
0x0: {  	(tag) =	ssettag $0x1  }
0x1: {  	s0 =	srdreg.scid;
	s1 =	stileid.u32  }
0x2: {  	s7 =	sand.u32 $0x1, s0;
	s10 =	sshll.u32 s1, $0x1  }
0x3: {  	s0 =	sor.u32 s7, s10  }
0x4: {  	s6 =	smul.u32 $0x3, s0  }
0x5: {  	s9 =	rddreg [dreg:$0x0];
	p0 =	por $0x0, $0x0  }
0x6: {  	s28 =	simm.s32 $0x1800;
	s0 =	sshrl.u32 s6, $0x2;
	s11 =	sshrl.u32 s6, $0x1  }
0x7: {  	s4 =	sand.u32 $0x1, s6;
	s1 =	sand.u32 $0x1, s11;
	s5 =	smul.u32 $0x23400, s0  }
0x8: {  	s29 =	simm.s32 $0xC00;
	s2 =	ssub.s32 s4, s1;
	s1 =	smul.u32 $0x120, s1  }
0x9: {  	s7 =	ssub.s32 $0x2, s7;
	s20 =	sadd.s32 $0x1, s6;
	s3 =	smul.u32 $0x9000, s4  }
0xa: {  	s11 =	sshrl.u32 s20, $0x1;
	s8 =	smul.u32 $0x9000, s2;
	s0 =	sor.u32 s0, s1  }
0xb: {  	s10 =	sshrl.u32 s20, $0x2;
	s11 =	sand.u32 $0x1, s11;
	s0 =	smul.u32 $0x12000, s0  }
0xc: {  	s2 =	simm.s32 $0x0;
	s1 =	rddreg [dreg:$0x1];
	s5 =	sadd.s32 s8, s5  }
0xd: {  	[smem:$0x7FF] =	sst s2;
	s8 =	sadd.s32 $0x9000, s5;
	s0 =	sadd.s32 s3, s0  }
0xe: {  	s5 =	sadd.s32 $0xA00, s9;
	s8 =	sshrl.u32 s8, $0x3;
	s12 =	sshrl.u32 s0, $0x3  }
0xf: {  	_ =	strace $0x80000047;
	s8 =	sadd.s32 s5, s8;
	s30 =	sadd.s32 s1, s12  }
0x10: {  	s15 =	sadd.s32 $0x6C0000, s0;
	[dreg:$0x3] =	wrdreg s8;
	s13 =	sadd.s32 $0x36000, s30  }
0x11: {  	s0 =	sadd.s32 $0xD80000, s0;
	s14 =	sadd.s32 $0x6C000, s30;
	[dreg:$0x4] =	wrdreg s13  }
0x12: {  	s9 =	sshrl.u32 s15, $0x3;
	s16 =	sadd.s32 $0xA2000, s30;
	[dreg:$0x5] =	wrdreg s14  }
0x13: {  	s12 =	smul.u32 $0x23400, s10;
	s17 =	sadd.s32 s1, s9;
	[dreg:$0x6] =	wrdreg s16  }
0x14: {  	s8 =	sand.u32 $0x1, s20;
	s18 =	sadd.s32 $0x10E000, s30;
	[dreg:$0x7] =	wrdreg s17  }
0x15: {  	s0 =	sshrl.u32 s0, $0x3;
	s19 =	sadd.s32 $0x144000, s30;
	[dreg:$0x8] =	wrdreg s18  }
0x16: {  	s21 =	sadd.s32 $0x17A000, s30;
	s0 =	sadd.s32 s1, s0;
	[dreg:$0x9] =	wrdreg s19  }
0x17: {  	s23 =	sadd.s32 $0x1E6000, s30;
	s24 =	sadd.s32 $0x21C000, s30;
	[dreg:$0xa] =	wrdreg s21  }
0x18: {  	s13 =	ssub.s32 s8, s11;
	s11 =	smul.u32 $0x120, s11;
	[dreg:$0xb] =	wrdreg s0  }
0x19: {  	s26 =	sadd.s32 $0x252000, s30;
	s8 =	smul.u32 $0x9000, s8;
	[dreg:$0xc] =	wrdreg s23  }
0x1a: {  	[dreg:$0xd] =	wrdreg s24;
	s22 =	smul.u32 $0x9000, s13;
	s10 =	sadd.s32 s10, s11  }
0x1b: {  	s6 =	sadd.s32 $0x2, s6;
	[dreg:$0xe] =	wrdreg s26;
	s10 =	smul.u32 $0x12000, s10  }
0x1c: {  	s16 =	sshrl.u32 s6, $0x1;
	s17 =	sshrl.u32 s7, $0x1;
	s9 =	sadd.s32 s22, s12  }
0x1d: {  	s6 =	sshrl.u32 s6, $0x2;
	s25 =	sadd.s32 $0x9000, s9;
	s8 =	sadd.s32 s8, s10  }
0x1e: {  	s18 =	sand.u32 $0x1, s16;
	s0 =	sshrl.u32 s25, $0x3;
	s8 =	sshrl.u32 s8, $0x3  }
0x1f: {  	s21 =	smul.u32 $0x23400, s6;
	s0 =	sadd.s32 s5, s0;
	s31 =	sadd.s32 s1, s8  }
0x20: {  	s17 =	ssub.s32 s7, s17;
	[dreg:$0xf] =	wrdreg s0;
	s10 =	sadd.s32 $0x36000, s31  }
0x21: {  	s20 =	smul.u32 $0x120, s18;
	s11 =	sadd.s32 $0x6C000, s31;
	[dreg:$0x10] =	wrdreg s10  }
0x22: {  	s26 =	smax.u32 s17, $0x1;
	s12 =	sadd.s32 $0xA2000, s31;
	[dreg:$0x11] =	wrdreg s11  }
0x23: {  	s17 =	simm.s32 $0x2;
	s13 =	sadd.s32 $0xD8000, s31;
	[dreg:$0x12] =	wrdreg s12  }
0x24: {  	p1 =	sne.s32 s26, $0x1;
	s14 =	sadd.s32 $0x10E000, s31;
	[dreg:$0x13] =	wrdreg s13  }
0x25: {  	s6 =	sadd.s32 s6, s20;
	s15 =	sadd.s32 $0x144000, s31;
	[dreg:$0x14] =	wrdreg s14  }
0x26: {  	s20 =	simm.s32 $0x6C00;
	s19 =	sadd.s32 $0x17A000, s31;
	[dreg:$0x15] =	wrdreg s15  }
0x27: {  	s6 =	smul.u32 $0x12000, s6;
	s22 =	sadd.s32 $0x1B0000, s31;
	[dreg:$0x16] =	wrdreg s19  }
0x28: {  	s0 =	ssub.s32 s4, s18;
	s23 =	sadd.s32 $0x1E6000, s31;
	[dreg:$0x17] =	wrdreg s22  }
0x29: {  	s3 =	sadd.s32 s3, s6;
	s24 =	sadd.s32 $0x21C000, s31;
	[dreg:$0x18] =	wrdreg s23  }
0x2a: {  	s18 =	simm.s32 $0x8400;
	s25 =	sadd.s32 $0x252000, s31;
	[dreg:$0x19] =	wrdreg s24  }
0x2b: {  	s0 =	smul.u32 $0x9000, s0;
	s3 =	sshrl.u32 s3, $0x3;
	[dreg:$0x1a] =	wrdreg s25  }
0x2c: {  	s4 =	sadd.s32 s1, s3;
	s19 =	simm.s32 $0x7800;
	s22 =	simm.s32 $0x5400  }
0x2d: {  	s23 =	simm.s32 $0x4800;
	s1 =	sadd.s32 $0xFFFFFFFF, s26;
	s24 =	simm.s32 $0x3C00  }
0x2e: {  	s25 =	simm.s32 $0x3000;
	s26 =	simm.s32 $0x2400;
	s3 =	simm.s32 $0x1  }
0x2f: {  	s0 =	sadd.s32 s0, s21;
	s6 =	sadd.s32 $0x6C000, s4;
	s7 =	sadd.s32 $0xA2000, s4  }
.Ltmp0:
0x30: {  	s8 =	sadd.s32 $0xD8000, s4;
	s9 =	sadd.s32 $0x10E000, s4;
	(pc) =	sbr.rel @!p1 .LBB2_3-.Ltmp0, $4  }
0x31: {  	s10 =	sadd.s32 $0x144000, s4;
	s11 =	sadd.s32 $0x17A000, s4;
	s12 =	sadd.s32 $0x1B0000, s4  }
0x32: {  	s13 =	sadd.s32 $0x1E6000, s4;
	s14 =	sadd.s32 $0x21C000, s4;
	s0 =	sadd.s32 $0x9000, s0  }
0x33: {  	s15 =	sadd.s32 $0x252000, s4;
	s21 =	simm.s32 $0x6000;
	s0 =	sshrl.u32 s0, $0x3  }
0x34: {  	s16 =	sadd.s32 s5, s0;
	s5 =	sadd.s32 $0x36000, s4;
	s0 =	rddreg [dreg:$0x3]  }
0x35: {  	[tilespmem:s2], [sflag:$0x2] =	stream.linear.gather [hbm4b:s0+s2], $0x11400, $0x38;
	[tilespmem:$0x11400] =	vst v63  }
0x36: {  	_ =	swait.ge [sflag:s17], $0x11400  }
0x37: {  	[sflag:s17] =	ssyncset.done $0x0  }
0x38: {  	[dreg:$0x1b] =	wrdreg s1;
	[sflag:s17] =	ssyncadd.s32 $0xFFFEEC00  }
0x39: {  	[hbm4b:s30+s2] =	stream.linear.scatter [tilespmem:s18], [sflag:$0x1], $0x9000, $0x38;
	[tilespmem:$0x11400] =	vst v63  }
0x3a: {  	s0 =	rddreg [dreg:$0x4]  }
0x3b: {  	[hbm4b:s0+s2] =	stream.linear.scatter [tilespmem:s19], [sflag:$0x1], $0x9000, $0x38;
	[tilespmem:$0x11400] =	vst v63  }
0x3c: {  	s1 =	rddreg [dreg:$0x5]  }
0x3d: {  	[hbm4b:s1+s2] =	stream.linear.scatter [tilespmem:s20], [sflag:$0x1], $0x9000, $0x38;
	[tilespmem:$0x11400] =	vst v63  }
0x3e: {  	s0 =	rddreg [dreg:$0x6]  }
0x3f: {  	[hbm4b:s0+s2] =	stream.linear.scatter [tilespmem:s21], [sflag:$0x1], $0x9000, $0x38;
	[tilespmem:$0x11400] =	vst v63  }
0x40: {  	s1 =	rddreg [dreg:$0x7]  }
0x41: {  	[hbm4b:s1+s2] =	stream.linear.scatter [tilespmem:s22], [sflag:$0x1], $0x9000, $0x38;
	[tilespmem:$0x11400] =	vst v63  }
0x42: {  	s0 =	rddreg [dreg:$0x8]  }
0x43: {  	[hbm4b:s0+s2] =	stream.linear.scatter [tilespmem:s23], [sflag:$0x1], $0x9000, $0x38;
	[tilespmem:$0x11400] =	vst v63  }
0x44: {  	s1 =	rddreg [dreg:$0x9]  }
0x45: {  	[hbm4b:s1+s2] =	stream.linear.scatter [tilespmem:s24], [sflag:$0x1], $0x9000, $0x38;
	[tilespmem:$0x11400] =	vst v63  }
0x46: {  	s0 =	rddreg [dreg:$0xa]  }
0x47: {  	[hbm4b:s0+s2] =	stream.linear.scatter [tilespmem:s25], [sflag:$0x1], $0x9000, $0x38;
	[tilespmem:$0x11400] =	vst v63  }
0x48: {  	s1 =	rddreg [dreg:$0xb]  }
0x49: {  	[hbm4b:s1+s2] =	stream.linear.scatter [tilespmem:s26], [sflag:$0x1], $0x9000, $0x38;
	[tilespmem:$0x11400] =	vst v63  }
0x4a: {  	s0 =	rddreg [dreg:$0xc]  }
0x4b: {  	[hbm4b:s0+s2] =	stream.linear.scatter [tilespmem:s28], [sflag:$0x1], $0x9000, $0x38;
	[tilespmem:$0x11400] =	vst v63  }
0x4c: {  	s1 =	rddreg [dreg:$0xd]  }
0x4d: {  	[hbm4b:s1+s2] =	stream.linear.scatter [tilespmem:s29], [sflag:$0x1], $0x9000, $0x38;
	[tilespmem:$0x11400] =	vst v63  }
0x4e: {  	s0 =	rddreg [dreg:$0xe]  }
0x4f: {  	[hbm4b:s0+s2] =	stream.linear.scatter [tilespmem:s2], [sflag:$0x1], $0x9000, $0x38;
	[tilespmem:$0x11400] =	vst v63  }
0x50: {  	_ =	swait.ge [sflag:s3], $0x9000  }
0x51: {  	[sflag:s3] =	ssyncset.done $0x0  }
0x52: {  	[sflag:s3] =	ssyncadd.s32 $0xFFFF7000  }
0x53: {  	_ =	swait.ge [sflag:s3], $0x9000  }
0x54: {  	[sflag:s3] =	ssyncset.done $0x0  }
0x55: {  	[sflag:s3] =	ssyncadd.s32 $0xFFFF7000  }
0x56: {  	_ =	swait.ge [sflag:s3], $0x9000  }
0x57: {  	[sflag:s3] =	ssyncset.done $0x0  }
0x58: {  	[sflag:s3] =	ssyncadd.s32 $0xFFFF7000  }
0x59: {  	_ =	swait.ge [sflag:s3], $0x9000  }
0x5a: {  	[sflag:s3] =	ssyncset.done $0x0  }
0x5b: {  	[sflag:s3] =	ssyncadd.s32 $0xFFFF7000  }
0x5c: {  	_ =	swait.ge [sflag:s3], $0x9000  }
0x5d: {  	[sflag:s3] =	ssyncset.done $0x0  }
0x5e: {  	[sflag:s3] =	ssyncadd.s32 $0xFFFF7000  }
0x5f: {  	_ =	swait.ge [sflag:s3], $0x9000  }
0x60: {  	[sflag:s3] =	ssyncset.done $0x0  }
0x61: {  	[sflag:s3] =	ssyncadd.s32 $0xFFFF7000  }
0x62: {  	_ =	swait.ge [sflag:s3], $0x9000  }
0x63: {  	[sflag:s3] =	ssyncset.done $0x0  }
0x64: {  	[sflag:s3] =	ssyncadd.s32 $0xFFFF7000  }
0x65: {  	_ =	swait.ge [sflag:s3], $0x9000  }
0x66: {  	[sflag:s3] =	ssyncset.done $0x0  }
0x67: {  	[sflag:s3] =	ssyncadd.s32 $0xFFFF7000  }
0x68: {  	_ =	swait.ge [sflag:s3], $0x9000  }
0x69: {  	[sflag:s3] =	ssyncset.done $0x0  }
0x6a: {  	[sflag:s3] =	ssyncadd.s32 $0xFFFF7000  }
0x6b: {  	_ =	swait.ge [sflag:s3], $0x9000  }
0x6c: {  	[sflag:s3] =	ssyncset.done $0x0  }
0x6d: {  	[sflag:s3] =	ssyncadd.s32 $0xFFFF7000  }
0x6e: {  	_ =	swait.ge [sflag:s3], $0x9000  }
0x6f: {  	[sflag:s3] =	ssyncset.done $0x0  }
0x70: {  	[sflag:s3] =	ssyncadd.s32 $0xFFFF7000  }
0x71: {  	_ =	swait.ge [sflag:s3], $0x9000  }
0x72: {  	[sflag:s3] =	ssyncset.done $0x0  }
0x73: {  	s1 =	rddreg [dreg:$0xf];
	[sflag:s3] =	ssyncadd.s32 $0xFFFF7000  }
0x74: {  	[tilespmem:s2], [sflag:$0x2] =	stream.linear.gather [hbm4b:s1+s2], $0x11400, $0x38;
	[tilespmem:$0x11400] =	vst v63  }
0x75: {  	_ =	swait.ge [sflag:s17], $0x11400  }
0x76: {  	[sflag:s17] =	ssyncset.done $0x0  }
0x77: {  	[sflag:s17] =	ssyncadd.s32 $0xFFFEEC00  }
0x78: {  	[hbm4b:s31+s2] =	stream.linear.scatter [tilespmem:s18], [sflag:$0x1], $0x9000, $0x38;
	[tilespmem:$0x11400] =	vst v63  }
0x79: {  	s0 =	rddreg [dreg:$0x10]  }
0x7a: {  	[hbm4b:s0+s2] =	stream.linear.scatter [tilespmem:s19], [sflag:$0x1], $0x9000, $0x38;
	[tilespmem:$0x11400] =	vst v63  }
0x7b: {  	s1 =	rddreg [dreg:$0x11]  }
0x7c: {  	[hbm4b:s1+s2] =	stream.linear.scatter [tilespmem:s20], [sflag:$0x1], $0x9000, $0x38;
	[tilespmem:$0x11400] =	vst v63  }
0x7d: {  	s0 =	rddreg [dreg:$0x12]  }
0x7e: {  	[hbm4b:s0+s2] =	stream.linear.scatter [tilespmem:s21], [sflag:$0x1], $0x9000, $0x38;
	[tilespmem:$0x11400] =	vst v63  }
0x7f: {  	s1 =	rddreg [dreg:$0x13]  }
0x80: {  	[hbm4b:s1+s2] =	stream.linear.scatter [tilespmem:s22], [sflag:$0x1], $0x9000, $0x38;
	[tilespmem:$0x11400] =	vst v63  }
0x81: {  	s0 =	rddreg [dreg:$0x14]  }
0x82: {  	[hbm4b:s0+s2] =	stream.linear.scatter [tilespmem:s23], [sflag:$0x1], $0x9000, $0x38;
	[tilespmem:$0x11400] =	vst v63  }
0x83: {  	s1 =	rddreg [dreg:$0x15]  }
0x84: {  	[hbm4b:s1+s2] =	stream.linear.scatter [tilespmem:s24], [sflag:$0x1], $0x9000, $0x38;
	[tilespmem:$0x11400] =	vst v63  }
0x85: {  	s0 =	rddreg [dreg:$0x16]  }
0x86: {  	[hbm4b:s0+s2] =	stream.linear.scatter [tilespmem:s25], [sflag:$0x1], $0x9000, $0x38;
	[tilespmem:$0x11400] =	vst v63  }
0x87: {  	s1 =	rddreg [dreg:$0x17]  }
0x88: {  	[hbm4b:s1+s2] =	stream.linear.scatter [tilespmem:s26], [sflag:$0x1], $0x9000, $0x38;
	[tilespmem:$0x11400] =	vst v63  }
0x89: {  	s0 =	rddreg [dreg:$0x18]  }
0x8a: {  	[hbm4b:s0+s2] =	stream.linear.scatter [tilespmem:s28], [sflag:$0x1], $0x9000, $0x38;
	[tilespmem:$0x11400] =	vst v63  }
0x8b: {  	s1 =	rddreg [dreg:$0x19]  }
0x8c: {  	[hbm4b:s1+s2] =	stream.linear.scatter [tilespmem:s29], [sflag:$0x1], $0x9000, $0x38;
	[tilespmem:$0x11400] =	vst v63  }
0x8d: {  	s0 =	rddreg [dreg:$0x1a]  }
0x8e: {  	[hbm4b:s0+s2] =	stream.linear.scatter [tilespmem:s2], [sflag:$0x1], $0x9000, $0x38;
	[tilespmem:$0x11400] =	vst v63  }
0x8f: {  	_ =	swait.ge [sflag:s3], $0x9000  }
0x90: {  	[sflag:s3] =	ssyncset.done $0x0  }
0x91: {  	[sflag:s3] =	ssyncadd.s32 $0xFFFF7000  }
0x92: {  	_ =	swait.ge [sflag:s3], $0x9000  }
0x93: {  	[sflag:s3] =	ssyncset.done $0x0  }
0x94: {  	[sflag:s3] =	ssyncadd.s32 $0xFFFF7000  }
0x95: {  	_ =	swait.ge [sflag:s3], $0x9000  }
0x96: {  	[sflag:s3] =	ssyncset.done $0x0  }
0x97: {  	[sflag:s3] =	ssyncadd.s32 $0xFFFF7000  }
0x98: {  	_ =	swait.ge [sflag:s3], $0x9000  }
0x99: {  	[sflag:s3] =	ssyncset.done $0x0  }
0x9a: {  	[sflag:s3] =	ssyncadd.s32 $0xFFFF7000  }
0x9b: {  	_ =	swait.ge [sflag:s3], $0x9000  }
0x9c: {  	[sflag:s3] =	ssyncset.done $0x0  }
0x9d: {  	[sflag:s3] =	ssyncadd.s32 $0xFFFF7000  }
0x9e: {  	_ =	swait.ge [sflag:s3], $0x9000  }
0x9f: {  	[sflag:s3] =	ssyncset.done $0x0  }
0xa0: {  	[sflag:s3] =	ssyncadd.s32 $0xFFFF7000  }
0xa1: {  	_ =	swait.ge [sflag:s3], $0x9000  }
0xa2: {  	[sflag:s3] =	ssyncset.done $0x0  }
0xa3: {  	[sflag:s3] =	ssyncadd.s32 $0xFFFF7000  }
0xa4: {  	_ =	swait.ge [sflag:s3], $0x9000  }
0xa5: {  	[sflag:s3] =	ssyncset.done $0x0  }
0xa6: {  	[sflag:s3] =	ssyncadd.s32 $0xFFFF7000  }
0xa7: {  	_ =	swait.ge [sflag:s3], $0x9000  }
0xa8: {  	[sflag:s3] =	ssyncset.done $0x0  }
0xa9: {  	[sflag:s3] =	ssyncadd.s32 $0xFFFF7000  }
0xaa: {  	_ =	swait.ge [sflag:s3], $0x9000  }
0xab: {  	[sflag:s3] =	ssyncset.done $0x0  }
0xac: {  	[sflag:s3] =	ssyncadd.s32 $0xFFFF7000  }
0xad: {  	_ =	swait.ge [sflag:s3], $0x9000  }
0xae: {  	[sflag:s3] =	ssyncset.done $0x0  }
0xaf: {  	[sflag:s3] =	ssyncadd.s32 $0xFFFF7000  }
0xb0: {  	_ =	swait.ge [sflag:s3], $0x9000  }
0xb1: {  	[sflag:s3] =	ssyncset.done $0x0  }
0xb2: {  	[sflag:s3] =	ssyncadd.s32 $0xFFFF7000  }
0xb3: {  	[tilespmem:s2], [sflag:$0x2] =	stream.linear.gather [hbm4b:s16+s2], $0x11400, $0x38;
	[tilespmem:$0x11400] =	vst v63  }
0xb4: {  	_ =	swait.ge [sflag:s17], $0x11400  }
0xb5: {  	[sflag:s17] =	ssyncset.done $0x0  }
0xb6: {  	[sflag:s17] =	ssyncadd.s32 $0xFFFEEC00  }
0xb7: {  	[hbm4b:s4+s2] =	stream.linear.scatter [tilespmem:s18], [sflag:$0x1], $0x9000, $0x38;
	[tilespmem:$0x11400] =	vst v63  }
0xb8: {  	_ = 	snop  }
0xb9: {  	[hbm4b:s5+s2] =	stream.linear.scatter [tilespmem:s19], [sflag:$0x1], $0x9000, $0x38;
	[tilespmem:$0x11400] =	vst v63  }
0xba: {  	_ = 	snop  }
0xbb: {  	[hbm4b:s6+s2] =	stream.linear.scatter [tilespmem:s20], [sflag:$0x1], $0x9000, $0x38;
	[tilespmem:$0x11400] =	vst v63  }
0xbc: {  	_ = 	snop  }
0xbd: {  	[hbm4b:s7+s2] =	stream.linear.scatter [tilespmem:s21], [sflag:$0x1], $0x9000, $0x38;
	[tilespmem:$0x11400] =	vst v63  }
0xbe: {  	_ = 	snop  }
0xbf: {  	[hbm4b:s8+s2] =	stream.linear.scatter [tilespmem:s22], [sflag:$0x1], $0x9000, $0x38;
	[tilespmem:$0x11400] =	vst v63  }
0xc0: {  	_ = 	snop  }
0xc1: {  	[hbm4b:s9+s2] =	stream.linear.scatter [tilespmem:s23], [sflag:$0x1], $0x9000, $0x38;
	[tilespmem:$0x11400] =	vst v63  }
0xc2: {  	_ = 	snop  }
0xc3: {  	[hbm4b:s10+s2] =	stream.linear.scatter [tilespmem:s24], [sflag:$0x1], $0x9000, $0x38;
	[tilespmem:$0x11400] =	vst v63  }
0xc4: {  	_ = 	snop  }
0xc5: {  	[hbm4b:s11+s2] =	stream.linear.scatter [tilespmem:s25], [sflag:$0x1], $0x9000, $0x38;
	[tilespmem:$0x11400] =	vst v63  }
0xc6: {  	_ = 	snop  }
0xc7: {  	[hbm4b:s12+s2] =	stream.linear.scatter [tilespmem:s26], [sflag:$0x1], $0x9000, $0x38;
	[tilespmem:$0x11400] =	vst v63  }
0xc8: {  	_ = 	snop  }
0xc9: {  	[hbm4b:s13+s2] =	stream.linear.scatter [tilespmem:s28], [sflag:$0x1], $0x9000, $0x38;
	[tilespmem:$0x11400] =	vst v63  }
0xca: {  	_ = 	snop  }
0xcb: {  	[hbm4b:s14+s2] =	stream.linear.scatter [tilespmem:s29], [sflag:$0x1], $0x9000, $0x38;
	[tilespmem:$0x11400] =	vst v63  }
0xcc: {  	_ = 	snop  }
0xcd: {  	[hbm4b:s15+s2] =	stream.linear.scatter [tilespmem:s2], [sflag:$0x1], $0x9000, $0x38;
	[tilespmem:$0x11400] =	vst v63  }
0xce: {  	_ =	swait.ge [sflag:s3], $0x9000  }
0xcf: {  	[sflag:s3] =	ssyncset.done $0x0  }
0xd0: {  	[sflag:s3] =	ssyncadd.s32 $0xFFFF7000  }
0xd1: {  	_ =	swait.ge [sflag:s3], $0x9000  }
0xd2: {  	[sflag:s3] =	ssyncset.done $0x0  }
0xd3: {  	[sflag:s3] =	ssyncadd.s32 $0xFFFF7000  }
0xd4: {  	_ =	swait.ge [sflag:s3], $0x9000  }
0xd5: {  	[sflag:s3] =	ssyncset.done $0x0  }
0xd6: {  	[sflag:s3] =	ssyncadd.s32 $0xFFFF7000  }
0xd7: {  	_ =	swait.ge [sflag:s3], $0x9000  }
0xd8: {  	[sflag:s3] =	ssyncset.done $0x0  }
0xd9: {  	[sflag:s3] =	ssyncadd.s32 $0xFFFF7000  }
0xda: {  	_ =	swait.ge [sflag:s3], $0x9000  }
0xdb: {  	[sflag:s3] =	ssyncset.done $0x0  }
0xdc: {  	[sflag:s3] =	ssyncadd.s32 $0xFFFF7000  }
0xdd: {  	_ =	swait.ge [sflag:s3], $0x9000  }
0xde: {  	[sflag:s3] =	ssyncset.done $0x0  }
0xdf: {  	[sflag:s3] =	ssyncadd.s32 $0xFFFF7000  }
0xe0: {  	_ =	swait.ge [sflag:s3], $0x9000  }
0xe1: {  	[sflag:s3] =	ssyncset.done $0x0  }
0xe2: {  	[sflag:s3] =	ssyncadd.s32 $0xFFFF7000  }
0xe3: {  	_ =	swait.ge [sflag:s3], $0x9000  }
0xe4: {  	[sflag:s3] =	ssyncset.done $0x0  }
0xe5: {  	[sflag:s3] =	ssyncadd.s32 $0xFFFF7000  }
0xe6: {  	_ =	swait.ge [sflag:s3], $0x9000  }
0xe7: {  	[sflag:s3] =	ssyncset.done $0x0  }
0xe8: {  	[sflag:s3] =	ssyncadd.s32 $0xFFFF7000  }
0xe9: {  	_ =	swait.ge [sflag:s3], $0x9000  }
0xea: {  	[sflag:s3] =	ssyncset.done $0x0  }
0xeb: {  	[sflag:s3] =	ssyncadd.s32 $0xFFFF7000  }
0xec: {  	_ =	swait.ge [sflag:s3], $0x9000  }
0xed: {  	s1 =	rddreg [dreg:$0x1b]  }
0xee: {  	p1 =	sne.s32 s1, $0x1  }
.Ltmp1:
0xef: {  	_ = 	snop;
	(pc) =	sbr.rel @!p1 .LBB2_3-.Ltmp1, $4  }
0xf0: {  	[sflag:s3] =	ssyncset.done $0x0  }
0xf1: {  	[sflag:s3] =	ssyncadd.s32 $0xFFFF7000  }
0xf2: {  	p0 =	por $0x1, $0x1;
	_ =	swait.ge [sflag:s3], $0x9000  }
0xf3: {  	s1 =	sadd.s32 $0xFFFFFFFF, s1;
	s0 =	rddreg [dreg:$0x3];
	[sflag:s3] =	ssyncset.done $0x0  }
.LBB2_2:
0xf4: {  	[sflag:s3] =	ssyncadd.s32 $0xFFFF7000  }
0xf5: {  	[tilespmem:s2], [sflag:$0x2] =	stream.linear.gather [hbm4b:s0+s2], $0x11400, $0x38;
	[tilespmem:$0x11400] =	vst v63  }
0xf6: {  	_ =	swait.ge [sflag:s17], $0x11400  }
0xf7: {  	[sflag:s17] =	ssyncset.done $0x0  }
0xf8: {  	[sflag:s17] =	ssyncadd.s32 $0xFFFEEC00  }
0xf9: {  	[hbm4b:s30+s2] =	stream.linear.scatter [tilespmem:s18], [sflag:$0x1], $0x9000, $0x38;
	[tilespmem:$0x11400] =	vst v63  }
0xfa: {  	s20 =	simm.s32 $0x7800;
	s0 =	rddreg [dreg:$0x4];
	s18 =	smov.u32 s30  }
0xfb: {  	s30 =	smov.u32 s4;
	s4 =	smov.u32 s16;
	s16 =	smov.u32 s15  }
0xfc: {  	s15 =	smov.u32 s14;
	s14 =	smov.u32 s13;
	s13 =	smov.u32 s12  }
0xfd: {  	s12 =	smov.u32 s11;
	s11 =	smov.u32 s10;
	s10 =	smov.u32 s9  }
0xfe: {  	s9 =	smov.u32 s8;
	s8 =	smov.u32 s7;
	s7 =	smov.u32 s6  }
0xff: {  	[hbm4b:s0+s2] =	stream.linear.scatter [tilespmem:s20], [sflag:$0x1], $0x9000, $0x38;
	[tilespmem:$0x11400] =	vst v63  }
0x100: {  	s6 =	smov.u32 s5;
	s5 =	rddreg [dreg:$0x5];
	s20 =	simm.s32 $0x6C00  }
0x101: {  	[hbm4b:s5+s2] =	stream.linear.scatter [tilespmem:s20], [sflag:$0x1], $0x9000, $0x38;
	[tilespmem:$0x11400] =	vst v63  }
0x102: {  	s0 =	rddreg [dreg:$0x6]  }
0x103: {  	[hbm4b:s0+s2] =	stream.linear.scatter [tilespmem:s21], [sflag:$0x1], $0x9000, $0x38;
	[tilespmem:$0x11400] =	vst v63  }
0x104: {  	s5 =	rddreg [dreg:$0x7]  }
0x105: {  	[hbm4b:s5+s2] =	stream.linear.scatter [tilespmem:s22], [sflag:$0x1], $0x9000, $0x38;
	[tilespmem:$0x11400] =	vst v63  }
0x106: {  	s0 =	rddreg [dreg:$0x8]  }
0x107: {  	[hbm4b:s0+s2] =	stream.linear.scatter [tilespmem:s23], [sflag:$0x1], $0x9000, $0x38;
	[tilespmem:$0x11400] =	vst v63  }
0x108: {  	s5 =	rddreg [dreg:$0x9]  }
0x109: {  	[hbm4b:s5+s2] =	stream.linear.scatter [tilespmem:s24], [sflag:$0x1], $0x9000, $0x38;
	[tilespmem:$0x11400] =	vst v63  }
0x10a: {  	s0 =	rddreg [dreg:$0xa]  }
0x10b: {  	[hbm4b:s0+s2] =	stream.linear.scatter [tilespmem:s25], [sflag:$0x1], $0x9000, $0x38;
	[tilespmem:$0x11400] =	vst v63  }
0x10c: {  	s5 =	rddreg [dreg:$0xb]  }
0x10d: {  	[hbm4b:s5+s2] =	stream.linear.scatter [tilespmem:s26], [sflag:$0x1], $0x9000, $0x38;
	[tilespmem:$0x11400] =	vst v63  }
0x10e: {  	s0 =	rddreg [dreg:$0xc]  }
0x10f: {  	[hbm4b:s0+s2] =	stream.linear.scatter [tilespmem:s28], [sflag:$0x1], $0x9000, $0x38;
	[tilespmem:$0x11400] =	vst v63  }
0x110: {  	s5 =	rddreg [dreg:$0xd]  }
0x111: {  	[hbm4b:s5+s2] =	stream.linear.scatter [tilespmem:s29], [sflag:$0x1], $0x9000, $0x38;
	[tilespmem:$0x11400] =	vst v63  }
0x112: {  	s0 =	rddreg [dreg:$0xe]  }
0x113: {  	[hbm4b:s0+s2] =	stream.linear.scatter [tilespmem:s2], [sflag:$0x1], $0x9000, $0x38;
	[tilespmem:$0x11400] =	vst v63  }
0x114: {  	_ =	swait.ge [sflag:s3], $0x9000  }
0x115: {  	[sflag:s3] =	ssyncset.done $0x0  }
0x116: {  	[sflag:s3] =	ssyncadd.s32 $0xFFFF7000  }
0x117: {  	_ =	swait.ge [sflag:s3], $0x9000  }
0x118: {  	[sflag:s3] =	ssyncset.done $0x0  }
0x119: {  	[sflag:s3] =	ssyncadd.s32 $0xFFFF7000  }
0x11a: {  	_ =	swait.ge [sflag:s3], $0x9000  }
0x11b: {  	[sflag:s3] =	ssyncset.done $0x0  }
0x11c: {  	[sflag:s3] =	ssyncadd.s32 $0xFFFF7000  }
0x11d: {  	_ =	swait.ge [sflag:s3], $0x9000  }
0x11e: {  	[sflag:s3] =	ssyncset.done $0x0  }
0x11f: {  	[sflag:s3] =	ssyncadd.s32 $0xFFFF7000  }
0x120: {  	_ =	swait.ge [sflag:s3], $0x9000  }
0x121: {  	[sflag:s3] =	ssyncset.done $0x0  }
0x122: {  	[sflag:s3] =	ssyncadd.s32 $0xFFFF7000  }
0x123: {  	_ =	swait.ge [sflag:s3], $0x9000  }
0x124: {  	[sflag:s3] =	ssyncset.done $0x0  }
0x125: {  	[sflag:s3] =	ssyncadd.s32 $0xFFFF7000  }
0x126: {  	_ =	swait.ge [sflag:s3], $0x9000  }
0x127: {  	[sflag:s3] =	ssyncset.done $0x0  }
0x128: {  	[sflag:s3] =	ssyncadd.s32 $0xFFFF7000  }
0x129: {  	_ =	swait.ge [sflag:s3], $0x9000  }
0x12a: {  	[sflag:s3] =	ssyncset.done $0x0  }
0x12b: {  	[sflag:s3] =	ssyncadd.s32 $0xFFFF7000  }
0x12c: {  	_ =	swait.ge [sflag:s3], $0x9000  }
0x12d: {  	[sflag:s3] =	ssyncset.done $0x0  }
0x12e: {  	[sflag:s3] =	ssyncadd.s32 $0xFFFF7000  }
0x12f: {  	_ =	swait.ge [sflag:s3], $0x9000  }
0x130: {  	[sflag:s3] =	ssyncset.done $0x0  }
0x131: {  	[sflag:s3] =	ssyncadd.s32 $0xFFFF7000  }
0x132: {  	_ =	swait.ge [sflag:s3], $0x9000  }
0x133: {  	[sflag:s3] =	ssyncset.done $0x0  }
0x134: {  	[sflag:s3] =	ssyncadd.s32 $0xFFFF7000  }
0x135: {  	_ =	swait.ge [sflag:s3], $0x9000  }
0x136: {  	[sflag:s3] =	ssyncset.done $0x0  }
0x137: {  	s5 =	rddreg [dreg:$0xf];
	[sflag:s3] =	ssyncadd.s32 $0xFFFF7000  }
0x138: {  	[tilespmem:s2], [sflag:$0x2] =	stream.linear.gather [hbm4b:s5+s2], $0x11400, $0x38;
	[tilespmem:$0x11400] =	vst v63  }
0x139: {  	_ =	swait.ge [sflag:s17], $0x11400  }
0x13a: {  	[sflag:s17] =	ssyncset.done $0x0  }
0x13b: {  	s19 =	simm.s32 $0x8400;
	[sflag:s17] =	ssyncadd.s32 $0xFFFEEC00  }
0x13c: {  	[hbm4b:s31+s2] =	stream.linear.scatter [tilespmem:s19], [sflag:$0x1], $0x9000, $0x38;
	[tilespmem:$0x11400] =	vst v63  }
0x13d: {  	s0 =	rddreg [dreg:$0x10];
	s19 =	simm.s32 $0x7800  }
0x13e: {  	[hbm4b:s0+s2] =	stream.linear.scatter [tilespmem:s19], [sflag:$0x1], $0x9000, $0x38;
	[tilespmem:$0x11400] =	vst v63  }
0x13f: {  	s5 =	rddreg [dreg:$0x11]  }
0x140: {  	[hbm4b:s5+s2] =	stream.linear.scatter [tilespmem:s20], [sflag:$0x1], $0x9000, $0x38;
	[tilespmem:$0x11400] =	vst v63  }
0x141: {  	s0 =	rddreg [dreg:$0x12]  }
0x142: {  	[hbm4b:s0+s2] =	stream.linear.scatter [tilespmem:s21], [sflag:$0x1], $0x9000, $0x38;
	[tilespmem:$0x11400] =	vst v63  }
0x143: {  	s5 =	rddreg [dreg:$0x13]  }
0x144: {  	[hbm4b:s5+s2] =	stream.linear.scatter [tilespmem:s22], [sflag:$0x1], $0x9000, $0x38;
	[tilespmem:$0x11400] =	vst v63  }
0x145: {  	s0 =	rddreg [dreg:$0x14]  }
0x146: {  	[hbm4b:s0+s2] =	stream.linear.scatter [tilespmem:s23], [sflag:$0x1], $0x9000, $0x38;
	[tilespmem:$0x11400] =	vst v63  }
0x147: {  	s5 =	rddreg [dreg:$0x15]  }
0x148: {  	[hbm4b:s5+s2] =	stream.linear.scatter [tilespmem:s24], [sflag:$0x1], $0x9000, $0x38;
	[tilespmem:$0x11400] =	vst v63  }
0x149: {  	s0 =	rddreg [dreg:$0x16]  }
0x14a: {  	[hbm4b:s0+s2] =	stream.linear.scatter [tilespmem:s25], [sflag:$0x1], $0x9000, $0x38;
	[tilespmem:$0x11400] =	vst v63  }
0x14b: {  	s5 =	rddreg [dreg:$0x17]  }
0x14c: {  	[hbm4b:s5+s2] =	stream.linear.scatter [tilespmem:s26], [sflag:$0x1], $0x9000, $0x38;
	[tilespmem:$0x11400] =	vst v63  }
0x14d: {  	s0 =	rddreg [dreg:$0x18]  }
0x14e: {  	[hbm4b:s0+s2] =	stream.linear.scatter [tilespmem:s28], [sflag:$0x1], $0x9000, $0x38;
	[tilespmem:$0x11400] =	vst v63  }
0x14f: {  	s5 =	rddreg [dreg:$0x19]  }
0x150: {  	[hbm4b:s5+s2] =	stream.linear.scatter [tilespmem:s29], [sflag:$0x1], $0x9000, $0x38;
	[tilespmem:$0x11400] =	vst v63  }
0x151: {  	s0 =	rddreg [dreg:$0x1a]  }
0x152: {  	[hbm4b:s0+s2] =	stream.linear.scatter [tilespmem:s2], [sflag:$0x1], $0x9000, $0x38;
	[tilespmem:$0x11400] =	vst v63  }
0x153: {  	_ =	swait.ge [sflag:s3], $0x9000  }
0x154: {  	[sflag:s3] =	ssyncset.done $0x0  }
0x155: {  	[sflag:s3] =	ssyncadd.s32 $0xFFFF7000  }
0x156: {  	_ =	swait.ge [sflag:s3], $0x9000  }
0x157: {  	[sflag:s3] =	ssyncset.done $0x0  }
0x158: {  	[sflag:s3] =	ssyncadd.s32 $0xFFFF7000  }
0x159: {  	_ =	swait.ge [sflag:s3], $0x9000  }
0x15a: {  	[sflag:s3] =	ssyncset.done $0x0  }
0x15b: {  	[sflag:s3] =	ssyncadd.s32 $0xFFFF7000  }
0x15c: {  	_ =	swait.ge [sflag:s3], $0x9000  }
0x15d: {  	[sflag:s3] =	ssyncset.done $0x0  }
0x15e: {  	[sflag:s3] =	ssyncadd.s32 $0xFFFF7000  }
0x15f: {  	_ =	swait.ge [sflag:s3], $0x9000  }
0x160: {  	[sflag:s3] =	ssyncset.done $0x0  }
0x161: {  	[sflag:s3] =	ssyncadd.s32 $0xFFFF7000  }
0x162: {  	_ =	swait.ge [sflag:s3], $0x9000  }
0x163: {  	[sflag:s3] =	ssyncset.done $0x0  }
0x164: {  	[sflag:s3] =	ssyncadd.s32 $0xFFFF7000  }
0x165: {  	_ =	swait.ge [sflag:s3], $0x9000  }
0x166: {  	[sflag:s3] =	ssyncset.done $0x0  }
0x167: {  	[sflag:s3] =	ssyncadd.s32 $0xFFFF7000  }
0x168: {  	_ =	swait.ge [sflag:s3], $0x9000  }
0x169: {  	[sflag:s3] =	ssyncset.done $0x0  }
0x16a: {  	[sflag:s3] =	ssyncadd.s32 $0xFFFF7000  }
0x16b: {  	_ =	swait.ge [sflag:s3], $0x9000  }
0x16c: {  	[sflag:s3] =	ssyncset.done $0x0  }
0x16d: {  	[sflag:s3] =	ssyncadd.s32 $0xFFFF7000  }
0x16e: {  	_ =	swait.ge [sflag:s3], $0x9000  }
0x16f: {  	[sflag:s3] =	ssyncset.done $0x0  }
0x170: {  	[sflag:s3] =	ssyncadd.s32 $0xFFFF7000  }
0x171: {  	s5 =	smov.u32 s6;
	s6 =	smov.u32 s7;
	_ =	swait.ge [sflag:s3], $0x9000  }
0x172: {  	s7 =	smov.u32 s8;
	s8 =	smov.u32 s9;
	[sflag:s3] =	ssyncset.done $0x0  }
0x173: {  	s9 =	smov.u32 s10;
	s10 =	smov.u32 s11;
	[sflag:s3] =	ssyncadd.s32 $0xFFFF7000  }
0x174: {  	s11 =	smov.u32 s12;
	s12 =	smov.u32 s13;
	_ =	swait.ge [sflag:s3], $0x9000  }
0x175: {  	s13 =	smov.u32 s14;
	s14 =	smov.u32 s15;
	[sflag:s3] =	ssyncset.done $0x0  }
0x176: {  	s15 =	smov.u32 s16;
	s16 =	smov.u32 s4;
	[sflag:s3] =	ssyncadd.s32 $0xFFFF7000  }
0x177: {  	[tilespmem:s2], [sflag:$0x2] =	stream.linear.gather [hbm4b:s16+s2], $0x11400, $0x38;
	[tilespmem:$0x11400] =	vst v63  }
0x178: {  	_ =	swait.ge [sflag:s17], $0x11400  }
0x179: {  	s4 =	smov.u32 s30;
	[sflag:s17] =	ssyncset.done $0x0  }
0x17a: {  	s30 =	smov.u32 s18;
	s18 =	simm.s32 $0x8400;
	[sflag:s17] =	ssyncadd.s32 $0xFFFEEC00  }
0x17b: {  	[hbm4b:s4+s2] =	stream.linear.scatter [tilespmem:s18], [sflag:$0x1], $0x9000, $0x38;
	[tilespmem:$0x11400] =	vst v63  }
0x17c: {  	_ = 	snop  }
0x17d: {  	[hbm4b:s5+s2] =	stream.linear.scatter [tilespmem:s19], [sflag:$0x1], $0x9000, $0x38;
	[tilespmem:$0x11400] =	vst v63  }
0x17e: {  	_ = 	snop  }
0x17f: {  	[hbm4b:s6+s2] =	stream.linear.scatter [tilespmem:s20], [sflag:$0x1], $0x9000, $0x38;
	[tilespmem:$0x11400] =	vst v63  }
0x180: {  	_ = 	snop  }
0x181: {  	[hbm4b:s7+s2] =	stream.linear.scatter [tilespmem:s21], [sflag:$0x1], $0x9000, $0x38;
	[tilespmem:$0x11400] =	vst v63  }
0x182: {  	_ = 	snop  }
0x183: {  	[hbm4b:s8+s2] =	stream.linear.scatter [tilespmem:s22], [sflag:$0x1], $0x9000, $0x38;
	[tilespmem:$0x11400] =	vst v63  }
0x184: {  	_ = 	snop  }
0x185: {  	[hbm4b:s9+s2] =	stream.linear.scatter [tilespmem:s23], [sflag:$0x1], $0x9000, $0x38;
	[tilespmem:$0x11400] =	vst v63  }
0x186: {  	_ = 	snop  }
0x187: {  	[hbm4b:s10+s2] =	stream.linear.scatter [tilespmem:s24], [sflag:$0x1], $0x9000, $0x38;
	[tilespmem:$0x11400] =	vst v63  }
0x188: {  	_ = 	snop  }
0x189: {  	[hbm4b:s11+s2] =	stream.linear.scatter [tilespmem:s25], [sflag:$0x1], $0x9000, $0x38;
	[tilespmem:$0x11400] =	vst v63  }
0x18a: {  	_ = 	snop  }
0x18b: {  	[hbm4b:s12+s2] =	stream.linear.scatter [tilespmem:s26], [sflag:$0x1], $0x9000, $0x38;
	[tilespmem:$0x11400] =	vst v63  }
0x18c: {  	_ = 	snop  }
0x18d: {  	[hbm4b:s13+s2] =	stream.linear.scatter [tilespmem:s28], [sflag:$0x1], $0x9000, $0x38;
	[tilespmem:$0x11400] =	vst v63  }
0x18e: {  	_ = 	snop  }
0x18f: {  	[hbm4b:s14+s2] =	stream.linear.scatter [tilespmem:s29], [sflag:$0x1], $0x9000, $0x38;
	[tilespmem:$0x11400] =	vst v63  }
0x190: {  	_ = 	snop  }
0x191: {  	[hbm4b:s15+s2] =	stream.linear.scatter [tilespmem:s2], [sflag:$0x1], $0x9000, $0x38;
	[tilespmem:$0x11400] =	vst v63  }
0x192: {  	_ =	swait.ge [sflag:s3], $0x9000  }
0x193: {  	[sflag:s3] =	ssyncset.done $0x0  }
0x194: {  	[sflag:s3] =	ssyncadd.s32 $0xFFFF7000  }
0x195: {  	_ =	swait.ge [sflag:s3], $0x9000  }
0x196: {  	[sflag:s3] =	ssyncset.done $0x0  }
0x197: {  	[sflag:s3] =	ssyncadd.s32 $0xFFFF7000  }
0x198: {  	_ =	swait.ge [sflag:s3], $0x9000  }
0x199: {  	[sflag:s3] =	ssyncset.done $0x0  }
0x19a: {  	[sflag:s3] =	ssyncadd.s32 $0xFFFF7000  }
0x19b: {  	_ =	swait.ge [sflag:s3], $0x9000  }
0x19c: {  	[sflag:s3] =	ssyncset.done $0x0  }
0x19d: {  	[sflag:s3] =	ssyncadd.s32 $0xFFFF7000  }
0x19e: {  	_ =	swait.ge [sflag:s3], $0x9000  }
0x19f: {  	[sflag:s3] =	ssyncset.done $0x0  }
0x1a0: {  	[sflag:s3] =	ssyncadd.s32 $0xFFFF7000  }
0x1a1: {  	_ =	swait.ge [sflag:s3], $0x9000  }
0x1a2: {  	[sflag:s3] =	ssyncset.done $0x0  }
0x1a3: {  	[sflag:s3] =	ssyncadd.s32 $0xFFFF7000  }
0x1a4: {  	_ =	swait.ge [sflag:s3], $0x9000  }
0x1a5: {  	[sflag:s3] =	ssyncset.done $0x0  }
0x1a6: {  	[sflag:s3] =	ssyncadd.s32 $0xFFFF7000  }
0x1a7: {  	_ =	swait.ge [sflag:s3], $0x9000  }
0x1a8: {  	[sflag:s3] =	ssyncset.done $0x0  }
0x1a9: {  	[sflag:s3] =	ssyncadd.s32 $0xFFFF7000  }
0x1aa: {  	_ =	swait.ge [sflag:s3], $0x9000  }
0x1ab: {  	[sflag:s3] =	ssyncset.done $0x0  }
0x1ac: {  	[sflag:s3] =	ssyncadd.s32 $0xFFFF7000  }
0x1ad: {  	_ =	swait.ge [sflag:s3], $0x9000  }
0x1ae: {  	[sflag:s3] =	ssyncset.done $0x0  }
0x1af: {  	p1 =	sne.s32 s1, $0x1;
	[sflag:s3] =	ssyncadd.s32 $0xFFFF7000  }
.Ltmp2:
0x1b0: {  	_ =	swait.ge [sflag:s3], $0x9000;
	(pc) =	sbr.rel @p1 .LBB2_2-.Ltmp2, $4  }
0x1b1: {  	[sflag:s3] =	ssyncset.done $0x0  }
0x1b2: {  	[sflag:s3] =	ssyncadd.s32 $0xFFFF7000  }
0x1b3: {  	_ =	swait.ge [sflag:s3], $0x9000  }
0x1b4: {  	s1 =	sadd.s32 $0xFFFFFFFF, s1;
	s0 =	rddreg [dreg:$0x3];
	[sflag:s3] =	ssyncset.done $0x0  }
.LBB2_3:
0x1b5: {  	[sflag:s3] =	ssyncadd.s32 @p0 $0xFFFF7000  }
0x1b6: {  	[tilespmem:s2], [sflag:$0x2] =	stream.linear.gather [hbm4b:s0+s2], $0x11400, $0x38;
	[tilespmem:$0x11400] =	vst v63  }
0x1b7: {  	_ =	swait.ge [sflag:s17], $0x11400  }
0x1b8: {  	[sflag:s17] =	ssyncset.done $0x0  }
0x1b9: {  	[sflag:s17] =	ssyncadd.s32 $0xFFFEEC00  }
0x1ba: {  	[hbm4b:s30+s2] =	stream.linear.scatter [tilespmem:s18], [sflag:$0x1], $0x9000, $0x38;
	[tilespmem:$0x11400] =	vst v63  }
0x1bb: {  	s0 =	rddreg [dreg:$0x4]  }
0x1bc: {  	[hbm4b:s0+s2] =	stream.linear.scatter [tilespmem:s19], [sflag:$0x1], $0x9000, $0x38;
	[tilespmem:$0x11400] =	vst v63  }
0x1bd: {  	s1 =	rddreg [dreg:$0x5]  }
0x1be: {  	[hbm4b:s1+s2] =	stream.linear.scatter [tilespmem:s20], [sflag:$0x1], $0x9000, $0x38;
	[tilespmem:$0x11400] =	vst v63  }
0x1bf: {  	s30 =	rddreg [dreg:$0x6]  }
0x1c0: {  	[hbm4b:s30+s2] =	stream.linear.scatter [tilespmem:s21], [sflag:$0x1], $0x9000, $0x38;
	[tilespmem:$0x11400] =	vst v63  }
0x1c1: {  	s1 =	rddreg [dreg:$0x7]  }
0x1c2: {  	[hbm4b:s1+s2] =	stream.linear.scatter [tilespmem:s22], [sflag:$0x1], $0x9000, $0x38;
	[tilespmem:$0x11400] =	vst v63  }
0x1c3: {  	s30 =	rddreg [dreg:$0x8]  }
0x1c4: {  	[hbm4b:s30+s2] =	stream.linear.scatter [tilespmem:s23], [sflag:$0x1], $0x9000, $0x38;
	[tilespmem:$0x11400] =	vst v63  }
0x1c5: {  	s1 =	rddreg [dreg:$0x9]  }
0x1c6: {  	[hbm4b:s1+s2] =	stream.linear.scatter [tilespmem:s24], [sflag:$0x1], $0x9000, $0x38;
	[tilespmem:$0x11400] =	vst v63  }
0x1c7: {  	s30 =	rddreg [dreg:$0xa]  }
0x1c8: {  	[hbm4b:s30+s2] =	stream.linear.scatter [tilespmem:s25], [sflag:$0x1], $0x9000, $0x38;
	[tilespmem:$0x11400] =	vst v63  }
0x1c9: {  	s1 =	rddreg [dreg:$0xb]  }
0x1ca: {  	[hbm4b:s1+s2] =	stream.linear.scatter [tilespmem:s26], [sflag:$0x1], $0x9000, $0x38;
	[tilespmem:$0x11400] =	vst v63  }
0x1cb: {  	s30 =	rddreg [dreg:$0xc]  }
0x1cc: {  	[hbm4b:s30+s2] =	stream.linear.scatter [tilespmem:s28], [sflag:$0x1], $0x9000, $0x38;
	[tilespmem:$0x11400] =	vst v63  }
0x1cd: {  	s1 =	rddreg [dreg:$0xd]  }
0x1ce: {  	[hbm4b:s1+s2] =	stream.linear.scatter [tilespmem:s29], [sflag:$0x1], $0x9000, $0x38;
	[tilespmem:$0x11400] =	vst v63  }
0x1cf: {  	s30 =	rddreg [dreg:$0xe]  }
0x1d0: {  	[hbm4b:s30+s2] =	stream.linear.scatter [tilespmem:s2], [sflag:$0x1], $0x9000, $0x38;
	[tilespmem:$0x11400] =	vst v63  }
0x1d1: {  	_ =	swait.ge [sflag:s3], $0x9000  }
0x1d2: {  	[sflag:s3] =	ssyncset.done $0x0  }
0x1d3: {  	[sflag:s3] =	ssyncadd.s32 $0xFFFF7000  }
0x1d4: {  	_ =	swait.ge [sflag:s3], $0x9000  }
0x1d5: {  	[sflag:s3] =	ssyncset.done $0x0  }
0x1d6: {  	[sflag:s3] =	ssyncadd.s32 $0xFFFF7000  }
0x1d7: {  	_ =	swait.ge [sflag:s3], $0x9000  }
0x1d8: {  	[sflag:s3] =	ssyncset.done $0x0  }
0x1d9: {  	[sflag:s3] =	ssyncadd.s32 $0xFFFF7000  }
0x1da: {  	_ =	swait.ge [sflag:s3], $0x9000  }
0x1db: {  	[sflag:s3] =	ssyncset.done $0x0  }
0x1dc: {  	[sflag:s3] =	ssyncadd.s32 $0xFFFF7000  }
0x1dd: {  	_ =	swait.ge [sflag:s3], $0x9000  }
0x1de: {  	[sflag:s3] =	ssyncset.done $0x0  }
0x1df: {  	[sflag:s3] =	ssyncadd.s32 $0xFFFF7000  }
0x1e0: {  	_ =	swait.ge [sflag:s3], $0x9000  }
0x1e1: {  	[sflag:s3] =	ssyncset.done $0x0  }
0x1e2: {  	[sflag:s3] =	ssyncadd.s32 $0xFFFF7000  }
0x1e3: {  	_ =	swait.ge [sflag:s3], $0x9000  }
0x1e4: {  	[sflag:s3] =	ssyncset.done $0x0  }
0x1e5: {  	[sflag:s3] =	ssyncadd.s32 $0xFFFF7000  }
0x1e6: {  	_ =	swait.ge [sflag:s3], $0x9000  }
0x1e7: {  	[sflag:s3] =	ssyncset.done $0x0  }
0x1e8: {  	[sflag:s3] =	ssyncadd.s32 $0xFFFF7000  }
0x1e9: {  	_ =	swait.ge [sflag:s3], $0x9000  }
0x1ea: {  	[sflag:s3] =	ssyncset.done $0x0  }
0x1eb: {  	[sflag:s3] =	ssyncadd.s32 $0xFFFF7000  }
0x1ec: {  	_ =	swait.ge [sflag:s3], $0x9000  }
0x1ed: {  	[sflag:s3] =	ssyncset.done $0x0  }
0x1ee: {  	[sflag:s3] =	ssyncadd.s32 $0xFFFF7000  }
0x1ef: {  	_ =	swait.ge [sflag:s3], $0x9000  }
0x1f0: {  	[sflag:s3] =	ssyncset.done $0x0  }
0x1f1: {  	[sflag:s3] =	ssyncadd.s32 $0xFFFF7000  }
0x1f2: {  	_ =	swait.ge [sflag:s3], $0x9000  }
0x1f3: {  	[sflag:s3] =	ssyncset.done $0x0  }
0x1f4: {  	s1 =	rddreg [dreg:$0xf];
	[sflag:s3] =	ssyncadd.s32 $0xFFFF7000  }
0x1f5: {  	[tilespmem:s2], [sflag:$0x2] =	stream.linear.gather [hbm4b:s1+s2], $0x11400, $0x38;
	[tilespmem:$0x11400] =	vst v63  }
0x1f6: {  	_ =	swait.ge [sflag:s17], $0x11400  }
0x1f7: {  	[sflag:s17] =	ssyncset.done $0x0  }
0x1f8: {  	[sflag:s17] =	ssyncadd.s32 $0xFFFEEC00  }
0x1f9: {  	[hbm4b:s31+s2] =	stream.linear.scatter [tilespmem:s18], [sflag:$0x1], $0x9000, $0x38;
	[tilespmem:$0x11400] =	vst v63  }
0x1fa: {  	s30 =	rddreg [dreg:$0x10]  }
0x1fb: {  	[hbm4b:s30+s2] =	stream.linear.scatter [tilespmem:s19], [sflag:$0x1], $0x9000, $0x38;
	[tilespmem:$0x11400] =	vst v63  }
0x1fc: {  	s31 =	rddreg [dreg:$0x11]  }
0x1fd: {  	[hbm4b:s31+s2] =	stream.linear.scatter [tilespmem:s20], [sflag:$0x1], $0x9000, $0x38;
	[tilespmem:$0x11400] =	vst v63  }
0x1fe: {  	s30 =	rddreg [dreg:$0x12]  }
0x1ff: {  	[hbm4b:s30+s2] =	stream.linear.scatter [tilespmem:s21], [sflag:$0x1], $0x9000, $0x38;
	[tilespmem:$0x11400] =	vst v63  }
0x200: {  	s31 =	rddreg [dreg:$0x13]  }
0x201: {  	[hbm4b:s31+s2] =	stream.linear.scatter [tilespmem:s22], [sflag:$0x1], $0x9000, $0x38;
	[tilespmem:$0x11400] =	vst v63  }
0x202: {  	s30 =	rddreg [dreg:$0x14]  }
0x203: {  	[hbm4b:s30+s2] =	stream.linear.scatter [tilespmem:s23], [sflag:$0x1], $0x9000, $0x38;
	[tilespmem:$0x11400] =	vst v63  }
0x204: {  	s31 =	rddreg [dreg:$0x15]  }
0x205: {  	[hbm4b:s31+s2] =	stream.linear.scatter [tilespmem:s24], [sflag:$0x1], $0x9000, $0x38;
	[tilespmem:$0x11400] =	vst v63  }
0x206: {  	s30 =	rddreg [dreg:$0x16]  }
0x207: {  	[hbm4b:s30+s2] =	stream.linear.scatter [tilespmem:s25], [sflag:$0x1], $0x9000, $0x38;
	[tilespmem:$0x11400] =	vst v63  }
0x208: {  	s31 =	rddreg [dreg:$0x17]  }
0x209: {  	[hbm4b:s31+s2] =	stream.linear.scatter [tilespmem:s26], [sflag:$0x1], $0x9000, $0x38;
	[tilespmem:$0x11400] =	vst v63  }
0x20a: {  	s30 =	rddreg [dreg:$0x18]  }
0x20b: {  	[hbm4b:s30+s2] =	stream.linear.scatter [tilespmem:s28], [sflag:$0x1], $0x9000, $0x38;
	[tilespmem:$0x11400] =	vst v63  }
0x20c: {  	s31 =	rddreg [dreg:$0x19]  }
0x20d: {  	[hbm4b:s31+s2] =	stream.linear.scatter [tilespmem:s29], [sflag:$0x1], $0x9000, $0x38;
	[tilespmem:$0x11400] =	vst v63  }
0x20e: {  	s30 =	rddreg [dreg:$0x1a]  }
0x20f: {  	[hbm4b:s30+s2] =	stream.linear.scatter [tilespmem:s2], [sflag:$0x1], $0x9000, $0x38;
	[tilespmem:$0x11400] =	vst v63  }
0x210: {  	_ =	swait.ge [sflag:s3], $0x9000  }
0x211: {  	[sflag:s3] =	ssyncset.done $0x0  }
0x212: {  	[sflag:s3] =	ssyncadd.s32 $0xFFFF7000  }
0x213: {  	_ =	swait.ge [sflag:s3], $0x9000  }
0x214: {  	[sflag:s3] =	ssyncset.done $0x0  }
0x215: {  	[sflag:s3] =	ssyncadd.s32 $0xFFFF7000  }
0x216: {  	_ =	swait.ge [sflag:s3], $0x9000  }
0x217: {  	[sflag:s3] =	ssyncset.done $0x0  }
0x218: {  	[sflag:s3] =	ssyncadd.s32 $0xFFFF7000  }
0x219: {  	_ =	swait.ge [sflag:s3], $0x9000  }
0x21a: {  	[sflag:s3] =	ssyncset.done $0x0  }
0x21b: {  	[sflag:s3] =	ssyncadd.s32 $0xFFFF7000  }
0x21c: {  	_ =	swait.ge [sflag:s3], $0x9000  }
0x21d: {  	[sflag:s3] =	ssyncset.done $0x0  }
0x21e: {  	[sflag:s3] =	ssyncadd.s32 $0xFFFF7000  }
0x21f: {  	_ =	swait.ge [sflag:s3], $0x9000  }
0x220: {  	[sflag:s3] =	ssyncset.done $0x0  }
0x221: {  	[sflag:s3] =	ssyncadd.s32 $0xFFFF7000  }
0x222: {  	_ =	swait.ge [sflag:s3], $0x9000  }
0x223: {  	[sflag:s3] =	ssyncset.done $0x0  }
0x224: {  	[sflag:s3] =	ssyncadd.s32 $0xFFFF7000  }
0x225: {  	_ =	swait.ge [sflag:s3], $0x9000  }
0x226: {  	[sflag:s3] =	ssyncset.done $0x0  }
0x227: {  	[sflag:s3] =	ssyncadd.s32 $0xFFFF7000  }
0x228: {  	_ =	swait.ge [sflag:s3], $0x9000  }
0x229: {  	[sflag:s3] =	ssyncset.done $0x0  }
0x22a: {  	[sflag:s3] =	ssyncadd.s32 $0xFFFF7000  }
0x22b: {  	_ =	swait.ge [sflag:s3], $0x9000  }
0x22c: {  	[sflag:s3] =	ssyncset.done $0x0  }
0x22d: {  	[sflag:s3] =	ssyncadd.s32 $0xFFFF7000  }
0x22e: {  	_ =	swait.ge [sflag:s3], $0x9000  }
0x22f: {  	[sflag:s3] =	ssyncset.done $0x0  }
0x230: {  	[sflag:s3] =	ssyncadd.s32 $0xFFFF7000  }
0x231: {  	_ =	swait.ge [sflag:s3], $0x9000  }
0x232: {  	[sflag:s3] =	ssyncset.done $0x0  }
0x233: {  	[sflag:s3] =	ssyncadd.s32 $0xFFFF7000  }
0x234: {  	[tilespmem:s2], [sflag:$0x2] =	stream.linear.gather [hbm4b:s16+s2], $0x11400, $0x38;
	[tilespmem:$0x11400] =	vst v63  }
0x235: {  	_ =	swait.ge [sflag:s17], $0x11400  }
0x236: {  	[sflag:s17] =	ssyncset.done $0x0  }
0x237: {  	[sflag:s17] =	ssyncadd.s32 $0xFFFEEC00  }
0x238: {  	[hbm4b:s4+s2] =	stream.linear.scatter [tilespmem:s18], [sflag:$0x1], $0x9000, $0x38;
	[tilespmem:$0x11400] =	vst v63  }
0x239: {  	_ = 	snop  }
0x23a: {  	[hbm4b:s5+s2] =	stream.linear.scatter [tilespmem:s19], [sflag:$0x1], $0x9000, $0x38;
	[tilespmem:$0x11400] =	vst v63  }
0x23b: {  	_ = 	snop  }
0x23c: {  	[hbm4b:s6+s2] =	stream.linear.scatter [tilespmem:s20], [sflag:$0x1], $0x9000, $0x38;
	[tilespmem:$0x11400] =	vst v63  }
0x23d: {  	_ = 	snop  }
0x23e: {  	[hbm4b:s7+s2] =	stream.linear.scatter [tilespmem:s21], [sflag:$0x1], $0x9000, $0x38;
	[tilespmem:$0x11400] =	vst v63  }
0x23f: {  	_ = 	snop  }
0x240: {  	[hbm4b:s8+s2] =	stream.linear.scatter [tilespmem:s22], [sflag:$0x1], $0x9000, $0x38;
	[tilespmem:$0x11400] =	vst v63  }
0x241: {  	_ = 	snop  }
0x242: {  	[hbm4b:s9+s2] =	stream.linear.scatter [tilespmem:s23], [sflag:$0x1], $0x9000, $0x38;
	[tilespmem:$0x11400] =	vst v63  }
0x243: {  	_ = 	snop  }
0x244: {  	[hbm4b:s10+s2] =	stream.linear.scatter [tilespmem:s24], [sflag:$0x1], $0x9000, $0x38;
	[tilespmem:$0x11400] =	vst v63  }
0x245: {  	_ = 	snop  }
0x246: {  	[hbm4b:s11+s2] =	stream.linear.scatter [tilespmem:s25], [sflag:$0x1], $0x9000, $0x38;
	[tilespmem:$0x11400] =	vst v63  }
0x247: {  	_ = 	snop  }
0x248: {  	[hbm4b:s12+s2] =	stream.linear.scatter [tilespmem:s26], [sflag:$0x1], $0x9000, $0x38;
	[tilespmem:$0x11400] =	vst v63  }
0x249: {  	_ = 	snop  }
0x24a: {  	[hbm4b:s13+s2] =	stream.linear.scatter [tilespmem:s28], [sflag:$0x1], $0x9000, $0x38;
	[tilespmem:$0x11400] =	vst v63  }
0x24b: {  	_ = 	snop  }
0x24c: {  	[hbm4b:s14+s2] =	stream.linear.scatter [tilespmem:s29], [sflag:$0x1], $0x9000, $0x38;
	[tilespmem:$0x11400] =	vst v63  }
0x24d: {  	_ = 	snop  }
0x24e: {  	[hbm4b:s15+s2] =	stream.linear.scatter [tilespmem:s2], [sflag:$0x1], $0x9000, $0x38;
	[tilespmem:$0x11400] =	vst v63  }
0x24f: {  	_ =	swait.ge [sflag:s3], $0x9000  }
0x250: {  	[sflag:s3] =	ssyncset.done $0x0  }
0x251: {  	[sflag:s3] =	ssyncadd.s32 $0xFFFF7000  }
0x252: {  	_ =	swait.ge [sflag:s3], $0x9000  }
0x253: {  	[sflag:s3] =	ssyncset.done $0x0  }
0x254: {  	[sflag:s3] =	ssyncadd.s32 $0xFFFF7000  }
0x255: {  	_ =	swait.ge [sflag:s3], $0x9000  }
0x256: {  	[sflag:s3] =	ssyncset.done $0x0  }
0x257: {  	[sflag:s3] =	ssyncadd.s32 $0xFFFF7000  }
0x258: {  	_ =	swait.ge [sflag:s3], $0x9000  }
0x259: {  	[sflag:s3] =	ssyncset.done $0x0  }
0x25a: {  	[sflag:s3] =	ssyncadd.s32 $0xFFFF7000  }
0x25b: {  	_ =	swait.ge [sflag:s3], $0x9000  }
0x25c: {  	[sflag:s3] =	ssyncset.done $0x0  }
0x25d: {  	[sflag:s3] =	ssyncadd.s32 $0xFFFF7000  }
0x25e: {  	_ =	swait.ge [sflag:s3], $0x9000  }
0x25f: {  	[sflag:s3] =	ssyncset.done $0x0  }
0x260: {  	[sflag:s3] =	ssyncadd.s32 $0xFFFF7000  }
0x261: {  	_ =	swait.ge [sflag:s3], $0x9000  }
0x262: {  	[sflag:s3] =	ssyncset.done $0x0  }
0x263: {  	[sflag:s3] =	ssyncadd.s32 $0xFFFF7000  }
0x264: {  	_ =	swait.ge [sflag:s3], $0x9000  }
0x265: {  	[sflag:s3] =	ssyncset.done $0x0  }
0x266: {  	[sflag:s3] =	ssyncadd.s32 $0xFFFF7000  }
0x267: {  	_ =	swait.ge [sflag:s3], $0x9000  }
0x268: {  	[sflag:s3] =	ssyncset.done $0x0  }
0x269: {  	[sflag:s3] =	ssyncadd.s32 $0xFFFF7000  }
0x26a: {  	_ =	swait.ge [sflag:s3], $0x9000  }
0x26b: {  	[sflag:s3] =	ssyncset.done $0x0  }
0x26c: {  	[sflag:s3] =	ssyncadd.s32 $0xFFFF7000  }
0x26d: {  	_ =	swait.ge [sflag:s3], $0x9000  }
0x26e: {  	[sflag:s3] =	ssyncset.done $0x0  }
0x26f: {  	[sflag:s3] =	ssyncadd.s32 $0xFFFF7000  }
0x270: {  	_ =	swait.ge [sflag:s3], $0x9000  }
0x271: {  	[sflag:s3] =	ssyncset.done $0x0  }
0x272: {  	[sflag:s3] =	ssyncadd.s32 $0xFFFF7000  }
0x273: {  	_ =	sfence.sel $0x180000  }
0x274: {  	[bflag:$0x0] =	sbarrier.arrive $0xFFFF  }
0x275: {  	_ =	strace $0x90000047  }
0x276: {  	s31 =	stileid.u32;
	[bflag:$0x2] =	sbarrier.arrive $0xFFFF  }
0x277: {  	p0 =	sne.s32 s31, $0x0;
	s0 =	rddreg [dreg:$0x2]  }
0x278: {  	s0 =	sadd.s32 @!p0 $0x100000, s0  }
0x279: {  	[sflag:s0] =	ssyncadd.tile.s32 @!p0 $0x1;
	_ =	shalt  }
.Lfunc_end2:
_tile_overlayer_lowered:
.L_overlay_start_2:
0x27a: {  	(tag) =	ssettag $0x2  }
0x27b: {  	s0 =	rddreg [dreg:$0x0];
	s2 =	stileid.u32  }
0x27c: {  	s1 =	rddreg [dreg:$0x1];
	p0 =	sne.s32 s2, $0x0  }
0x27d: {  	s3 =	rddreg [dreg:$0x2];
	[bflag:$0x3] =	sbarrier.arrive $0xFFFF;
	s2 =	simm.s32 @!p0 $0x1C02  }
0x27e: {  	[timem:s3], [sflag:s2] =	dma.local @!p0 [hbm:s0], s1  }
0x27f: {  	s0 =	simm.s32 @!p0 $0x2  }
0x280: {  	_ =	swait.ge @!p0 [sflag:s0], s1  }
0x281: {  	s1 =	ssub.s32 @!p0 $0x0, s1;
	[sflag:s0] =	ssyncset.done @!p0 $0x0  }
0x282: {  	[sflag:s0] =	ssyncadd.s32 @!p0 s1  }
0x283: {  	[bflag:$0x3] =	sbarrier.arrive $0xFFFF  }
0x284: {  	_ =	shalt  }

</sc_bundles>
